<compile_context>
chip_gen: v7x
topology: tpu7x:2x2x1
jax: 0.10.2.dev20260603
libtpu: 0.0.44.dev20260713+nightly
codegen_flags: <defaults>
</compile_context>

<pallas_src>
import functools

import jax
import jax.numpy as jnp
from jax import lax
from jax.experimental import pallas as pl
from jax.experimental.pallas import tpu as pltpu
from jax.experimental.pallas import tpu_sc as plsc


_CH = 16


def _tc_body(zt_ref, w1t_ref, b1c_ref, w2t_ref, b2c_ref, cb_ref,
             w3_ref, b3_ref, idx_ref, lut_ref, aug_ref):
    i = pl.program_id(0)
    k = cb_ref.shape[0]
    h = cb_ref.shape[1]

    @pl.when(i == 0)
    def _():
        cb = cb_ref[...]
        lut_ref[...] = (jnp.dot(cb, w3_ref[...],
                                preferred_element_type=jnp.float32)
                        + b3_ref[...])
        cc = jnp.sum(cb * cb, axis=1, keepdims=True)
        cc1 = cc.astype(jnp.bfloat16).astype(jnp.float32)
        r1 = cc - cc1
        cc2 = r1.astype(jnp.bfloat16).astype(jnp.float32)
        cc3 = (r1 - cc2).astype(jnp.bfloat16).astype(jnp.float32)
        lane = lax.broadcasted_iota(jnp.int32, (k, h), 1)
        hi = jnp.where(lane == 0, cc1,
                       jnp.where(lane == 1, cc2,
                                 jnp.where(lane == 2, cc3, 0.0)))
        aug_ref[:, 0:h] = cb.astype(jnp.bfloat16)
        aug_ref[:, h:2 * h] = hi.astype(jnp.bfloat16)

    h1 = jnp.dot(w1t_ref[...], zt_ref[...], preferred_element_type=jnp.float32)
    a1 = jnp.maximum(h1 + b1c_ref[...], 0.0)
    h2 = jnp.dot(w2t_ref[...], a1, preferred_element_type=jnp.float32)
    a2 = jnp.maximum(h2 + b2c_ref[...], 0.0)

    sub = lax.broadcasted_iota(jnp.int32, a2.shape, 0)
    ones3 = jnp.where(sub < 3, 1.0, 0.0)
    rhs = jnp.concatenate([a2 * -2.0, ones3], axis=0)
    s = jnp.dot(aug_ref[...], rhs.astype(jnp.bfloat16),
                preferred_element_type=jnp.float32)

    acc_v = s[0:_CH, :]
    acc_c = jnp.zeros(acc_v.shape, jnp.int32)
    for j in range(1, k // _CH):
        sc = s[j * _CH:(j + 1) * _CH, :]
        lt = sc < acc_v
        acc_v = jnp.minimum(acc_v, sc)
        acc_c = jnp.where(lt, j, acc_c)
    m = jnp.min(acc_v, axis=0, keepdims=True)
    kpos = acc_c * _CH + lax.broadcasted_iota(jnp.int32, acc_c.shape, 0)
    cand = jnp.where(acc_v == m, kpos, k)
    idx = jnp.min(cand, axis=0, keepdims=True)
    idx_ref[...] = idx.reshape(idx_ref.shape)


def _encode_and_lut(zt, w1t, b1c, w2t, b2c, cb, w3p, b3r, *, rows):
    n = zt.shape[1]
    k = cb.shape[0]
    nbp = w3p.shape[1]
    grid = (n // rows,)
    return pl.pallas_call(
        _tc_body,
        grid=grid,
        in_specs=[
            pl.BlockSpec((zt.shape[0], rows), lambda i: (0, i)),
            pl.BlockSpec(w1t.shape, lambda i: (0, 0)),
            pl.BlockSpec(b1c.shape, lambda i: (0, 0)),
            pl.BlockSpec(w2t.shape, lambda i: (0, 0)),
            pl.BlockSpec(b2c.shape, lambda i: (0, 0)),
            pl.BlockSpec(cb.shape, lambda i: (0, 0)),
            pl.BlockSpec(w3p.shape, lambda i: (0, 0)),
            pl.BlockSpec(b3r.shape, lambda i: (0, 0)),
        ],
        out_specs=[
            pl.BlockSpec((rows,), lambda i: (i,)),
            pl.BlockSpec((k, nbp), lambda i: (0, 0)),
        ],
        out_shape=[
            jax.ShapeDtypeStruct((n,), jnp.int32),
            jax.ShapeDtypeStruct((k, nbp), jnp.float32),
        ],
        scratch_shapes=[pltpu.VMEM((k, 2 * cb.shape[1]), jnp.bfloat16)],
    )(zt, w1t, b1c, w2t, b2c, cb, w3p, b3r)


def _sc_gather(lutp, idx1, nb, sym):
    n = idx1.shape[0]
    rows_per_tile = n // 32
    batches_per_tile = rows_per_tile // sym
    cols = sym * nb

    mesh = plsc.VectorSubcoreMesh(core_axis_name="c", subcore_axis_name="s")

    @functools.partial(
        pl.kernel,
        mesh=mesh,
        compiler_params=pltpu.CompilerParams(needs_layout_passes=False),
        out_type=jax.ShapeDtypeStruct((n // sym, cols), jnp.float32),
        scratch_types=[
            pltpu.VMEM(lutp.shape, jnp.float32),
            pltpu.VMEM((rows_per_tile,), jnp.int32),
            pltpu.VMEM((batches_per_tile, cols), jnp.float32),
            pltpu.SemaphoreType.DMA,
        ],
    )
    def k(lut_hbm, idx_hbm, out_hbm, lut_v, idx_v, out_v, sem):
        wid = lax.axis_index("s") * 2 + lax.axis_index("c")
        cp = pltpu.async_copy(lut_hbm, lut_v, sem)
        pltpu.sync_copy(idx_hbm.at[pl.ds(wid * rows_per_tile, rows_per_tile)],
                        idx_v)
        cp.wait()
        lane6 = lax.iota(jnp.int32, 16) * nb

        def row_body(row, carry):
            for g in range(8):
                base = row * 128 + g * 16
                iv = idx_v[pl.ds(base, 16)]
                ivd = lax.shift_right_logical(iv, 3)
                ivm = lax.shift_left(jnp.bitwise_and(iv, 7), 4)
                brow = lax.div(base, sym)
                colb = lax.rem(base, sym) * nb
                idx0 = jnp.full((16,), brow, jnp.int32)
                for j in range(nb):
                    vals = plsc.load_gather(lut_v, [ivd, ivm + j])
                    plsc.store_scatter(out_v, [idx0, lane6 + (colb + j)], vals)
            return carry

        lax.fori_loop(0, rows_per_tile // 128, row_body, 0)
        pltpu.sync_copy(out_v,
                        out_hbm.at[pl.ds(wid * batches_per_tile,
                                         batches_per_tile)])

    return k(lutp, idx1)


def kernel(z, W1, b1, W2, b2, W3, b3, codebook):
    bsz, s, f = z.shape
    h = W1.shape[1]
    nb = W3.shape[1]
    n = bsz * s

    zt = jnp.pad(z.reshape(n, f), ((0, 0), (0, 8 - f))).T
    w1t = jnp.pad(W1, ((0, 8 - f), (0, 0))).T
    w3p = jnp.pad(W3, ((0, 0), (0, 16 - nb)))
    b3r = jnp.pad(b3, ((0, 16 - nb),)).reshape(1, 16)
    b1c = b1.reshape(h, 1)
    b2c = b2.reshape(h, 1)

    idx1, lutb = _encode_and_lut(zt, w1t, b1c, w2t=W2.T, b2c=b2c,
                                 cb=codebook, w3p=w3p, b3r=b3r, rows=2048)
    lutp = lutb.reshape(-1, 128)
    return _sc_gather(lutp, idx1, nb, s)

# --- scband reference (transcript-rebuilt; emitter-appended) ---
"""Pipeline reference for scband-e2-ebolt-conventional-training-63050119905629 (READ-ONLY COPY).

The authoritative reference and input builder live on the scoring server;
editing this copy changes nothing except your own understanding.
"""

import jax, jax.numpy as jnp
import numpy as np

B = 128          # batch_size
S = 256          # num_symbols_per_codeword
F = 3            # stacked features: real(y), imag(y), no_db
H = 128          # hidden width of demapper MLP
NB = 6           # num_bits_per_symbol (output per symbol)
K = 4096         # ncentroids of the Bolt/VQ approximate matmul


def setup_inputs(seed: int = 0) -> dict:
    key = jax.random.key(seed)
    ks = jax.random.split(key, 8)
    z = jax.random.normal(ks[0], (B, S, F), dtype=jnp.float32)
    W1 = jax.random.normal(ks[1], (F, H), dtype=jnp.float32) * 0.3
    b1 = jnp.zeros((H,), dtype=jnp.float32)
    W2 = jax.random.normal(ks[2], (H, H), dtype=jnp.float32) * 0.08
    b2 = jnp.zeros((H,), dtype=jnp.float32)
    W3 = jax.random.normal(ks[3], (H, NB), dtype=jnp.float32) * 0.08
    b3 = jnp.zeros((NB,), dtype=jnp.float32)
    codebook = jax.random.normal(ks[4], (K, H), dtype=jnp.float32)
    return {"z": z, "W1": W1, "b1": b1, "W2": W2, "b2": b2,
            "W3": W3, "b3": b3, "codebook": codebook}


def reference(z, W1, b1, W2, b2, W3, b3, codebook):
    # Demapper MLP (layers 1 and 2 exact, as in the keras call())
    layer1out = z @ W1
    layer2in = jax.nn.relu(layer1out + b1)           # [B, S, H]
    layer2out = layer2in @ W2
    layer3in = jax.nn.relu(layer2out + b2)           # [B, S, H]

    # eval_matmul(est3, layer3inReshaped, W3): VQ approximate matmul.
    # Encode each row to its nearest of K centroids, then look up the
    # precomputed centroid @ W3 products (the Bolt/PQ LUT trick).
    flat = layer3in.reshape(-1, H)                   # [B*S, H]
    d = (jnp.sum(flat * flat, axis=1, keepdims=True)
         - 2.0 * (flat @ codebook.T)
         + jnp.sum(codebook * codebook, axis=1)[None, :])   # [B*S, K]
    idx = jnp.argmin(d, axis=1)                      # [B*S] int codes
    lut = codebook @ W3                              # [K, NB] precomputed products
    layer3out = jnp.take(lut, idx, axis=0)           # gather approximate matmul result

    llr = layer3out + b3                             # [B*S, NB]
    llr = llr.reshape(z.shape[0], S * NB)            # [B, n]
    return llr

if __name__ == "__main__":
    import jax
    _d = setup_inputs()
    print(jax.jit(kernel)(*tuple(_d.values())))

</pallas_src>

<mosaic_0001>
#map = affine_map<(d0, d1) -> (0, 0)>
#map1 = affine_map<(d0, d1) -> (0)>
module attributes {stable_mosaic.version = 14 : i64} {
  func.func @k(%arg0: i32, %arg1: i32, %arg2: memref<512x128xf32, #tpu.memory_space<hbm>>, %arg3: memref<32768xi32, #tpu.memory_space<hbm>>, %arg4: memref<128x1536xf32, #tpu.memory_space<hbm>>, %arg5: memref<512x128xf32, #tpu.memory_space<vmem>>, %arg6: memref<1024xi32, #tpu.memory_space<vmem>>, %arg7: memref<4x1536xf32, #tpu.memory_space<vmem>>, %arg8: memref<!tpu.dma_semaphore, #tpu.memory_space<semaphore_mem>>) attributes {dimension_semantics = [#tpu.dimension_semantics<core_parallel>, #tpu.dimension_semantics<subcore_parallel>], iteration_bounds = array<i64: 2, 16>, scalar_prefetch = 0 : i64, scratch_operands = 4 : i64, tpu.core_type = #tpu.core_type<sc_vector_subcore>, window_params = [{transform_indices = #map}, {transform_indices = #map1}, {transform_indices = #map}]} {
    %mul3A = arith.constant 2 : i32
    %mul3A_0 = arith.muli %arg1, %mul3A : i32
    %add3A = arith.addi %mul3A_0, %arg0 : i32
    tpu.enqueue_dma source(%arg2 : memref<512x128xf32, #tpu.memory_space<hbm>>) target(%arg5 : memref<512x128xf32, #tpu.memory_space<vmem>>) target_semaphore(%arg8 : memref<!tpu.dma_semaphore, #tpu.memory_space<semaphore_mem>>)
    %mul3A_1 = arith.constant 1024 : i32
    %mul3A_2 = arith.muli %add3A, %mul3A_1 : i32
    "tpu.region"() ({
      %run_scoped3A = tpu.sem_alloc : memref<!tpu.dma_semaphore, #tpu.memory_space<semaphore_mem>>
      %dma_start3A = tpu.memref_slice %arg3[%mul3A_2] : memref<32768xi32, #tpu.memory_space<hbm>> -> memref<1024xi32, #tpu.memory_space<hbm>>
      %dma_start3A_13 = tpu.memref_slice %arg3[%mul3A_2] : memref<32768xi32, #tpu.memory_space<hbm>> -> memref<1024xi32, #tpu.memory_space<hbm>>
      tpu.enqueue_dma source(%dma_start3A_13 : memref<1024xi32, #tpu.memory_space<hbm>>) target(%arg6 : memref<1024xi32, #tpu.memory_space<vmem>>) target_semaphore(%run_scoped3A : memref<!tpu.dma_semaphore, #tpu.memory_space<semaphore_mem>>)
      %dma_wait3A = tpu.memref_slice %arg3[%mul3A_2] : memref<32768xi32, #tpu.memory_space<hbm>> -> memref<1024xi32, #tpu.memory_space<hbm>>
      %dma_wait3A_14 = tpu.memref_slice %arg3[%mul3A_2] : memref<32768xi32, #tpu.memory_space<hbm>> -> memref<1024xi32, #tpu.memory_space<hbm>>
      tpu.wait_dma2 semaphore(%run_scoped3A : memref<!tpu.dma_semaphore, #tpu.memory_space<semaphore_mem>>) src(%dma_wait3A_14 : memref<1024xi32, #tpu.memory_space<hbm>>) dst(%arg6 : memref<1024xi32, #tpu.memory_space<vmem>>)
      tpu.yield
    }) : () -> ()
    tpu.wait_dma2 semaphore(%arg8 : memref<!tpu.dma_semaphore, #tpu.memory_space<semaphore_mem>>) src(%arg2 : memref<512x128xf32, #tpu.memory_space<hbm>>) dst(%arg5 : memref<512x128xf32, #tpu.memory_space<vmem>>)
    %iota3A = tpu.iota {dimensions = array<i32: 0>} : vector<16xi32>
    %mul3A_3 = arith.constant 6 : i32
    %mul3A_4 = vector.broadcast %mul3A_3 : i32 to vector<16xi32>
    %mul3A_5 = arith.muli %iota3A, %mul3A_4 : vector<16xi32>
    %scan3A = arith.constant 0 : i32
    %scan3A_6 = arith.constant 0 : i32
    %scan3A_7 = arith.constant 8 : i32
    %scan3A_8 = arith.addi %scan3A_6, %scan3A_7 : i32
    %scan3A_9 = arith.constant 1 : i32
    scf.for %scan3A_13 = %scan3A_6 to %scan3A_8 step %scan3A_9  : i32 {
      %mul3A_14 = arith.constant 128 : i32
      %mul3A_15 = arith.muli %scan3A_13, %mul3A_14 : i32
      %add3A_16 = arith.constant 0 : i32
      %add3A_17 = arith.addi %mul3A_15, %add3A_16 : i32
      %get3A = arith.index_cast %add3A_17 : i32 to index
      %get3A_18 = tpu.vector_load %arg6[%get3A] {strides = array<i32>} : memref<1024xi32, #tpu.memory_space<vmem>>, vector<16xi32>,
      %shift_right_logical3A = arith.constant 3 : i32
      %shift_right_logical3A_19 = vector.broadcast %shift_right_logical3A : i32 to vector<16xi32>
      %shift_right_logical3A_20 = arith.shrui %get3A_18, %shift_right_logical3A_19 : vector<16xi32>
      %and3A = arith.constant 7 : i32
      %and3A_21 = vector.broadcast %and3A : i32 to vector<16xi32>
      %and3A_22 = arith.andi %get3A_18, %and3A_21 : vector<16xi32>
      %shift_left3A = arith.constant 4 : i32
      %shift_left3A_23 = vector.broadcast %shift_left3A : i32 to vector<16xi32>
      %shift_left3A_24 = arith.shli %and3A_22, %shift_left3A_23 : vector<16xi32>
      %div3A = arith.constant 256 : i32
      %div3A_25 = arith.divsi %add3A_17, %div3A : i32
      %rem3A = arith.constant 256 : i32
      %rem3A_26 = arith.remsi %add3A_17, %rem3A : i32
      %mul3A_27 = arith.constant 6 : i32
      %mul3A_28 = arith.muli %rem3A_26, %mul3A_27 : i32
      %broadcast_in_dim3A = vector.broadcast %div3A_25 : i32 to vector<16xi32>
      %add3A_29 = arith.constant 0 : i32
      %add3A_30 = vector.broadcast %add3A_29 : i32 to vector<16xi32>
      %add3A_31 = arith.addi %shift_left3A_24, %add3A_30 : vector<16xi32>
      %gather3A = tpu.vector_load_idx %arg5[%shift_right_logical3A_20, %add3A_31] : memref<512x128xf32, #tpu.memory_space<vmem>>[vector<16xi32>, vector<16xi32>], vector<16xf32>,
      %add3A_32 = arith.constant 0 : i32
      %add3A_33 = arith.addi %mul3A_28, %add3A_32 : i32
      %add3A_34 = vector.broadcast %add3A_33 : i32 to vector<16xi32>
      %add3A_35 = arith.addi %mul3A_5, %add3A_34 : vector<16xi32>
      tpu.vector_store_idx %arg7[%broadcast_in_dim3A, %add3A_35], %gather3A : memref<4x1536xf32, #tpu.memory_space<vmem>>[vector<16xi32>, vector<16xi32>], vector<16xf32>,
      %add3A_36 = arith.constant 1 : i32
      %add3A_37 = vector.broadcast %add3A_36 : i32 to vector<16xi32>
      %add3A_38 = arith.addi %shift_left3A_24, %add3A_37 : vector<16xi32>
      %gather3A_39 = tpu.vector_load_idx %arg5[%shift_right_logical3A_20, %add3A_38] : memref<512x128xf32, #tpu.memory_space<vmem>>[vector<16xi32>, vector<16xi32>], vector<16xf32>,
      %add3A_40 = arith.constant 1 : i32
      %add3A_41 = arith.addi %mul3A_28, %add3A_40 : i32
      %add3A_42 = vector.broadcast %add3A_41 : i32 to vector<16xi32>
      %add3A_43 = arith.addi %mul3A_5, %add3A_42 : vector<16xi32>
      tpu.vector_store_idx %arg7[%broadcast_in_dim3A, %add3A_43], %gather3A_39 : memref<4x1536xf32, #tpu.memory_space<vmem>>[vector<16xi32>, vector<16xi32>], vector<16xf32>,
      %add3A_44 = arith.constant 2 : i32
      %add3A_45 = vector.broadcast %add3A_44 : i32 to vector<16xi32>
      %add3A_46 = arith.addi %shift_left3A_24, %add3A_45 : vector<16xi32>
      %gather3A_47 = tpu.vector_load_idx %arg5[%shift_right_logical3A_20, %add3A_46] : memref<512x128xf32, #tpu.memory_space<vmem>>[vector<16xi32>, vector<16xi32>], vector<16xf32>,
      %add3A_48 = arith.constant 2 : i32
      %add3A_49 = arith.addi %mul3A_28, %add3A_48 : i32
      %add3A_50 = vector.broadcast %add3A_49 : i32 to vector<16xi32>
      %add3A_51 = arith.addi %mul3A_5, %add3A_50 : vector<16xi32>
      tpu.vector_store_idx %arg7[%broadcast_in_dim3A, %add3A_51], %gather3A_47 : memref<4x1536xf32, #tpu.memory_space<vmem>>[vector<16xi32>, vector<16xi32>], vector<16xf32>,
      %add3A_52 = arith.constant 3 : i32
      %add3A_53 = vector.broadcast %add3A_52 : i32 to vector<16xi32>
      %add3A_54 = arith.addi %shift_left3A_24, %add3A_53 : vector<16xi32>
      %gather3A_55 = tpu.vector_load_idx %arg5[%shift_right_logical3A_20, %add3A_54] : memref<512x128xf32, #tpu.memory_space<vmem>>[vector<16xi32>, vector<16xi32>], vector<16xf32>,
      %add3A_56 = arith.constant 3 : i32
      %add3A_57 = arith.addi %mul3A_28, %add3A_56 : i32
      %add3A_58 = vector.broadcast %add3A_57 : i32 to vector<16xi32>
      %add3A_59 = arith.addi %mul3A_5, %add3A_58 : vector<16xi32>
      tpu.vector_store_idx %arg7[%broadcast_in_dim3A, %add3A_59], %gather3A_55 : memref<4x1536xf32, #tpu.memory_space<vmem>>[vector<16xi32>, vector<16xi32>], vector<16xf32>,
      %add3A_60 = arith.constant 4 : i32
      %add3A_61 = vector.broadcast %add3A_60 : i32 to vector<16xi32>
      %add3A_62 = arith.addi %shift_left3A_24, %add3A_61 : vector<16xi32>
      %gather3A_63 = tpu.vector_load_idx %arg5[%shift_right_logical3A_20, %add3A_62] : memref<512x128xf32, #tpu.memory_space<vmem>>[vector<16xi32>, vector<16xi32>], vector<16xf32>,
      %add3A_64 = arith.constant 4 : i32
      %add3A_65 = arith.addi %mul3A_28, %add3A_64 : i32
      %add3A_66 = vector.broadcast %add3A_65 : i32 to vector<16xi32>
      %add3A_67 = arith.addi %mul3A_5, %add3A_66 : vector<16xi32>
      tpu.vector_store_idx %arg7[%broadcast_in_dim3A, %add3A_67], %gather3A_63 : memref<4x1536xf32, #tpu.memory_space<vmem>>[vector<16xi32>, vector<16xi32>], vector<16xf32>,
      %add3A_68 = arith.constant 5 : i32
      %add3A_69 = vector.broadcast %add3A_68 : i32 to vector<16xi32>
      %add3A_70 = arith.addi %shift_left3A_24, %add3A_69 : vector<16xi32>
      %gather3A_71 = tpu.vector_load_idx %arg5[%shift_right_logical3A_20, %add3A_70] : memref<512x128xf32, #tpu.memory_space<vmem>>[vector<16xi32>, vector<16xi32>], vector<16xf32>,
      %add3A_72 = arith.constant 5 : i32
      %add3A_73 = arith.addi %mul3A_28, %add3A_72 : i32
      %add3A_74 = vector.broadcast %add3A_73 : i32 to vector<16xi32>
      %add3A_75 = arith.addi %mul3A_5, %add3A_74 : vector<16xi32>
      tpu.vector_store_idx %arg7[%broadcast_in_dim3A, %add3A_75], %gather3A_71 : memref<4x1536xf32, #tpu.memory_space<vmem>>[vector<16xi32>, vector<16xi32>], vector<16xf32>,
      %mul3A_76 = arith.constant 128 : i32
      %mul3A_77 = arith.muli %scan3A_13, %mul3A_76 : i32
      %add3A_78 = arith.constant 16 : i32
      %add3A_79 = arith.addi %mul3A_77, %add3A_78 : i32
      %get3A_80 = arith.index_cast %add3A_79 : i32 to index
      %get3A_81 = tpu.vector_load %arg6[%get3A_80] {strides = array<i32>} : memref<1024xi32, #tpu.memory_space<vmem>>, vector<16xi32>,
      %shift_right_logical3A_82 = arith.constant 3 : i32
      %shift_right_logical3A_83 = vector.broadcast %shift_right_logical3A_82 : i32 to vector<16xi32>
      %shift_right_logical3A_84 = arith.shrui %get3A_81, %shift_right_logical3A_83 : vector<16xi32>
      %and3A_85 = arith.constant 7 : i32
      %and3A_86 = vector.broadcast %and3A_85 : i32 to vector<16xi32>
      %and3A_87 = arith.andi %get3A_81, %and3A_86 : vector<16xi32>
      %shift_left3A_88 = arith.constant 4 : i32
      %shift_left3A_89 = vector.broadcast %shift_left3A_88 : i32 to vector<16xi32>
      %shift_left3A_90 = arith.shli %and3A_87, %shift_left3A_89 : vector<16xi32>
      %div3A_91 = arith.constant 256 : i32
      %div3A_92 = arith.divsi %add3A_79, %div3A_91 : i32
      %rem3A_93 = arith.constant 256 : i32
      %rem3A_94 = arith.remsi %add3A_79, %rem3A_93 : i32
      %mul3A_95 = arith.constant 6 : i32
      %mul3A_96 = arith.muli %rem3A_94, %mul3A_95 : i32
      %broadcast_in_dim3A_97 = vector.broadcast %div3A_92 : i32 to vector<16xi32>
      %add3A_98 = arith.constant 0 : i32
      %add3A_99 = vector.broadcast %add3A_98 : i32 to vector<16xi32>
      %add3A_100 = arith.addi %shift_left3A_90, %add3A_99 : vector<16xi32>
      %gather3A_101 = tpu.vector_load_idx %arg5[%shift_right_logical3A_84, %add3A_100] : memref<512x128xf32, #tpu.memory_space<vmem>>[vector<16xi32>, vector<16xi32>], vector<16xf32>,
      %add3A_102 = arith.constant 0 : i32
      %add3A_103 = arith.addi %mul3A_96, %add3A_102 : i32
      %add3A_104 = vector.broadcast %add3A_103 : i32 to vector<16xi32>
      %add3A_105 = arith.addi %mul3A_5, %add3A_104 : vector<16xi32>
      tpu.vector_store_idx %arg7[%broadcast_in_dim3A_97, %add3A_105], %gather3A_101 : memref<4x1536xf32, #tpu.memory_space<vmem>>[vector<16xi32>, vector<16xi32>], vector<16xf32>,
      %add3A_106 = arith.constant 1 : i32
      %add3A_107 = vector.broadcast %add3A_106 : i32 to vector<16xi32>
      %add3A_108 = arith.addi %shift_left3A_90, %add3A_107 : vector<16xi32>
      %gather3A_109 = tpu.vector_load_idx %arg5[%shift_right_logical3A_84, %add3A_108] : memref<512x128xf32, #tpu.memory_space<vmem>>[vector<16xi32>, vector<16xi32>], vector<16xf32>,
      %add3A_110 = arith.constant 1 : i32
      %add3A_111 = arith.addi %mul3A_96, %add3A_110 : i32
      %add3A_112 = vector.broadcast %add3A_111 : i32 to vector<16xi32>
      %add3A_113 = arith.addi %mul3A_5, %add3A_112 : vector<16xi32>
      tpu.vector_store_idx %arg7[%broadcast_in_dim3A_97, %add3A_113], %gather3A_109 : memref<4x1536xf32, #tpu.memory_space<vmem>>[vector<16xi32>, vector<16xi32>], vector<16xf32>,
      %add3A_114 = arith.constant 2 : i32
      %add3A_115 = vector.broadcast %add3A_114 : i32 to vector<16xi32>
      %add3A_116 = arith.addi %shift_left3A_90, %add3A_115 : vector<16xi32>
      %gather3A_117 = tpu.vector_load_idx %arg5[%shift_right_logical3A_84, %add3A_116] : memref<512x128xf32, #tpu.memory_space<vmem>>[vector<16xi32>, vector<16xi32>], vector<16xf32>,
      %add3A_118 = arith.constant 2 : i32
      %add3A_119 = arith.addi %mul3A_96, %add3A_118 : i32
      %add3A_120 = vector.broadcast %add3A_119 : i32 to vector<16xi32>
      %add3A_121 = arith.addi %mul3A_5, %add3A_120 : vector<16xi32>
      tpu.vector_store_idx %arg7[%broadcast_in_dim3A_97, %add3A_121], %gather3A_117 : memref<4x1536xf32, #tpu.memory_space<vmem>>[vector<16xi32>, vector<16xi32>], vector<16xf32>,
      %add3A_122 = arith.constant 3 : i32
      %add3A_123 = vector.broadcast %add3A_122 : i32 to vector<16xi32>
      %add3A_124 = arith.addi %shift_left3A_90, %add3A_123 : vector<16xi32>
      %gather3A_125 = tpu.vector_load_idx %arg5[%shift_right_logical3A_84, %add3A_124] : memref<512x128xf32, #tpu.memory_space<vmem>>[vector<16xi32>, vector<16xi32>], vector<16xf32>,
      %add3A_126 = arith.constant 3 : i32
      %add3A_127 = arith.addi %mul3A_96, %add3A_126 : i32
      %add3A_128 = vector.broadcast %add3A_127 : i32 to vector<16xi32>
      %add3A_129 = arith.addi %mul3A_5, %add3A_128 : vector<16xi32>
      tpu.vector_store_idx %arg7[%broadcast_in_dim3A_97, %add3A_129], %gather3A_125 : memref<4x1536xf32, #tpu.memory_space<vmem>>[vector<16xi32>, vector<16xi32>], vector<16xf32>,
      %add3A_130 = arith.constant 4 : i32
      %add3A_131 = vector.broadcast %add3A_130 : i32 to vector<16xi32>
      %add3A_132 = arith.addi %shift_left3A_90, %add3A_131 : vector<16xi32>
      %gather3A_133 = tpu.vector_load_idx %arg5[%shift_right_logical3A_84, %add3A_132] : memref<512x128xf32, #tpu.memory_space<vmem>>[vector<16xi32>, vector<16xi32>], vector<16xf32>,
      %add3A_134 = arith.constant 4 : i32
      %add3A_135 = arith.addi %mul3A_96, %add3A_134 : i32
      %add3A_136 = vector.broadcast %add3A_135 : i32 to vector<16xi32>
      %add3A_137 = arith.addi %mul3A_5, %add3A_136 : vector<16xi32>
      tpu.vector_store_idx %arg7[%broadcast_in_dim3A_97, %add3A_137], %gather3A_133 : memref<4x1536xf32, #tpu.memory_space<vmem>>[vector<16xi32>, vector<16xi32>], vector<16xf32>,
      %add3A_138 = arith.constant 5 : i32
      %add3A_139 = vector.broadcast %add3A_138 : i32 to vector<16xi32>
      %add3A_140 = arith.addi %shift_left3A_90, %add3A_139 : vector<16xi32>
      %gather3A_141 = tpu.vector_load_idx %arg5[%shift_right_logical3A_84, %add3A_140] : memref<512x128xf32, #tpu.memory_space<vmem>>[vector<16xi32>, vector<16xi32>], vector<16xf32>,
      %add3A_142 = arith.constant 5 : i32
      %add3A_143 = arith.addi %mul3A_96, %add3A_142 : i32
      %add3A_144 = vector.broadcast %add3A_143 : i32 to vector<16xi32>
      %add3A_145 = arith.addi %mul3A_5, %add3A_144 : vector<16xi32>
      tpu.vector_store_idx %arg7[%broadcast_in_dim3A_97, %add3A_145], %gather3A_141 : memref<4x1536xf32, #tpu.memory_space<vmem>>[vector<16xi32>, vector<16xi32>], vector<16xf32>,
      %mul3A_146 = arith.constant 128 : i32
      %mul3A_147 = arith.muli %scan3A_13, %mul3A_146 : i32
      %add3A_148 = arith.constant 32 : i32
      %add3A_149 = arith.addi %mul3A_147, %add3A_148 : i32
      %get3A_150 = arith.index_cast %add3A_149 : i32 to index
      %get3A_151 = tpu.vector_load %arg6[%get3A_150] {strides = array<i32>} : memref<1024xi32, #tpu.memory_space<vmem>>, vector<16xi32>,
      %shift_right_logical3A_152 = arith.constant 3 : i32
      %shift_right_logical3A_153 = vector.broadcast %shift_right_logical3A_152 : i32 to vector<16xi32>
      %shift_right_logical3A_154 = arith.shrui %get3A_151, %shift_right_logical3A_153 : vector<16xi32>
      %and3A_155 = arith.constant 7 : i32
      %and3A_156 = vector.broadcast %and3A_155 : i32 to vector<16xi32>
      %and3A_157 = arith.andi %get3A_151, %and3A_156 : vector<16xi32>
      %shift_left3A_158 = arith.constant 4 : i32
      %shift_left3A_159 = vector.broadcast %shift_left3A_158 : i32 to vector<16xi32>
      %shift_left3A_160 = arith.shli %and3A_157, %shift_left3A_159 : vector<16xi32>
      %div3A_161 = arith.constant 256 : i32
      %div3A_162 = arith.divsi %add3A_149, %div3A_161 : i32
      %rem3A_163 = arith.constant 256 : i32
      %rem3A_164 = arith.remsi %add3A_149, %rem3A_163 : i32
      %mul3A_165 = arith.constant 6 : i32
      %mul3A_166 = arith.muli %rem3A_164, %mul3A_165 : i32
      %broadcast_in_dim3A_167 = vector.broadcast %div3A_162 : i32 to vector<16xi32>
      %add3A_168 = arith.constant 0 : i32
      %add3A_169 = vector.broadcast %add3A_168 : i32 to vector<16xi32>
      %add3A_170 = arith.addi %shift_left3A_160, %add3A_169 : vector<16xi32>
      %gather3A_171 = tpu.vector_load_idx %arg5[%shift_right_logical3A_154, %add3A_170] : memref<512x128xf32, #tpu.memory_space<vmem>>[vector<16xi32>, vector<16xi32>], vector<16xf32>,
      %add3A_172 = arith.constant 0 : i32
      %add3A_173 = arith.addi %mul3A_166, %add3A_172 : i32
      %add3A_174 = vector.broadcast %add3A_173 : i32 to vector<16xi32>
      %add3A_175 = arith.addi %mul3A_5, %add3A_174 : vector<16xi32>
      tpu.vector_store_idx %arg7[%broadcast_in_dim3A_167, %add3A_175], %gather3A_171 : memref<4x1536xf32, #tpu.memory_space<vmem>>[vector<16xi32>, vector<16xi32>], vector<16xf32>,
      %add3A_176 = arith.constant 1 : i32
      %add3A_177 = vector.broadcast %add3A_176 : i32 to vector<16xi32>
      %add3A_178 = arith.addi %shift_left3A_160, %add3A_177 : vector<16xi32>
      %gather3A_179 = tpu.vector_load_idx %arg5[%shift_right_logical3A_154, %add3A_178] : memref<512x128xf32, #tpu.memory_space<vmem>>[vector<16xi32>, vector<16xi32>], vector<16xf32>,
      %add3A_180 = arith.constant 1 : i32
      %add3A_181 = arith.addi %mul3A_166, %add3A_180 : i32
      %add3A_182 = vector.broadcast %add3A_181 : i32 to vector<16xi32>
      %add3A_183 = arith.addi %mul3A_5, %add3A_182 : vector<16xi32>
      tpu.vector_store_idx %arg7[%broadcast_in_dim3A_167, %add3A_183], %gather3A_179 : memref<4x1536xf32, #tpu.memory_space<vmem>>[vector<16xi32>, vector<16xi32>], vector<16xf32>,
      %add3A_184 = arith.constant 2 : i32
      %add3A_185 = vector.broadcast %add3A_184 : i32 to vector<16xi32>
      %add3A_186 = arith.addi %shift_left3A_160, %add3A_185 : vector<16xi32>
      %gather3A_187 = tpu.vector_load_idx %arg5[%shift_right_logical3A_154, %add3A_186] : memref<512x128xf32, #tpu.memory_space<vmem>>[vector<16xi32>, vector<16xi32>], vector<16xf32>,
      %add3A_188 = arith.constant 2 : i32
      %add3A_189 = arith.addi %mul3A_166, %add3A_188 : i32
      %add3A_190 = vector.broadcast %add3A_189 : i32 to vector<16xi32>
      %add3A_191 = arith.addi %mul3A_5, %add3A_190 : vector<16xi32>
      tpu.vector_store_idx %arg7[%broadcast_in_dim3A_167, %add3A_191], %gather3A_187 : memref<4x1536xf32, #tpu.memory_space<vmem>>[vector<16xi32>, vector<16xi32>], vector<16xf32>,
      %add3A_192 = arith.constant 3 : i32
      %add3A_193 = vector.broadcast %add3A_192 : i32 to vector<16xi32>
      %add3A_194 = arith.addi %shift_left3A_160, %add3A_193 : vector<16xi32>
      %gather3A_195 = tpu.vector_load_idx %arg5[%shift_right_logical3A_154, %add3A_194] : memref<512x128xf32, #tpu.memory_space<vmem>>[vector<16xi32>, vector<16xi32>], vector<16xf32>,
      %add3A_196 = arith.constant 3 : i32
      %add3A_197 = arith.addi %mul3A_166, %add3A_196 : i32
      %add3A_198 = vector.broadcast %add3A_197 : i32 to vector<16xi32>
      %add3A_199 = arith.addi %mul3A_5, %add3A_198 : vector<16xi32>
      tpu.vector_store_idx %arg7[%broadcast_in_dim3A_167, %add3A_199], %gather3A_195 : memref<4x1536xf32, #tpu.memory_space<vmem>>[vector<16xi32>, vector<16xi32>], vector<16xf32>,
      %add3A_200 = arith.constant 4 : i32
      %add3A_201 = vector.broadcast %add3A_200 : i32 to vector<16xi32>
      %add3A_202 = arith.addi %shift_left3A_160, %add3A_201 : vector<16xi32>
      %gather3A_203 = tpu.vector_load_idx %arg5[%shift_right_logical3A_154, %add3A_202] : memref<512x128xf32, #tpu.memory_space<vmem>>[vector<16xi32>, vector<16xi32>], vector<16xf32>,
      %add3A_204 = arith.constant 4 : i32
      %add3A_205 = arith.addi %mul3A_166, %add3A_204 : i32
      %add3A_206 = vector.broadcast %add3A_205 : i32 to vector<16xi32>
      %add3A_207 = arith.addi %mul3A_5, %add3A_206 : vector<16xi32>
      tpu.vector_store_idx %arg7[%broadcast_in_dim3A_167, %add3A_207], %gather3A_203 : memref<4x1536xf32, #tpu.memory_space<vmem>>[vector<16xi32>, vector<16xi32>], vector<16xf32>,
      %add3A_208 = arith.constant 5 : i32
      %add3A_209 = vector.broadcast %add3A_208 : i32 to vector<16xi32>
      %add3A_210 = arith.addi %shift_left3A_160, %add3A_209 : vector<16xi32>
      %gather3A_211 = tpu.vector_load_idx %arg5[%shift_right_logical3A_154, %add3A_210] : memref<512x128xf32, #tpu.memory_space<vmem>>[vector<16xi32>, vector<16xi32>], vector<16xf32>,
      %add3A_212 = arith.constant 5 : i32
      %add3A_213 = arith.addi %mul3A_166, %add3A_212 : i32
      %add3A_214 = vector.broadcast %add3A_213 : i32 to vector<16xi32>
      %add3A_215 = arith.addi %mul3A_5, %add3A_214 : vector<16xi32>
      tpu.vector_store_idx %arg7[%broadcast_in_dim3A_167, %add3A_215], %gather3A_211 : memref<4x1536xf32, #tpu.memory_space<vmem>>[vector<16xi32>, vector<16xi32>], vector<16xf32>,
      %mul3A_216 = arith.constant 128 : i32
      %mul3A_217 = arith.muli %scan3A_13, %mul3A_216 : i32
      %add3A_218 = arith.constant 48 : i32
      %add3A_219 = arith.addi %mul3A_217, %add3A_218 : i32
      %get3A_220 = arith.index_cast %add3A_219 : i32 to index
      %get3A_221 = tpu.vector_load %arg6[%get3A_220] {strides = array<i32>} : memref<1024xi32, #tpu.memory_space<vmem>>, vector<16xi32>,
      %shift_right_logical3A_222 = arith.constant 3 : i32
      %shift_right_logical3A_223 = vector.broadcast %shift_right_logical3A_222 : i32 to vector<16xi32>
      %shift_right_logical3A_224 = arith.shrui %get3A_221, %shift_right_logical3A_223 : vector<16xi32>
      %and3A_225 = arith.constant 7 : i32
      %and3A_226 = vector.broadcast %and3A_225 : i32 to vector<16xi32>
      %and3A_227 = arith.andi %get3A_221, %and3A_226 : vector<16xi32>
      %shift_left3A_228 = arith.constant 4 : i32
      %shift_left3A_229 = vector.broadcast %shift_left3A_228 : i32 to vector<16xi32>
      %shift_left3A_230 = arith.shli %and3A_227, %shift_left3A_229 : vector<16xi32>
      %div3A_231 = arith.constant 256 : i32
      %div3A_232 = arith.divsi %add3A_219, %div3A_231 : i32
      %rem3A_233 = arith.constant 256 : i32
      %rem3A_234 = arith.remsi %add3A_219, %rem3A_233 : i32
      %mul3A_235 = arith.constant 6 : i32
      %mul3A_236 = arith.muli %rem3A_234, %mul3A_235 : i32
      %broadcast_in_dim3A_237 = vector.broadcast %div3A_232 : i32 to vector<16xi32>
      %add3A_238 = arith.constant 0 : i32
      %add3A_239 = vector.broadcast %add3A_238 : i32 to vector<16xi32>
      %add3A_240 = arith.addi %shift_left3A_230, %add3A_239 : vector<16xi32>
      %gather3A_241 = tpu.vector_load_idx %arg5[%shift_right_logical3A_224, %add3A_240] : memref<512x128xf32, #tpu.memory_space<vmem>>[vector<16xi32>, vector<16xi32>], vector<16xf32>,
      %add3A_242 = arith.constant 0 : i32
      %add3A_243 = arith.addi %mul3A_236, %add3A_242 : i32
      %add3A_244 = vector.broadcast %add3A_243 : i32 to vector<16xi32>
      %add3A_245 = arith.addi %mul3A_5, %add3A_244 : vector<16xi32>
      tpu.vector_store_idx %arg7[%broadcast_in_dim3A_237, %add3A_245], %gather3A_241 : memref<4x1536xf32, #tpu.memory_space<vmem>>[vector<16xi32>, vector<16xi32>], vector<16xf32>,
      %add3A_246 = arith.constant 1 : i32
      %add3A_247 = vector.broadcast %add3A_246 : i32 to vector<16xi32>
      %add3A_248 = arith.addi %shift_left3A_230, %add3A_247 : vector<16xi32>
      %gather3A_249 = tpu.vector_load_idx %arg5[%shift_right_logical3A_224, %add3A_248] : memref<512x128xf32, #tpu.memory_space<vmem>>[vector<16xi32>, vector<16xi32>], vector<16xf32>,
      %add3A_250 = arith.constant 1 : i32
      %add3A_251 = arith.addi %mul3A_236, %add3A_250 : i32
      %add3A_252 = vector.broadcast %add3A_251 : i32 to vector<16xi32>
      %add3A_253 = arith.addi %mul3A_5, %add3A_252 : vector<16xi32>
      tpu.vector_store_idx %arg7[%broadcast_in_dim3A_237, %add3A_253], %gather3A_249 : memref<4x1536xf32, #tpu.memory_space<vmem>>[vector<16xi32>, vector<16xi32>], vector<16xf32>,
      %add3A_254 = arith.constant 2 : i32
      %add3A_255 = vector.broadcast %add3A_254 : i32 to vector<16xi32>
      %add3A_256 = arith.addi %shift_left3A_230, %add3A_255 : vector<16xi32>
      %gather3A_257 = tpu.vector_load_idx %arg5[%shift_right_logical3A_224, %add3A_256] : memref<512x128xf32, #tpu.memory_space<vmem>>[vector<16xi32>, vector<16xi32>], vector<16xf32>,
      %add3A_258 = arith.constant 2 : i32
      %add3A_259 = arith.addi %mul3A_236, %add3A_258 : i32
      %add3A_260 = vector.broadcast %add3A_259 : i32 to vector<16xi32>
      %add3A_261 = arith.addi %mul3A_5, %add3A_260 : vector<16xi32>
      tpu.vector_store_idx %arg7[%broadcast_in_dim3A_237, %add3A_261], %gather3A_257 : memref<4x1536xf32, #tpu.memory_space<vmem>>[vector<16xi32>, vector<16xi32>], vector<16xf32>,
      %add3A_262 = arith.constant 3 : i32
      %add3A_263 = vector.broadcast %add3A_262 : i32 to vector<16xi32>
      %add3A_264 = arith.addi %shift_left3A_230, %add3A_263 : vector<16xi32>
      %gather3A_265 = tpu.vector_load_idx %arg5[%shift_right_logical3A_224, %add3A_264] : memref<512x128xf32, #tpu.memory_space<vmem>>[vector<16xi32>, vector<16xi32>], vector<16xf32>,
      %add3A_266 = arith.constant 3 : i32
      %add3A_267 = arith.addi %mul3A_236, %add3A_266 : i32
      %add3A_268 = vector.broadcast %add3A_267 : i32 to vector<16xi32>
      %add3A_269 = arith.addi %mul3A_5, %add3A_268 : vector<16xi32>
      tpu.vector_store_idx %arg7[%broadcast_in_dim3A_237, %add3A_269], %gather3A_265 : memref<4x1536xf32, #tpu.memory_space<vmem>>[vector<16xi32>, vector<16xi32>], vector<16xf32>,
      %add3A_270 = arith.constant 4 : i32
      %add3A_271 = vector.broadcast %add3A_270 : i32 to vector<16xi32>
      %add3A_272 = arith.addi %shift_left3A_230, %add3A_271 : vector<16xi32>
      %gather3A_273 = tpu.vector_load_idx %arg5[%shift_right_logical3A_224, %add3A_272] : memref<512x128xf32, #tpu.memory_space<vmem>>[vector<16xi32>, vector<16xi32>], vector<16xf32>,
      %add3A_274 = arith.constant 4 : i32
      %add3A_275 = arith.addi %mul3A_236, %add3A_274 : i32
      %add3A_276 = vector.broadcast %add3A_275 : i32 to vector<16xi32>
      %add3A_277 = arith.addi %mul3A_5, %add3A_276 : vector<16xi32>
      tpu.vector_store_idx %arg7[%broadcast_in_dim3A_237, %add3A_277], %gather3A_273 : memref<4x1536xf32, #tpu.memory_space<vmem>>[vector<16xi32>, vector<16xi32>], vector<16xf32>,
      %add3A_278 = arith.constant 5 : i32
      %add3A_279 = vector.broadcast %add3A_278 : i32 to vector<16xi32>
      %add3A_280 = arith.addi %shift_left3A_230, %add3A_279 : vector<16xi32>
      %gather3A_281 = tpu.vector_load_idx %arg5[%shift_right_logical3A_224, %add3A_280] : memref<512x128xf32, #tpu.memory_space<vmem>>[vector<16xi32>, vector<16xi32>], vector<16xf32>,
      %add3A_282 = arith.constant 5 : i32
      %add3A_283 = arith.addi %mul3A_236, %add3A_282 : i32
      %add3A_284 = vector.broadcast %add3A_283 : i32 to vector<16xi32>
      %add3A_285 = arith.addi %mul3A_5, %add3A_284 : vector<16xi32>
      tpu.vector_store_idx %arg7[%broadcast_in_dim3A_237, %add3A_285], %gather3A_281 : memref<4x1536xf32, #tpu.memory_space<vmem>>[vector<16xi32>, vector<16xi32>], vector<16xf32>,
      %mul3A_286 = arith.constant 128 : i32
      %mul3A_287 = arith.muli %scan3A_13, %mul3A_286 : i32
      %add3A_288 = arith.constant 64 : i32
      %add3A_289 = arith.addi %mul3A_287, %add3A_288 : i32
      %get3A_290 = arith.index_cast %add3A_289 : i32 to index
      %get3A_291 = tpu.vector_load %arg6[%get3A_290] {strides = array<i32>} : memref<1024xi32, #tpu.memory_space<vmem>>, vector<16xi32>,
      %shift_right_logical3A_292 = arith.constant 3 : i32
      %shift_right_logical3A_293 = vector.broadcast %shift_right_logical3A_292 : i32 to vector<16xi32>
      %shift_right_logical3A_294 = arith.shrui %get3A_291, %shift_right_logical3A_293 : vector<16xi32>
      %and3A_295 = arith.constant 7 : i32
      %and3A_296 = vector.broadcast %and3A_295 : i32 to vector<16xi32>
      %and3A_297 = arith.andi %get3A_291, %and3A_296 : vector<16xi32>
      %shift_left3A_298 = arith.constant 4 : i32
      %shift_left3A_299 = vector.broadcast %shift_left3A_298 : i32 to vector<16xi32>
      %shift_left3A_300 = arith.shli %and3A_297, %shift_left3A_299 : vector<16xi32>
      %div3A_301 = arith.constant 256 : i32
      %div3A_302 = arith.divsi %add3A_289, %div3A_301 : i32
      %rem3A_303 = arith.constant 256 : i32
      %rem3A_304 = arith.remsi %add3A_289, %rem3A_303 : i32
      %mul3A_305 = arith.constant 6 : i32
      %mul3A_306 = arith.muli %rem3A_304, %mul3A_305 : i32
      %broadcast_in_dim3A_307 = vector.broadcast %div3A_302 : i32 to vector<16xi32>
      %add3A_308 = arith.constant 0 : i32
      %add3A_309 = vector.broadcast %add3A_308 : i32 to vector<16xi32>
      %add3A_310 = arith.addi %shift_left3A_300, %add3A_309 : vector<16xi32>
      %gather3A_311 = tpu.vector_load_idx %arg5[%shift_right_logical3A_294, %add3A_310] : memref<512x128xf32, #tpu.memory_space<vmem>>[vector<16xi32>, vector<16xi32>], vector<16xf32>,
      %add3A_312 = arith.constant 0 : i32
      %add3A_313 = arith.addi %mul3A_306, %add3A_312 : i32
      %add3A_314 = vector.broadcast %add3A_313 : i32 to vector<16xi32>
      %add3A_315 = arith.addi %mul3A_5, %add3A_314 : vector<16xi32>
      tpu.vector_store_idx %arg7[%broadcast_in_dim3A_307, %add3A_315], %gather3A_311 : memref<4x1536xf32, #tpu.memory_space<vmem>>[vector<16xi32>, vector<16xi32>], vector<16xf32>,
      %add3A_316 = arith.constant 1 : i32
      %add3A_317 = vector.broadcast %add3A_316 : i32 to vector<16xi32>
      %add3A_318 = arith.addi %shift_left3A_300, %add3A_317 : vector<16xi32>
      %gather3A_319 = tpu.vector_load_idx %arg5[%shift_right_logical3A_294, %add3A_318] : memref<512x128xf32, #tpu.memory_space<vmem>>[vector<16xi32>, vector<16xi32>], vector<16xf32>,
      %add3A_320 = arith.constant 1 : i32
      %add3A_321 = arith.addi %mul3A_306, %add3A_320 : i32
      %add3A_322 = vector.broadcast %add3A_321 : i32 to vector<16xi32>
      %add3A_323 = arith.addi %mul3A_5, %add3A_322 : vector<16xi32>
      tpu.vector_store_idx %arg7[%broadcast_in_dim3A_307, %add3A_323], %gather3A_319 : memref<4x1536xf32, #tpu.memory_space<vmem>>[vector<16xi32>, vector<16xi32>], vector<16xf32>,
      %add3A_324 = arith.constant 2 : i32
      %add3A_325 = vector.broadcast %add3A_324 : i32 to vector<16xi32>
      %add3A_326 = arith.addi %shift_left3A_300, %add3A_325 : vector<16xi32>
      %gather3A_327 = tpu.vector_load_idx %arg5[%shift_right_logical3A_294, %add3A_326] : memref<512x128xf32, #tpu.memory_space<vmem>>[vector<16xi32>, vector<16xi32>], vector<16xf32>,
      %add3A_328 = arith.constant 2 : i32
      %add3A_329 = arith.addi %mul3A_306, %add3A_328 : i32
      %add3A_330 = vector.broadcast %add3A_329 : i32 to vector<16xi32>
      %add3A_331 = arith.addi %mul3A_5, %add3A_330 : vector<16xi32>
      tpu.vector_store_idx %arg7[%broadcast_in_dim3A_307, %add3A_331], %gather3A_327 : memref<4x1536xf32, #tpu.memory_space<vmem>>[vector<16xi32>, vector<16xi32>], vector<16xf32>,
      %add3A_332 = arith.constant 3 : i32
      %add3A_333 = vector.broadcast %add3A_332 : i32 to vector<16xi32>
      %add3A_334 = arith.addi %shift_left3A_300, %add3A_333 : vector<16xi32>
      %gather3A_335 = tpu.vector_load_idx %arg5[%shift_right_logical3A_294, %add3A_334] : memref<512x128xf32, #tpu.memory_space<vmem>>[vector<16xi32>, vector<16xi32>], vector<16xf32>,
      %add3A_336 = arith.constant 3 : i32
      %add3A_337 = arith.addi %mul3A_306, %add3A_336 : i32
      %add3A_338 = vector.broadcast %add3A_337 : i32 to vector<16xi32>
      %add3A_339 = arith.addi %mul3A_5, %add3A_338 : vector<16xi32>
      tpu.vector_store_idx %arg7[%broadcast_in_dim3A_307, %add3A_339], %gather3A_335 : memref<4x1536xf32, #tpu.memory_space<vmem>>[vector<16xi32>, vector<16xi32>], vector<16xf32>,
      %add3A_340 = arith.constant 4 : i32
      %add3A_341 = vector.broadcast %add3A_340 : i32 to vector<16xi32>
      %add3A_342 = arith.addi %shift_left3A_300, %add3A_341 : vector<16xi32>
      %gather3A_343 = tpu.vector_load_idx %arg5[%shift_right_logical3A_294, %add3A_342] : memref<512x128xf32, #tpu.memory_space<vmem>>[vector<16xi32>, vector<16xi32>], vector<16xf32>,
      %add3A_344 = arith.constant 4 : i32
      %add3A_345 = arith.addi %mul3A_306, %add3A_344 : i32
      %add3A_346 = vector.broadcast %add3A_345 : i32 to vector<16xi32>
      %add3A_347 = arith.addi %mul3A_5, %add3A_346 : vector<16xi32>
      tpu.vector_store_idx %arg7[%broadcast_in_dim3A_307, %add3A_347], %gather3A_343 : memref<4x1536xf32, #tpu.memory_space<vmem>>[vector<16xi32>, vector<16xi32>], vector<16xf32>,
      %add3A_348 = arith.constant 5 : i32
      %add3A_349 = vector.broadcast %add3A_348 : i32 to vector<16xi32>
      %add3A_350 = arith.addi %shift_left3A_300, %add3A_349 : vector<16xi32>
      %gather3A_351 = tpu.vector_load_idx %arg5[%shift_right_logical3A_294, %add3A_350] : memref<512x128xf32, #tpu.memory_space<vmem>>[vector<16xi32>, vector<16xi32>], vector<16xf32>,
      %add3A_352 = arith.constant 5 : i32
      %add3A_353 = arith.addi %mul3A_306, %add3A_352 : i32
      %add3A_354 = vector.broadcast %add3A_353 : i32 to vector<16xi32>
      %add3A_355 = arith.addi %mul3A_5, %add3A_354 : vector<16xi32>
      tpu.vector_store_idx %arg7[%broadcast_in_dim3A_307, %add3A_355], %gather3A_351 : memref<4x1536xf32, #tpu.memory_space<vmem>>[vector<16xi32>, vector<16xi32>], vector<16xf32>,
      %mul3A_356 = arith.constant 128 : i32
      %mul3A_357 = arith.muli %scan3A_13, %mul3A_356 : i32
      %add3A_358 = arith.constant 80 : i32
      %add3A_359 = arith.addi %mul3A_357, %add3A_358 : i32
      %get3A_360 = arith.index_cast %add3A_359 : i32 to index
      %get3A_361 = tpu.vector_load %arg6[%get3A_360] {strides = array<i32>} : memref<1024xi32, #tpu.memory_space<vmem>>, vector<16xi32>,
      %shift_right_logical3A_362 = arith.constant 3 : i32
      %shift_right_logical3A_363 = vector.broadcast %shift_right_logical3A_362 : i32 to vector<16xi32>
      %shift_right_logical3A_364 = arith.shrui %get3A_361, %shift_right_logical3A_363 : vector<16xi32>
      %and3A_365 = arith.constant 7 : i32
      %and3A_366 = vector.broadcast %and3A_365 : i32 to vector<16xi32>
      %and3A_367 = arith.andi %get3A_361, %and3A_366 : vector<16xi32>
      %shift_left3A_368 = arith.constant 4 : i32
      %shift_left3A_369 = vector.broadcast %shift_left3A_368 : i32 to vector<16xi32>
      %shift_left3A_370 = arith.shli %and3A_367, %shift_left3A_369 : vector<16xi32>
      %div3A_371 = arith.constant 256 : i32
      %div3A_372 = arith.divsi %add3A_359, %div3A_371 : i32
      %rem3A_373 = arith.constant 256 : i32
      %rem3A_374 = arith.remsi %add3A_359, %rem3A_373 : i32
      %mul3A_375 = arith.constant 6 : i32
      %mul3A_376 = arith.muli %rem3A_374, %mul3A_375 : i32
      %broadcast_in_dim3A_377 = vector.broadcast %div3A_372 : i32 to vector<16xi32>
      %add3A_378 = arith.constant 0 : i32
      %add3A_379 = vector.broadcast %add3A_378 : i32 to vector<16xi32>
      %add3A_380 = arith.addi %shift_left3A_370, %add3A_379 : vector<16xi32>
      %gather3A_381 = tpu.vector_load_idx %arg5[%shift_right_logical3A_364, %add3A_380] : memref<512x128xf32, #tpu.memory_space<vmem>>[vector<16xi32>, vector<16xi32>], vector<16xf32>,
      %add3A_382 = arith.constant 0 : i32
      %add3A_383 = arith.addi %mul3A_376, %add3A_382 : i32
      %add3A_384 = vector.broadcast %add3A_383 : i32 to vector<16xi32>
      %add3A_385 = arith.addi %mul3A_5, %add3A_384 : vector<16xi32>
      tpu.vector_store_idx %arg7[%broadcast_in_dim3A_377, %add3A_385], %gather3A_381 : memref<4x1536xf32, #tpu.memory_space<vmem>>[vector<16xi32>, vector<16xi32>], vector<16xf32>,
      %add3A_386 = arith.constant 1 : i32
      %add3A_387 = vector.broadcast %add3A_386 : i32 to vector<16xi32>
      %add3A_388 = arith.addi %shift_left3A_370, %add3A_387 : vector<16xi32>
      %gather3A_389 = tpu.vector_load_idx %arg5[%shift_right_logical3A_364, %add3A_388] : memref<512x128xf32, #tpu.memory_space<vmem>>[vector<16xi32>, vector<16xi32>], vector<16xf32>,
      %add3A_390 = arith.constant 1 : i32
      %add3A_391 = arith.addi %mul3A_376, %add3A_390 : i32
      %add3A_392 = vector.broadcast %add3A_391 : i32 to vector<16xi32>
      %add3A_393 = arith.addi %mul3A_5, %add3A_392 : vector<16xi32>
      tpu.vector_store_idx %arg7[%broadcast_in_dim3A_377, %add3A_393], %gather3A_389 : memref<4x1536xf32, #tpu.memory_space<vmem>>[vector<16xi32>, vector<16xi32>], vector<16xf32>,
      %add3A_394 = arith.constant 2 : i32
      %add3A_395 = vector.broadcast %add3A_394 : i32 to vector<16xi32>
      %add3A_396 = arith.addi %shift_left3A_370, %add3A_395 : vector<16xi32>
      %gather3A_397 = tpu.vector_load_idx %arg5[%shift_right_logical3A_364, %add3A_396] : memref<512x128xf32, #tpu.memory_space<vmem>>[vector<16xi32>, vector<16xi32>], vector<16xf32>,
      %add3A_398 = arith.constant 2 : i32
      %add3A_399 = arith.addi %mul3A_376, %add3A_398 : i32
      %add3A_400 = vector.broadcast %add3A_399 : i32 to vector<16xi32>
      %add3A_401 = arith.addi %mul3A_5, %add3A_400 : vector<16xi32>
      tpu.vector_store_idx %arg7[%broadcast_in_dim3A_377, %add3A_401], %gather3A_397 : memref<4x1536xf32, #tpu.memory_space<vmem>>[vector<16xi32>, vector<16xi32>], vector<16xf32>,
      %add3A_402 = arith.constant 3 : i32
      %add3A_403 = vector.broadcast %add3A_402 : i32 to vector<16xi32>
      %add3A_404 = arith.addi %shift_left3A_370, %add3A_403 : vector<16xi32>
      %gather3A_405 = tpu.vector_load_idx %arg5[%shift_right_logical3A_364, %add3A_404] : memref<512x128xf32, #tpu.memory_space<vmem>>[vector<16xi32>, vector<16xi32>], vector<16xf32>,
      %add3A_406 = arith.constant 3 : i32
      %add3A_407 = arith.addi %mul3A_376, %add3A_406 : i32
      %add3A_408 = vector.broadcast %add3A_407 : i32 to vector<16xi32>
      %add3A_409 = arith.addi %mul3A_5, %add3A_408 : vector<16xi32>
      tpu.vector_store_idx %arg7[%broadcast_in_dim3A_377, %add3A_409], %gather3A_405 : memref<4x1536xf32, #tpu.memory_space<vmem>>[vector<16xi32>, vector<16xi32>], vector<16xf32>,
      %add3A_410 = arith.constant 4 : i32
      %add3A_411 = vector.broadcast %add3A_410 : i32 to vector<16xi32>
      %add3A_412 = arith.addi %shift_left3A_370, %add3A_411 : vector<16xi32>
      %gather3A_413 = tpu.vector_load_idx %arg5[%shift_right_logical3A_364, %add3A_412] : memref<512x128xf32, #tpu.memory_space<vmem>>[vector<16xi32>, vector<16xi32>], vector<16xf32>,
      %add3A_414 = arith.constant 4 : i32
      %add3A_415 = arith.addi %mul3A_376, %add3A_414 : i32
      %add3A_416 = vector.broadcast %add3A_415 : i32 to vector<16xi32>
      %add3A_417 = arith.addi %mul3A_5, %add3A_416 : vector<16xi32>
      tpu.vector_store_idx %arg7[%broadcast_in_dim3A_377, %add3A_417], %gather3A_413 : memref<4x1536xf32, #tpu.memory_space<vmem>>[vector<16xi32>, vector<16xi32>], vector<16xf32>,
      %add3A_418 = arith.constant 5 : i32
      %add3A_419 = vector.broadcast %add3A_418 : i32 to vector<16xi32>
      %add3A_420 = arith.addi %shift_left3A_370, %add3A_419 : vector<16xi32>
      %gather3A_421 = tpu.vector_load_idx %arg5[%shift_right_logical3A_364, %add3A_420] : memref<512x128xf32, #tpu.memory_space<vmem>>[vector<16xi32>, vector<16xi32>], vector<16xf32>,
      %add3A_422 = arith.constant 5 : i32
      %add3A_423 = arith.addi %mul3A_376, %add3A_422 : i32
      %add3A_424 = vector.broadcast %add3A_423 : i32 to vector<16xi32>
      %add3A_425 = arith.addi %mul3A_5, %add3A_424 : vector<16xi32>
      tpu.vector_store_idx %arg7[%broadcast_in_dim3A_377, %add3A_425], %gather3A_421 : memref<4x1536xf32, #tpu.memory_space<vmem>>[vector<16xi32>, vector<16xi32>], vector<16xf32>,
      %mul3A_426 = arith.constant 128 : i32
      %mul3A_427 = arith.muli %scan3A_13, %mul3A_426 : i32
      %add3A_428 = arith.constant 96 : i32
      %add3A_429 = arith.addi %mul3A_427, %add3A_428 : i32
      %get3A_430 = arith.index_cast %add3A_429 : i32 to index
      %get3A_431 = tpu.vector_load %arg6[%get3A_430] {strides = array<i32>} : memref<1024xi32, #tpu.memory_space<vmem>>, vector<16xi32>,
      %shift_right_logical3A_432 = arith.constant 3 : i32
      %shift_right_logical3A_433 = vector.broadcast %shift_right_logical3A_432 : i32 to vector<16xi32>
      %shift_right_logical3A_434 = arith.shrui %get3A_431, %shift_right_logical3A_433 : vector<16xi32>
      %and3A_435 = arith.constant 7 : i32
      %and3A_436 = vector.broadcast %and3A_435 : i32 to vector<16xi32>
      %and3A_437 = arith.andi %get3A_431, %and3A_436 : vector<16xi32>
      %shift_left3A_438 = arith.constant 4 : i32
      %shift_left3A_439 = vector.broadcast %shift_left3A_438 : i32 to vector<16xi32>
      %shift_left3A_440 = arith.shli %and3A_437, %shift_left3A_439 : vector<16xi32>
      %div3A_441 = arith.constant 256 : i32
      %div3A_442 = arith.divsi %add3A_429, %div3A_441 : i32
      %rem3A_443 = arith.constant 256 : i32
      %rem3A_444 = arith.remsi %add3A_429, %rem3A_443 : i32
      %mul3A_445 = arith.constant 6 : i32
      %mul3A_446 = arith.muli %rem3A_444, %mul3A_445 : i32
      %broadcast_in_dim3A_447 = vector.broadcast %div3A_442 : i32 to vector<16xi32>
      %add3A_448 = arith.constant 0 : i32
      %add3A_449 = vector.broadcast %add3A_448 : i32 to vector<16xi32>
      %add3A_450 = arith.addi %shift_left3A_440, %add3A_449 : vector<16xi32>
      %gather3A_451 = tpu.vector_load_idx %arg5[%shift_right_logical3A_434, %add3A_450] : memref<512x128xf32, #tpu.memory_space<vmem>>[vector<16xi32>, vector<16xi32>], vector<16xf32>,
      %add3A_452 = arith.constant 0 : i32
      %add3A_453 = arith.addi %mul3A_446, %add3A_452 : i32
      %add3A_454 = vector.broadcast %add3A_453 : i32 to vector<16xi32>
      %add3A_455 = arith.addi %mul3A_5, %add3A_454 : vector<16xi32>
      tpu.vector_store_idx %arg7[%broadcast_in_dim3A_447, %add3A_455], %gather3A_451 : memref<4x1536xf32, #tpu.memory_space<vmem>>[vector<16xi32>, vector<16xi32>], vector<16xf32>,
      %add3A_456 = arith.constant 1 : i32
      %add3A_457 = vector.broadcast %add3A_456 : i32 to vector<16xi32>
      %add3A_458 = arith.addi %shift_left3A_440, %add3A_457 : vector<16xi32>
      %gather3A_459 = tpu.vector_load_idx %arg5[%shift_right_logical3A_434, %add3A_458] : memref<512x128xf32, #tpu.memory_space<vmem>>[vector<16xi32>, vector<16xi32>], vector<16xf32>,
      %add3A_460 = arith.constant 1 : i32
      %add3A_461 = arith.addi %mul3A_446, %add3A_460 : i32
      %add3A_462 = vector.broadcast %add3A_461 : i32 to vector<16xi32>
      %add3A_463 = arith.addi %mul3A_5, %add3A_462 : vector<16xi32>
      tpu.vector_store_idx %arg7[%broadcast_in_dim3A_447, %add3A_463], %gather3A_459 : memref<4x1536xf32, #tpu.memory_space<vmem>>[vector<16xi32>, vector<16xi32>], vector<16xf32>,
      %add3A_464 = arith.constant 2 : i32
      %add3A_465 = vector.broadcast %add3A_464 : i32 to vector<16xi32>
      %add3A_466 = arith.addi %shift_left3A_440, %add3A_465 : vector<16xi32>
      %gather3A_467 = tpu.vector_load_idx %arg5[%shift_right_logical3A_434, %add3A_466] : memref<512x128xf32, #tpu.memory_space<vmem>>[vector<16xi32>, vector<16xi32>], vector<16xf32>,
      %add3A_468 = arith.constant 2 : i32
      %add3A_469 = arith.addi %mul3A_446, %add3A_468 : i32
      %add3A_470 = vector.broadcast %add3A_469 : i32 to vector<16xi32>
      %add3A_471 = arith.addi %mul3A_5, %add3A_470 : vector<16xi32>
      tpu.vector_store_idx %arg7[%broadcast_in_dim3A_447, %add3A_471], %gather3A_467 : memref<4x1536xf32, #tpu.memory_space<vmem>>[vector<16xi32>, vector<16xi32>], vector<16xf32>,
      %add3A_472 = arith.constant 3 : i32
      %add3A_473 = vector.broadcast %add3A_472 : i32 to vector<16xi32>
      %add3A_474 = arith.addi %shift_left3A_440, %add3A_473 : vector<16xi32>
      %gather3A_475 = tpu.vector_load_idx %arg5[%shift_right_logical3A_434, %add3A_474] : memref<512x128xf32, #tpu.memory_space<vmem>>[vector<16xi32>, vector<16xi32>], vector<16xf32>,
      %add3A_476 = arith.constant 3 : i32
      %add3A_477 = arith.addi %mul3A_446, %add3A_476 : i32
      %add3A_478 = vector.broadcast %add3A_477 : i32 to vector<16xi32>
      %add3A_479 = arith.addi %mul3A_5, %add3A_478 : vector<16xi32>
      tpu.vector_store_idx %arg7[%broadcast_in_dim3A_447, %add3A_479], %gather3A_475 : memref<4x1536xf32, #tpu.memory_space<vmem>>[vector<16xi32>, vector<16xi32>], vector<16xf32>,
      %add3A_480 = arith.constant 4 : i32
      %add3A_481 = vector.broadcast %add3A_480 : i32 to vector<16xi32>
      %add3A_482 = arith.addi %shift_left3A_440, %add3A_481 : vector<16xi32>
      %gather3A_483 = tpu.vector_load_idx %arg5[%shift_right_logical3A_434, %add3A_482] : memref<512x128xf32, #tpu.memory_space<vmem>>[vector<16xi32>, vector<16xi32>], vector<16xf32>,
      %add3A_484 = arith.constant 4 : i32
      %add3A_485 = arith.addi %mul3A_446, %add3A_484 : i32
      %add3A_486 = vector.broadcast %add3A_485 : i32 to vector<16xi32>
      %add3A_487 = arith.addi %mul3A_5, %add3A_486 : vector<16xi32>
      tpu.vector_store_idx %arg7[%broadcast_in_dim3A_447, %add3A_487], %gather3A_483 : memref<4x1536xf32, #tpu.memory_space<vmem>>[vector<16xi32>, vector<16xi32>], vector<16xf32>,
      %add3A_488 = arith.constant 5 : i32
      %add3A_489 = vector.broadcast %add3A_488 : i32 to vector<16xi32>
      %add3A_490 = arith.addi %shift_left3A_440, %add3A_489 : vector<16xi32>
      %gather3A_491 = tpu.vector_load_idx %arg5[%shift_right_logical3A_434, %add3A_490] : memref<512x128xf32, #tpu.memory_space<vmem>>[vector<16xi32>, vector<16xi32>], vector<16xf32>,
      %add3A_492 = arith.constant 5 : i32
      %add3A_493 = arith.addi %mul3A_446, %add3A_492 : i32
      %add3A_494 = vector.broadcast %add3A_493 : i32 to vector<16xi32>
      %add3A_495 = arith.addi %mul3A_5, %add3A_494 : vector<16xi32>
      tpu.vector_store_idx %arg7[%broadcast_in_dim3A_447, %add3A_495], %gather3A_491 : memref<4x1536xf32, #tpu.memory_space<vmem>>[vector<16xi32>, vector<16xi32>], vector<16xf32>,
      %mul3A_496 = arith.constant 128 : i32
      %mul3A_497 = arith.muli %scan3A_13, %mul3A_496 : i32
      %add3A_498 = arith.constant 112 : i32
      %add3A_499 = arith.addi %mul3A_497, %add3A_498 : i32
      %get3A_500 = arith.index_cast %add3A_499 : i32 to index
      %get3A_501 = tpu.vector_load %arg6[%get3A_500] {strides = array<i32>} : memref<1024xi32, #tpu.memory_space<vmem>>, vector<16xi32>,
      %shift_right_logical3A_502 = arith.constant 3 : i32
      %shift_right_logical3A_503 = vector.broadcast %shift_right_logical3A_502 : i32 to vector<16xi32>
      %shift_right_logical3A_504 = arith.shrui %get3A_501, %shift_right_logical3A_503 : vector<16xi32>
      %and3A_505 = arith.constant 7 : i32
      %and3A_506 = vector.broadcast %and3A_505 : i32 to vector<16xi32>
      %and3A_507 = arith.andi %get3A_501, %and3A_506 : vector<16xi32>
      %shift_left3A_508 = arith.constant 4 : i32
      %shift_left3A_509 = vector.broadcast %shift_left3A_508 : i32 to vector<16xi32>
      %shift_left3A_510 = arith.shli %and3A_507, %shift_left3A_509 : vector<16xi32>
      %div3A_511 = arith.constant 256 : i32
      %div3A_512 = arith.divsi %add3A_499, %div3A_511 : i32
      %rem3A_513 = arith.constant 256 : i32
      %rem3A_514 = arith.remsi %add3A_499, %rem3A_513 : i32
      %mul3A_515 = arith.constant 6 : i32
      %mul3A_516 = arith.muli %rem3A_514, %mul3A_515 : i32
      %broadcast_in_dim3A_517 = vector.broadcast %div3A_512 : i32 to vector<16xi32>
      %add3A_518 = arith.constant 0 : i32
      %add3A_519 = vector.broadcast %add3A_518 : i32 to vector<16xi32>
      %add3A_520 = arith.addi %shift_left3A_510, %add3A_519 : vector<16xi32>
      %gather3A_521 = tpu.vector_load_idx %arg5[%shift_right_logical3A_504, %add3A_520] : memref<512x128xf32, #tpu.memory_space<vmem>>[vector<16xi32>, vector<16xi32>], vector<16xf32>,
      %add3A_522 = arith.constant 0 : i32
      %add3A_523 = arith.addi %mul3A_516, %add3A_522 : i32
      %add3A_524 = vector.broadcast %add3A_523 : i32 to vector<16xi32>
      %add3A_525 = arith.addi %mul3A_5, %add3A_524 : vector<16xi32>
      tpu.vector_store_idx %arg7[%broadcast_in_dim3A_517, %add3A_525], %gather3A_521 : memref<4x1536xf32, #tpu.memory_space<vmem>>[vector<16xi32>, vector<16xi32>], vector<16xf32>,
      %add3A_526 = arith.constant 1 : i32
      %add3A_527 = vector.broadcast %add3A_526 : i32 to vector<16xi32>
      %add3A_528 = arith.addi %shift_left3A_510, %add3A_527 : vector<16xi32>
      %gather3A_529 = tpu.vector_load_idx %arg5[%shift_right_logical3A_504, %add3A_528] : memref<512x128xf32, #tpu.memory_space<vmem>>[vector<16xi32>, vector<16xi32>], vector<16xf32>,
      %add3A_530 = arith.constant 1 : i32
      %add3A_531 = arith.addi %mul3A_516, %add3A_530 : i32
      %add3A_532 = vector.broadcast %add3A_531 : i32 to vector<16xi32>
      %add3A_533 = arith.addi %mul3A_5, %add3A_532 : vector<16xi32>
      tpu.vector_store_idx %arg7[%broadcast_in_dim3A_517, %add3A_533], %gather3A_529 : memref<4x1536xf32, #tpu.memory_space<vmem>>[vector<16xi32>, vector<16xi32>], vector<16xf32>,
      %add3A_534 = arith.constant 2 : i32
      %add3A_535 = vector.broadcast %add3A_534 : i32 to vector<16xi32>
      %add3A_536 = arith.addi %shift_left3A_510, %add3A_535 : vector<16xi32>
      %gather3A_537 = tpu.vector_load_idx %arg5[%shift_right_logical3A_504, %add3A_536] : memref<512x128xf32, #tpu.memory_space<vmem>>[vector<16xi32>, vector<16xi32>], vector<16xf32>,
      %add3A_538 = arith.constant 2 : i32
      %add3A_539 = arith.addi %mul3A_516, %add3A_538 : i32
      %add3A_540 = vector.broadcast %add3A_539 : i32 to vector<16xi32>
      %add3A_541 = arith.addi %mul3A_5, %add3A_540 : vector<16xi32>
      tpu.vector_store_idx %arg7[%broadcast_in_dim3A_517, %add3A_541], %gather3A_537 : memref<4x1536xf32, #tpu.memory_space<vmem>>[vector<16xi32>, vector<16xi32>], vector<16xf32>,
      %add3A_542 = arith.constant 3 : i32
      %add3A_543 = vector.broadcast %add3A_542 : i32 to vector<16xi32>
      %add3A_544 = arith.addi %shift_left3A_510, %add3A_543 : vector<16xi32>
      %gather3A_545 = tpu.vector_load_idx %arg5[%shift_right_logical3A_504, %add3A_544] : memref<512x128xf32, #tpu.memory_space<vmem>>[vector<16xi32>, vector<16xi32>], vector<16xf32>,
      %add3A_546 = arith.constant 3 : i32
      %add3A_547 = arith.addi %mul3A_516, %add3A_546 : i32
      %add3A_548 = vector.broadcast %add3A_547 : i32 to vector<16xi32>
      %add3A_549 = arith.addi %mul3A_5, %add3A_548 : vector<16xi32>
      tpu.vector_store_idx %arg7[%broadcast_in_dim3A_517, %add3A_549], %gather3A_545 : memref<4x1536xf32, #tpu.memory_space<vmem>>[vector<16xi32>, vector<16xi32>], vector<16xf32>,
      %add3A_550 = arith.constant 4 : i32
      %add3A_551 = vector.broadcast %add3A_550 : i32 to vector<16xi32>
      %add3A_552 = arith.addi %shift_left3A_510, %add3A_551 : vector<16xi32>
      %gather3A_553 = tpu.vector_load_idx %arg5[%shift_right_logical3A_504, %add3A_552] : memref<512x128xf32, #tpu.memory_space<vmem>>[vector<16xi32>, vector<16xi32>], vector<16xf32>,
      %add3A_554 = arith.constant 4 : i32
      %add3A_555 = arith.addi %mul3A_516, %add3A_554 : i32
      %add3A_556 = vector.broadcast %add3A_555 : i32 to vector<16xi32>
      %add3A_557 = arith.addi %mul3A_5, %add3A_556 : vector<16xi32>
      tpu.vector_store_idx %arg7[%broadcast_in_dim3A_517, %add3A_557], %gather3A_553 : memref<4x1536xf32, #tpu.memory_space<vmem>>[vector<16xi32>, vector<16xi32>], vector<16xf32>,
      %add3A_558 = arith.constant 5 : i32
      %add3A_559 = vector.broadcast %add3A_558 : i32 to vector<16xi32>
      %add3A_560 = arith.addi %shift_left3A_510, %add3A_559 : vector<16xi32>
      %gather3A_561 = tpu.vector_load_idx %arg5[%shift_right_logical3A_504, %add3A_560] : memref<512x128xf32, #tpu.memory_space<vmem>>[vector<16xi32>, vector<16xi32>], vector<16xf32>,
      %add3A_562 = arith.constant 5 : i32
      %add3A_563 = arith.addi %mul3A_516, %add3A_562 : i32
      %add3A_564 = vector.broadcast %add3A_563 : i32 to vector<16xi32>
      %add3A_565 = arith.addi %mul3A_5, %add3A_564 : vector<16xi32>
      tpu.vector_store_idx %arg7[%broadcast_in_dim3A_517, %add3A_565], %gather3A_561 : memref<4x1536xf32, #tpu.memory_space<vmem>>[vector<16xi32>, vector<16xi32>], vector<16xf32>,
    }
    %scan3A_10 = arith.constant 8 : i32
    %mul3A_11 = arith.constant 4 : i32
    %mul3A_12 = arith.muli %add3A, %mul3A_11 : i32
    "tpu.region"() ({
      %run_scoped3A = tpu.sem_alloc : memref<!tpu.dma_semaphore, #tpu.memory_space<semaphore_mem>>
      %dma_start3A = arith.constant 0 : i32
      %dma_start3A_13 = tpu.memref_slice %arg4[%mul3A_12, %dma_start3A] : memref<128x1536xf32, #tpu.memory_space<hbm>> -> memref<4x1536xf32, #tpu.memory_space<hbm>>
      %dma_start3A_14 = arith.constant 0 : i32
      %dma_start3A_15 = tpu.memref_slice %arg4[%mul3A_12, %dma_start3A_14] : memref<128x1536xf32, #tpu.memory_space<hbm>> -> memref<4x1536xf32, #tpu.memory_space<hbm>>
      tpu.enqueue_dma source(%arg7 : memref<4x1536xf32, #tpu.memory_space<vmem>>) target(%dma_start3A_15 : memref<4x1536xf32, #tpu.memory_space<hbm>>) target_semaphore(%run_scoped3A : memref<!tpu.dma_semaphore, #tpu.memory_space<semaphore_mem>>)
      %dma_wait3A = arith.constant 0 : i32
      %dma_wait3A_16 = tpu.memref_slice %arg4[%mul3A_12, %dma_wait3A] : memref<128x1536xf32, #tpu.memory_space<hbm>> -> memref<4x1536xf32, #tpu.memory_space<hbm>>
      %dma_wait3A_17 = arith.constant 0 : i32
      %dma_wait3A_18 = tpu.memref_slice %arg4[%mul3A_12, %dma_wait3A_17] : memref<128x1536xf32, #tpu.memory_space<hbm>> -> memref<4x1536xf32, #tpu.memory_space<hbm>>
      tpu.wait_dma2 semaphore(%run_scoped3A : memref<!tpu.dma_semaphore, #tpu.memory_space<semaphore_mem>>) src(%arg7 : memref<4x1536xf32, #tpu.memory_space<vmem>>) dst(%dma_wait3A_18 : memref<4x1536xf32, #tpu.memory_space<hbm>>)
      tpu.yield
    }) : () -> ()
    return
  }
}

module attributes {stable_mosaic.version = 14 : i64} {
  func.func @_tc_body(%arg0: i32, %arg1: memref<8x2048xf32, #tpu.memory_space<vmem>>, %arg2: memref<128x8xf32, #tpu.memory_space<vmem>>, %arg3: memref<128x1xf32, #tpu.memory_space<vmem>>, %arg4: memref<128x128xf32, #tpu.memory_space<vmem>>, %arg5: memref<128x1xf32, #tpu.memory_space<vmem>>, %arg6: memref<4096x128xf32, #tpu.memory_space<vmem>>, %arg7: memref<128x16xf32, #tpu.memory_space<vmem>>, %arg8: memref<1x16xf32, #tpu.memory_space<vmem>>, %arg9: memref<2048xi32, #tpu.memory_space<vmem>>, %arg10: memref<4096x16xf32, #tpu.memory_space<vmem>>, %arg11: memref<4096x256xbf16, #tpu.memory_space<vmem>>) attributes {dimension_semantics = [#tpu.dimension_semantics<arbitrary>], iteration_bounds = array<i64: 16>, scalar_prefetch = 0 : i64, scratch_operands = 1 : i64, tpu.core_type = #tpu.core_type<tc>, window_params = [{transform_indices = @transform_0, window_bounds = array<i64: 8, 2048>}, {pipeline_mode = #tpu.pipeline_mode<synchronous>, transform_indices = @transform_1, window_bounds = array<i64: 128, 8>}, {pipeline_mode = #tpu.pipeline_mode<synchronous>, transform_indices = @transform_2, window_bounds = array<i64: 128, 1>}, {pipeline_mode = #tpu.pipeline_mode<synchronous>, transform_indices = @transform_3, window_bounds = array<i64: 128, 128>}, {pipeline_mode = #tpu.pipeline_mode<synchronous>, transform_indices = @transform_4, window_bounds = array<i64: 128, 1>}, {pipeline_mode = #tpu.pipeline_mode<synchronous>, transform_indices = @transform_5, window_bounds = array<i64: 4096, 128>}, {pipeline_mode = #tpu.pipeline_mode<synchronous>, transform_indices = @transform_6, window_bounds = array<i64: 128, 16>}, {pipeline_mode = #tpu.pipeline_mode<synchronous>, transform_indices = @transform_7, window_bounds = array<i64: 1, 16>}, {transform_indices = @transform_8, window_bounds = array<i64: 2048>}, {pipeline_mode = #tpu.pipeline_mode<synchronous>, transform_indices = @transform_9, window_bounds = array<i64: 4096, 16>}]} {
    %eq3A = arith.constant 0 : i32
    %eq3A_0 = arith.cmpi eq, %arg0, %eq3A : i32
    %convert_element_type3A = arith.extui %eq3A_0 : i1 to i32
    %cond3A = arith.constant 0 : i32
    %cond3A_1 = arith.cmpi ne, %convert_element_type3A, %cond3A : i32
    scf.if %cond3A_1 {
      %get3A_1586 = arith.constant 0 : index
      %get3A_1587 = arith.constant 0 : index
      %get3A_1588 = vector.load %arg6[%get3A_1586, %get3A_1587] : memref<4096x128xf32, #tpu.memory_space<vmem>>, vector<4096x128xf32>
      %get3A_1589 = arith.constant 0 : index
      %get3A_1590 = arith.constant 0 : index
      %get3A_1591 = vector.load %arg7[%get3A_1589, %get3A_1590] : memref<128x16xf32, #tpu.memory_space<vmem>>, vector<128x16xf32>
      %dot_general3A_1592 = arith.constant dense<0.000000e+00> : vector<4096x16xf32>
      %dot_general3A_1593 = tpu.matmul %get3A_1588, %get3A_1591, %dot_general3A_1592 {dimension_numbers = #tpu.dot_dimension_numbers<[1], [0], [0], [1], [0, 0, 1, 1], [], []>, transpose_lhs_hint = false} : vector<4096x128xf32>, vector<128x16xf32>, vector<4096x16xf32> -> vector<4096x16xf32>
      %get3A_1594 = arith.constant 0 : index
      %get3A_1595 = arith.constant 0 : index
      %get3A_1596 = vector.load %arg8[%get3A_1594, %get3A_1595] : memref<1x16xf32, #tpu.memory_space<vmem>>, vector<1x16xf32>
      %add3A_1597 = vector.broadcast %get3A_1596 : vector<1x16xf32> to vector<4096x16xf32>
      %add3A_1598 = arith.addf %dot_general3A_1593, %add3A_1597 : vector<4096x16xf32>
      %swap3A_1599 = arith.constant 0 : index
      %swap3A_1600 = arith.constant 0 : index
      %swap3A_1601 = vector.load %arg10[%swap3A_1599, %swap3A_1600] : memref<4096x16xf32, #tpu.memory_space<vmem>>, vector<4096x16xf32>
      tpu.vector_store %arg10[%swap3A_1599, %swap3A_1600], %add3A_1598 {strides = array<i32>} : memref<4096x16xf32, #tpu.memory_space<vmem>>, vector<4096x16xf32>,
      %mul3A_1602 = arith.mulf %get3A_1588, %get3A_1588 : vector<4096x128xf32>
      %reduce_sum3A = arith.constant dense<0.000000e+00> : vector<4096xf32>
      %reduce_sum3A_1603 = vector.multi_reduction <add>, %mul3A_1602, %reduce_sum3A [1] : vector<4096x128xf32> to vector<4096xf32>
      %broadcast_in_dim3A_1604 = vector.shape_cast %reduce_sum3A_1603 : vector<4096xf32> to vector<4096x1xf32>
      %convert_element_type3A_1605 = arith.truncf %broadcast_in_dim3A_1604 : vector<4096x1xf32> to vector<4096x1xbf16>
      %convert_element_type3A_1606 = arith.extf %convert_element_type3A_1605 : vector<4096x1xbf16> to vector<4096x1xf32>
      %sub3A = arith.subf %broadcast_in_dim3A_1604, %convert_element_type3A_1606 : vector<4096x1xf32>
      %convert_element_type3A_1607 = arith.truncf %sub3A : vector<4096x1xf32> to vector<4096x1xbf16>
      %convert_element_type3A_1608 = arith.extf %convert_element_type3A_1607 : vector<4096x1xbf16> to vector<4096x1xf32>
      %sub3A_1609 = arith.subf %sub3A, %convert_element_type3A_1608 : vector<4096x1xf32>
      %convert_element_type3A_1610 = arith.truncf %sub3A_1609 : vector<4096x1xf32> to vector<4096x1xbf16>
      %convert_element_type3A_1611 = arith.extf %convert_element_type3A_1610 : vector<4096x1xbf16> to vector<4096x1xf32>
      %iota3A_1612 = tpu.iota {dimensions = array<i32: 1>} : vector<4096x128xi32>
      %eq3A_1613 = arith.constant 0 : i32
      %eq3A_1614 = vector.broadcast %eq3A_1613 : i32 to vector<4096x128xi32>
      %eq3A_1615 = arith.cmpi eq, %iota3A_1612, %eq3A_1614 : vector<4096x128xi32>
      %eq3A_1616 = arith.constant 1 : i32
      %eq3A_1617 = vector.broadcast %eq3A_1616 : i32 to vector<4096x128xi32>
      %eq3A_1618 = arith.cmpi eq, %iota3A_1612, %eq3A_1617 : vector<4096x128xi32>
      %eq3A_1619 = arith.constant 2 : i32
      %eq3A_1620 = vector.broadcast %eq3A_1619 : i32 to vector<4096x128xi32>
      %eq3A_1621 = arith.cmpi eq, %iota3A_1612, %eq3A_1620 : vector<4096x128xi32>
      %jit3A_1622 = arith.constant 0.000000e+00 : f32
      %broadcast_in_dim3A_1623 = vector.shape_cast %convert_element_type3A_1611 : vector<4096x1xf32> to vector<4096x1xf32>
      %broadcast_in_dim3A_1624 = vector.broadcast %broadcast_in_dim3A_1623 : vector<4096x1xf32> to vector<4096x128xf32>
      %broadcast_in_dim3A_1625 = vector.broadcast %jit3A_1622 : f32 to vector<4096x128xf32>
      %select_n3A_1626 = arith.select %eq3A_1621, %broadcast_in_dim3A_1624, %broadcast_in_dim3A_1625 : vector<4096x128xi1>, vector<4096x128xf32>
      %broadcast_in_dim3A_1627 = vector.shape_cast %convert_element_type3A_1608 : vector<4096x1xf32> to vector<4096x1xf32>
      %broadcast_in_dim3A_1628 = vector.broadcast %broadcast_in_dim3A_1627 : vector<4096x1xf32> to vector<4096x128xf32>
      %select_n3A_1629 = arith.select %eq3A_1618, %broadcast_in_dim3A_1628, %select_n3A_1626 : vector<4096x128xi1>, vector<4096x128xf32>
      %broadcast_in_dim3A_1630 = vector.shape_cast %convert_element_type3A_1606 : vector<4096x1xf32> to vector<4096x1xf32>
      %broadcast_in_dim3A_1631 = vector.broadcast %broadcast_in_dim3A_1630 : vector<4096x1xf32> to vector<4096x128xf32>
      %select_n3A_1632 = arith.select %eq3A_1615, %broadcast_in_dim3A_1631, %select_n3A_1629 : vector<4096x128xi1>, vector<4096x128xf32>
      %convert_element_type3A_1633 = arith.truncf %get3A_1588 : vector<4096x128xf32> to vector<4096x128xbf16>
      %swap3A_1634 = arith.constant 0 : index
      %swap3A_1635 = arith.constant 0 : index
      %swap3A_1636 = vector.load %arg11[%swap3A_1634, %swap3A_1635] : memref<4096x256xbf16, #tpu.memory_space<vmem>>, vector<4096x128xbf16>
      tpu.vector_store %arg11[%swap3A_1634, %swap3A_1635], %convert_element_type3A_1633 {strides = array<i32>} : memref<4096x256xbf16, #tpu.memory_space<vmem>>, vector<4096x128xbf16>,
      %convert_element_type3A_1637 = arith.truncf %select_n3A_1632 : vector<4096x128xf32> to vector<4096x128xbf16>
      %swap3A_1638 = arith.constant 0 : index
      %swap3A_1639 = arith.constant 128 : index
      %swap3A_1640 = vector.load %arg11[%swap3A_1638, %swap3A_1639] : memref<4096x256xbf16, #tpu.memory_space<vmem>>, vector<4096x128xbf16>
      tpu.vector_store %arg11[%swap3A_1638, %swap3A_1639], %convert_element_type3A_1637 {strides = array<i32>} : memref<4096x256xbf16, #tpu.memory_space<vmem>>, vector<4096x128xbf16>,
    } else {
    }
    %get3A = arith.constant 0 : index
    %get3A_2 = arith.constant 0 : index
    %get3A_3 = vector.load %arg2[%get3A, %get3A_2] : memref<128x8xf32, #tpu.memory_space<vmem>>, vector<128x8xf32>
    %get3A_4 = arith.constant 0 : index
    %get3A_5 = arith.constant 0 : index
    %get3A_6 = vector.load %arg1[%get3A_4, %get3A_5] : memref<8x2048xf32, #tpu.memory_space<vmem>>, vector<8x2048xf32>
    %dot_general3A = arith.constant dense<0.000000e+00> : vector<128x2048xf32>
    %dot_general3A_7 = tpu.matmul %get3A_3, %get3A_6, %dot_general3A {dimension_numbers = #tpu.dot_dimension_numbers<[1], [0], [0], [1], [0, 0, 1, 1], [], []>, transpose_lhs_hint = false} : vector<128x8xf32>, vector<8x2048xf32>, vector<128x2048xf32> -> vector<128x2048xf32>
    %get3A_8 = arith.constant 0 : index
    %get3A_9 = arith.constant 0 : index
    %get3A_10 = vector.load %arg3[%get3A_8, %get3A_9] : memref<128x1xf32, #tpu.memory_space<vmem>>, vector<128x1xf32>
    %add3A = vector.broadcast %get3A_10 : vector<128x1xf32> to vector<128x2048xf32>
    %add3A_11 = arith.addf %dot_general3A_7, %add3A : vector<128x2048xf32>
    %max3A = arith.constant 0.000000e+00 : f32
    %max3A_12 = vector.broadcast %max3A : f32 to vector<128x2048xf32>
    %max3A_13 = arith.maximumf %add3A_11, %max3A_12 : vector<128x2048xf32>
    %get3A_14 = arith.constant 0 : index
    %get3A_15 = arith.constant 0 : index
    %get3A_16 = vector.load %arg4[%get3A_14, %get3A_15] : memref<128x128xf32, #tpu.memory_space<vmem>>, vector<128x128xf32>
    %dot_general3A_17 = arith.constant dense<0.000000e+00> : vector<128x2048xf32>
    %dot_general3A_18 = tpu.matmul %get3A_16, %max3A_13, %dot_general3A_17 {dimension_numbers = #tpu.dot_dimension_numbers<[1], [0], [0], [1], [0, 0, 1, 1], [], []>, transpose_lhs_hint = false} : vector<128x128xf32>, vector<128x2048xf32>, vector<128x2048xf32> -> vector<128x2048xf32>
    %get3A_19 = arith.constant 0 : index
    %get3A_20 = arith.constant 0 : index
    %get3A_21 = vector.load %arg5[%get3A_19, %get3A_20] : memref<128x1xf32, #tpu.memory_space<vmem>>, vector<128x1xf32>
    %add3A_22 = vector.broadcast %get3A_21 : vector<128x1xf32> to vector<128x2048xf32>
    %add3A_23 = arith.addf %dot_general3A_18, %add3A_22 : vector<128x2048xf32>
    %max3A_24 = arith.constant 0.000000e+00 : f32
    %max3A_25 = vector.broadcast %max3A_24 : f32 to vector<128x2048xf32>
    %max3A_26 = arith.maximumf %add3A_23, %max3A_25 : vector<128x2048xf32>
    %iota3A = tpu.iota {dimensions = array<i32: 0>} : vector<128x2048xi32>
    %lt3A = arith.constant 3 : i32
    %lt3A_27 = vector.broadcast %lt3A : i32 to vector<128x2048xi32>
    %lt3A_28 = arith.cmpi slt, %iota3A, %lt3A_27 : vector<128x2048xi32>
    %jit3A = arith.constant 1.000000e+00 : f32
    %jit3A_29 = arith.constant 0.000000e+00 : f32
    %broadcast_in_dim3A = vector.broadcast %jit3A : f32 to vector<128x2048xf32>
    %broadcast_in_dim3A_30 = vector.broadcast %jit3A_29 : f32 to vector<128x2048xf32>
    %select_n3A = arith.select %lt3A_28, %broadcast_in_dim3A, %broadcast_in_dim3A_30 : vector<128x2048xi1>, vector<128x2048xf32>
    %mul3A = arith.constant -2.000000e+00 : f32
    %mul3A_31 = vector.broadcast %mul3A : f32 to vector<128x2048xf32>
    %mul3A_32 = arith.mulf %max3A_26, %mul3A_31 : vector<128x2048xf32>
    %concatenate3A = tpu.concatenate %mul3A_32, %select_n3A in 0 : vector<128x2048xf32>, vector<128x2048xf32> -> vector<256x2048xf32>
    %get3A_33 = arith.constant 0 : index
    %get3A_34 = arith.constant 0 : index
    %get3A_35 = vector.load %arg11[%get3A_33, %get3A_34] : memref<4096x256xbf16, #tpu.memory_space<vmem>>, vector<4096x256xbf16>
    %convert_element_type3A_36 = arith.truncf %concatenate3A : vector<256x2048xf32> to vector<256x2048xbf16>
    %dot_general3A_37 = arith.constant dense<0.000000e+00> : vector<4096x2048xf32>
    %dot_general3A_38 = tpu.matmul %get3A_35, %convert_element_type3A_36, %dot_general3A_37 {dimension_numbers = #tpu.dot_dimension_numbers<[1], [0], [0], [1], [0, 0, 1, 1], [], []>, transpose_lhs_hint = false} : vector<4096x256xbf16>, vector<256x2048xbf16>, vector<4096x2048xf32> -> vector<4096x2048xf32>
    %slice3A = vector.extract_strided_slice %dot_general3A_38 {offsets = [0, 0], sizes = [16, 2048], strides = [1, 1]} : vector<4096x2048xf32> to vector<16x2048xf32>
    %broadcast_in_dim3A_39 = arith.constant 0 : i32
    %broadcast_in_dim3A_40 = vector.broadcast %broadcast_in_dim3A_39 : i32 to vector<16x2048xi32>
    %slice3A_41 = vector.extract_strided_slice %dot_general3A_38 {offsets = [16, 0], sizes = [16, 2048], strides = [1, 1]} : vector<4096x2048xf32> to vector<16x2048xf32>
    %lt3A_42 = arith.cmpf olt, %slice3A_41, %slice3A : vector<16x2048xf32>
    %min3A = arith.minimumf %slice3A, %slice3A_41 : vector<16x2048xf32>
    %jit3A_43 = arith.constant 1 : i32
    %broadcast_in_dim3A_44 = vector.broadcast %jit3A_43 : i32 to vector<16x2048xi32>
    %select_n3A_45 = arith.select %lt3A_42, %broadcast_in_dim3A_44, %broadcast_in_dim3A_40 : vector<16x2048xi1>, vector<16x2048xi32>
    %slice3A_46 = vector.extract_strided_slice %dot_general3A_38 {offsets = [32, 0], sizes = [16, 2048], strides = [1, 1]} : vector<4096x2048xf32> to vector<16x2048xf32>
    %lt3A_47 = arith.cmpf olt, %slice3A_46, %min3A : vector<16x2048xf32>
    %min3A_48 = arith.minimumf %min3A, %slice3A_46 : vector<16x2048xf32>
    %jit3A_49 = arith.constant 2 : i32
    %broadcast_in_dim3A_50 = vector.broadcast %jit3A_49 : i32 to vector<16x2048xi32>
    %select_n3A_51 = arith.select %lt3A_47, %broadcast_in_dim3A_50, %select_n3A_45 : vector<16x2048xi1>, vector<16x2048xi32>
    %slice3A_52 = vector.extract_strided_slice %dot_general3A_38 {offsets = [48, 0], sizes = [16, 2048], strides = [1, 1]} : vector<4096x2048xf32> to vector<16x2048xf32>
    %lt3A_53 = arith.cmpf olt, %slice3A_52, %min3A_48 : vector<16x2048xf32>
    %min3A_54 = arith.minimumf %min3A_48, %slice3A_52 : vector<16x2048xf32>
    %jit3A_55 = arith.constant 3 : i32
    %broadcast_in_dim3A_56 = vector.broadcast %jit3A_55 : i32 to vector<16x2048xi32>
    %select_n3A_57 = arith.select %lt3A_53, %broadcast_in_dim3A_56, %select_n3A_51 : vector<16x2048xi1>, vector<16x2048xi32>
    %slice3A_58 = vector.extract_strided_slice %dot_general3A_38 {offsets = [64, 0], sizes = [16, 2048], strides = [1, 1]} : vector<4096x2048xf32> to vector<16x2048xf32>
    %lt3A_59 = arith.cmpf olt, %slice3A_58, %min3A_54 : vector<16x2048xf32>
    %min3A_60 = arith.minimumf %min3A_54, %slice3A_58 : vector<16x2048xf32>
    %jit3A_61 = arith.constant 4 : i32
    %broadcast_in_dim3A_62 = vector.broadcast %jit3A_61 : i32 to vector<16x2048xi32>
    %select_n3A_63 = arith.select %lt3A_59, %broadcast_in_dim3A_62, %select_n3A_57 : vector<16x2048xi1>, vector<16x2048xi32>
    %slice3A_64 = vector.extract_strided_slice %dot_general3A_38 {offsets = [80, 0], sizes = [16, 2048], strides = [1, 1]} : vector<4096x2048xf32> to vector<16x2048xf32>
    %lt3A_65 = arith.cmpf olt, %slice3A_64, %min3A_60 : vector<16x2048xf32>
    %min3A_66 = arith.minimumf %min3A_60, %slice3A_64 : vector<16x2048xf32>
    %jit3A_67 = arith.constant 5 : i32
    %broadcast_in_dim3A_68 = vector.broadcast %jit3A_67 : i32 to vector<16x2048xi32>
    %select_n3A_69 = arith.select %lt3A_65, %broadcast_in_dim3A_68, %select_n3A_63 : vector<16x2048xi1>, vector<16x2048xi32>
    %slice3A_70 = vector.extract_strided_slice %dot_general3A_38 {offsets = [96, 0], sizes = [16, 2048], strides = [1, 1]} : vector<4096x2048xf32> to vector<16x2048xf32>
    %lt3A_71 = arith.cmpf olt, %slice3A_70, %min3A_66 : vector<16x2048xf32>
    %min3A_72 = arith.minimumf %min3A_66, %slice3A_70 : vector<16x2048xf32>
    %jit3A_73 = arith.constant 6 : i32
    %broadcast_in_dim3A_74 = vector.broadcast %jit3A_73 : i32 to vector<16x2048xi32>
    %select_n3A_75 = arith.select %lt3A_71, %broadcast_in_dim3A_74, %select_n3A_69 : vector<16x2048xi1>, vector<16x2048xi32>
    %slice3A_76 = vector.extract_strided_slice %dot_general3A_38 {offsets = [112, 0], sizes = [16, 2048], strides = [1, 1]} : vector<4096x2048xf32> to vector<16x2048xf32>
    %lt3A_77 = arith.cmpf olt, %slice3A_76, %min3A_72 : vector<16x2048xf32>
    %min3A_78 = arith.minimumf %min3A_72, %slice3A_76 : vector<16x2048xf32>
    %jit3A_79 = arith.constant 7 : i32
    %broadcast_in_dim3A_80 = vector.broadcast %jit3A_79 : i32 to vector<16x2048xi32>
    %select_n3A_81 = arith.select %lt3A_77, %broadcast_in_dim3A_80, %select_n3A_75 : vector<16x2048xi1>, vector<16x2048xi32>
    %slice3A_82 = vector.extract_strided_slice %dot_general3A_38 {offsets = [128, 0], sizes = [16, 2048], strides = [1, 1]} : vector<4096x2048xf32> to vector<16x2048xf32>
    %lt3A_83 = arith.cmpf olt, %slice3A_82, %min3A_78 : vector<16x2048xf32>
    %min3A_84 = arith.minimumf %min3A_78, %slice3A_82 : vector<16x2048xf32>
    %jit3A_85 = arith.constant 8 : i32
    %broadcast_in_dim3A_86 = vector.broadcast %jit3A_85 : i32 to vector<16x2048xi32>
    %select_n3A_87 = arith.select %lt3A_83, %broadcast_in_dim3A_86, %select_n3A_81 : vector<16x2048xi1>, vector<16x2048xi32>
    %slice3A_88 = vector.extract_strided_slice %dot_general3A_38 {offsets = [144, 0], sizes = [16, 2048], strides = [1, 1]} : vector<4096x2048xf32> to vector<16x2048xf32>
    %lt3A_89 = arith.cmpf olt, %slice3A_88, %min3A_84 : vector<16x2048xf32>
    %min3A_90 = arith.minimumf %min3A_84, %slice3A_88 : vector<16x2048xf32>
    %jit3A_91 = arith.constant 9 : i32
    %broadcast_in_dim3A_92 = vector.broadcast %jit3A_91 : i32 to vector<16x2048xi32>
    %select_n3A_93 = arith.select %lt3A_89, %broadcast_in_dim3A_92, %select_n3A_87 : vector<16x2048xi1>, vector<16x2048xi32>
    %slice3A_94 = vector.extract_strided_slice %dot_general3A_38 {offsets = [160, 0], sizes = [16, 2048], strides = [1, 1]} : vector<4096x2048xf32> to vector<16x2048xf32>
    %lt3A_95 = arith.cmpf olt, %slice3A_94, %min3A_90 : vector<16x2048xf32>
    %min3A_96 = arith.minimumf %min3A_90, %slice3A_94 : vector<16x2048xf32>
    %jit3A_97 = arith.constant 10 : i32
    %broadcast_in_dim3A_98 = vector.broadcast %jit3A_97 : i32 to vector<16x2048xi32>
    %select_n3A_99 = arith.select %lt3A_95, %broadcast_in_dim3A_98, %select_n3A_93 : vector<16x2048xi1>, vector<16x2048xi32>
    %slice3A_100 = vector.extract_strided_slice %dot_general3A_38 {offsets = [176, 0], sizes = [16, 2048], strides = [1, 1]} : vector<4096x2048xf32> to vector<16x2048xf32>
    %lt3A_101 = arith.cmpf olt, %slice3A_100, %min3A_96 : vector<16x2048xf32>
    %min3A_102 = arith.minimumf %min3A_96, %slice3A_100 : vector<16x2048xf32>
    %jit3A_103 = arith.constant 11 : i32
    %broadcast_in_dim3A_104 = vector.broadcast %jit3A_103 : i32 to vector<16x2048xi32>
    %select_n3A_105 = arith.select %lt3A_101, %broadcast_in_dim3A_104, %select_n3A_99 : vector<16x2048xi1>, vector<16x2048xi32>
    %slice3A_106 = vector.extract_strided_slice %dot_general3A_38 {offsets = [192, 0], sizes = [16, 2048], strides = [1, 1]} : vector<4096x2048xf32> to vector<16x2048xf32>
    %lt3A_107 = arith.cmpf olt, %slice3A_106, %min3A_102 : vector<16x2048xf32>
    %min3A_108 = arith.minimumf %min3A_102, %slice3A_106 : vector<16x2048xf32>
    %jit3A_109 = arith.constant 12 : i32
    %broadcast_in_dim3A_110 = vector.broadcast %jit3A_109 : i32 to vector<16x2048xi32>
    %select_n3A_111 = arith.select %lt3A_107, %broadcast_in_dim3A_110, %select_n3A_105 : vector<16x2048xi1>, vector<16x2048xi32>
    %slice3A_112 = vector.extract_strided_slice %dot_general3A_38 {offsets = [208, 0], sizes = [16, 2048], strides = [1, 1]} : vector<4096x2048xf32> to vector<16x2048xf32>
    %lt3A_113 = arith.cmpf olt, %slice3A_112, %min3A_108 : vector<16x2048xf32>
    %min3A_114 = arith.minimumf %min3A_108, %slice3A_112 : vector<16x2048xf32>
    %jit3A_115 = arith.constant 13 : i32
    %broadcast_in_dim3A_116 = vector.broadcast %jit3A_115 : i32 to vector<16x2048xi32>
    %select_n3A_117 = arith.select %lt3A_113, %broadcast_in_dim3A_116, %select_n3A_111 : vector<16x2048xi1>, vector<16x2048xi32>
    %slice3A_118 = vector.extract_strided_slice %dot_general3A_38 {offsets = [224, 0], sizes = [16, 2048], strides = [1, 1]} : vector<4096x2048xf32> to vector<16x2048xf32>
    %lt3A_119 = arith.cmpf olt, %slice3A_118, %min3A_114 : vector<16x2048xf32>
    %min3A_120 = arith.minimumf %min3A_114, %slice3A_118 : vector<16x2048xf32>
    %jit3A_121 = arith.constant 14 : i32
    %broadcast_in_dim3A_122 = vector.broadcast %jit3A_121 : i32 to vector<16x2048xi32>
    %select_n3A_123 = arith.select %lt3A_119, %broadcast_in_dim3A_122, %select_n3A_117 : vector<16x2048xi1>, vector<16x2048xi32>
    %slice3A_124 = vector.extract_strided_slice %dot_general3A_38 {offsets = [240, 0], sizes = [16, 2048], strides = [1, 1]} : vector<4096x2048xf32> to vector<16x2048xf32>
    %lt3A_125 = arith.cmpf olt, %slice3A_124, %min3A_120 : vector<16x2048xf32>
    %min3A_126 = arith.minimumf %min3A_120, %slice3A_124 : vector<16x2048xf32>
    %jit3A_127 = arith.constant 15 : i32
    %broadcast_in_dim3A_128 = vector.broadcast %jit3A_127 : i32 to vector<16x2048xi32>
    %select_n3A_129 = arith.select %lt3A_125, %broadcast_in_dim3A_128, %select_n3A_123 : vector<16x2048xi1>, vector<16x2048xi32>
    %slice3A_130 = vector.extract_strided_slice %dot_general3A_38 {offsets = [256, 0], sizes = [16, 2048], strides = [1, 1]} : vector<4096x2048xf32> to vector<16x2048xf32>
    %lt3A_131 = arith.cmpf olt, %slice3A_130, %min3A_126 : vector<16x2048xf32>
    %min3A_132 = arith.minimumf %min3A_126, %slice3A_130 : vector<16x2048xf32>
    %jit3A_133 = arith.constant 16 : i32
    %broadcast_in_dim3A_134 = vector.broadcast %jit3A_133 : i32 to vector<16x2048xi32>
    %select_n3A_135 = arith.select %lt3A_131, %broadcast_in_dim3A_134, %select_n3A_129 : vector<16x2048xi1>, vector<16x2048xi32>
    %slice3A_136 = vector.extract_strided_slice %dot_general3A_38 {offsets = [272, 0], sizes = [16, 2048], strides = [1, 1]} : vector<4096x2048xf32> to vector<16x2048xf32>
    %lt3A_137 = arith.cmpf olt, %slice3A_136, %min3A_132 : vector<16x2048xf32>
    %min3A_138 = arith.minimumf %min3A_132, %slice3A_136 : vector<16x2048xf32>
    %jit3A_139 = arith.constant 17 : i32
    %broadcast_in_dim3A_140 = vector.broadcast %jit3A_139 : i32 to vector<16x2048xi32>
    %select_n3A_141 = arith.select %lt3A_137, %broadcast_in_dim3A_140, %select_n3A_135 : vector<16x2048xi1>, vector<16x2048xi32>
    %slice3A_142 = vector.extract_strided_slice %dot_general3A_38 {offsets = [288, 0], sizes = [16, 2048], strides = [1, 1]} : vector<4096x2048xf32> to vector<16x2048xf32>
    %lt3A_143 = arith.cmpf olt, %slice3A_142, %min3A_138 : vector<16x2048xf32>
    %min3A_144 = arith.minimumf %min3A_138, %slice3A_142 : vector<16x2048xf32>
    %jit3A_145 = arith.constant 18 : i32
    %broadcast_in_dim3A_146 = vector.broadcast %jit3A_145 : i32 to vector<16x2048xi32>
    %select_n3A_147 = arith.select %lt3A_143, %broadcast_in_dim3A_146, %select_n3A_141 : vector<16x2048xi1>, vector<16x2048xi32>
    %slice3A_148 = vector.extract_strided_slice %dot_general3A_38 {offsets = [304, 0], sizes = [16, 2048], strides = [1, 1]} : vector<4096x2048xf32> to vector<16x2048xf32>
    %lt3A_149 = arith.cmpf olt, %slice3A_148, %min3A_144 : vector<16x2048xf32>
    %min3A_150 = arith.minimumf %min3A_144, %slice3A_148 : vector<16x2048xf32>
    %jit3A_151 = arith.constant 19 : i32
    %broadcast_in_dim3A_152 = vector.broadcast %jit3A_151 : i32 to vector<16x2048xi32>
    %select_n3A_153 = arith.select %lt3A_149, %broadcast_in_dim3A_152, %select_n3A_147 : vector<16x2048xi1>, vector<16x2048xi32>
    %slice3A_154 = vector.extract_strided_slice %dot_general3A_38 {offsets = [320, 0], sizes = [16, 2048], strides = [1, 1]} : vector<4096x2048xf32> to vector<16x2048xf32>
    %lt3A_155 = arith.cmpf olt, %slice3A_154, %min3A_150 : vector<16x2048xf32>
    %min3A_156 = arith.minimumf %min3A_150, %slice3A_154 : vector<16x2048xf32>
    %jit3A_157 = arith.constant 20 : i32
    %broadcast_in_dim3A_158 = vector.broadcast %jit3A_157 : i32 to vector<16x2048xi32>
    %select_n3A_159 = arith.select %lt3A_155, %broadcast_in_dim3A_158, %select_n3A_153 : vector<16x2048xi1>, vector<16x2048xi32>
    %slice3A_160 = vector.extract_strided_slice %dot_general3A_38 {offsets = [336, 0], sizes = [16, 2048], strides = [1, 1]} : vector<4096x2048xf32> to vector<16x2048xf32>
    %lt3A_161 = arith.cmpf olt, %slice3A_160, %min3A_156 : vector<16x2048xf32>
    %min3A_162 = arith.minimumf %min3A_156, %slice3A_160 : vector<16x2048xf32>
    %jit3A_163 = arith.constant 21 : i32
    %broadcast_in_dim3A_164 = vector.broadcast %jit3A_163 : i32 to vector<16x2048xi32>
    %select_n3A_165 = arith.select %lt3A_161, %broadcast_in_dim3A_164, %select_n3A_159 : vector<16x2048xi1>, vector<16x2048xi32>
    %slice3A_166 = vector.extract_strided_slice %dot_general3A_38 {offsets = [352, 0], sizes = [16, 2048], strides = [1, 1]} : vector<4096x2048xf32> to vector<16x2048xf32>
    %lt3A_167 = arith.cmpf olt, %slice3A_166, %min3A_162 : vector<16x2048xf32>
    %min3A_168 = arith.minimumf %min3A_162, %slice3A_166 : vector<16x2048xf32>
    %jit3A_169 = arith.constant 22 : i32
    %broadcast_in_dim3A_170 = vector.broadcast %jit3A_169 : i32 to vector<16x2048xi32>
    %select_n3A_171 = arith.select %lt3A_167, %broadcast_in_dim3A_170, %select_n3A_165 : vector<16x2048xi1>, vector<16x2048xi32>
    %slice3A_172 = vector.extract_strided_slice %dot_general3A_38 {offsets = [368, 0], sizes = [16, 2048], strides = [1, 1]} : vector<4096x2048xf32> to vector<16x2048xf32>
    %lt3A_173 = arith.cmpf olt, %slice3A_172, %min3A_168 : vector<16x2048xf32>
    %min3A_174 = arith.minimumf %min3A_168, %slice3A_172 : vector<16x2048xf32>
    %jit3A_175 = arith.constant 23 : i32
    %broadcast_in_dim3A_176 = vector.broadcast %jit3A_175 : i32 to vector<16x2048xi32>
    %select_n3A_177 = arith.select %lt3A_173, %broadcast_in_dim3A_176, %select_n3A_171 : vector<16x2048xi1>, vector<16x2048xi32>
    %slice3A_178 = vector.extract_strided_slice %dot_general3A_38 {offsets = [384, 0], sizes = [16, 2048], strides = [1, 1]} : vector<4096x2048xf32> to vector<16x2048xf32>
    %lt3A_179 = arith.cmpf olt, %slice3A_178, %min3A_174 : vector<16x2048xf32>
    %min3A_180 = arith.minimumf %min3A_174, %slice3A_178 : vector<16x2048xf32>
    %jit3A_181 = arith.constant 24 : i32
    %broadcast_in_dim3A_182 = vector.broadcast %jit3A_181 : i32 to vector<16x2048xi32>
    %select_n3A_183 = arith.select %lt3A_179, %broadcast_in_dim3A_182, %select_n3A_177 : vector<16x2048xi1>, vector<16x2048xi32>
    %slice3A_184 = vector.extract_strided_slice %dot_general3A_38 {offsets = [400, 0], sizes = [16, 2048], strides = [1, 1]} : vector<4096x2048xf32> to vector<16x2048xf32>
    %lt3A_185 = arith.cmpf olt, %slice3A_184, %min3A_180 : vector<16x2048xf32>
    %min3A_186 = arith.minimumf %min3A_180, %slice3A_184 : vector<16x2048xf32>
    %jit3A_187 = arith.constant 25 : i32
    %broadcast_in_dim3A_188 = vector.broadcast %jit3A_187 : i32 to vector<16x2048xi32>
    %select_n3A_189 = arith.select %lt3A_185, %broadcast_in_dim3A_188, %select_n3A_183 : vector<16x2048xi1>, vector<16x2048xi32>
    %slice3A_190 = vector.extract_strided_slice %dot_general3A_38 {offsets = [416, 0], sizes = [16, 2048], strides = [1, 1]} : vector<4096x2048xf32> to vector<16x2048xf32>
    %lt3A_191 = arith.cmpf olt, %slice3A_190, %min3A_186 : vector<16x2048xf32>
    %min3A_192 = arith.minimumf %min3A_186, %slice3A_190 : vector<16x2048xf32>
    %jit3A_193 = arith.constant 26 : i32
    %broadcast_in_dim3A_194 = vector.broadcast %jit3A_193 : i32 to vector<16x2048xi32>
    %select_n3A_195 = arith.select %lt3A_191, %broadcast_in_dim3A_194, %select_n3A_189 : vector<16x2048xi1>, vector<16x2048xi32>
    %slice3A_196 = vector.extract_strided_slice %dot_general3A_38 {offsets = [432, 0], sizes = [16, 2048], strides = [1, 1]} : vector<4096x2048xf32> to vector<16x2048xf32>
    %lt3A_197 = arith.cmpf olt, %slice3A_196, %min3A_192 : vector<16x2048xf32>
    %min3A_198 = arith.minimumf %min3A_192, %slice3A_196 : vector<16x2048xf32>
    %jit3A_199 = arith.constant 27 : i32
    %broadcast_in_dim3A_200 = vector.broadcast %jit3A_199 : i32 to vector<16x2048xi32>
    %select_n3A_201 = arith.select %lt3A_197, %broadcast_in_dim3A_200, %select_n3A_195 : vector<16x2048xi1>, vector<16x2048xi32>
    %slice3A_202 = vector.extract_strided_slice %dot_general3A_38 {offsets = [448, 0], sizes = [16, 2048], strides = [1, 1]} : vector<4096x2048xf32> to vector<16x2048xf32>
    %lt3A_203 = arith.cmpf olt, %slice3A_202, %min3A_198 : vector<16x2048xf32>
    %min3A_204 = arith.minimumf %min3A_198, %slice3A_202 : vector<16x2048xf32>
    %jit3A_205 = arith.constant 28 : i32
    %broadcast_in_dim3A_206 = vector.broadcast %jit3A_205 : i32 to vector<16x2048xi32>
    %select_n3A_207 = arith.select %lt3A_203, %broadcast_in_dim3A_206, %select_n3A_201 : vector<16x2048xi1>, vector<16x2048xi32>
    %slice3A_208 = vector.extract_strided_slice %dot_general3A_38 {offsets = [464, 0], sizes = [16, 2048], strides = [1, 1]} : vector<4096x2048xf32> to vector<16x2048xf32>
    %lt3A_209 = arith.cmpf olt, %slice3A_208, %min3A_204 : vector<16x2048xf32>
    %min3A_210 = arith.minimumf %min3A_204, %slice3A_208 : vector<16x2048xf32>
    %jit3A_211 = arith.constant 29 : i32
    %broadcast_in_dim3A_212 = vector.broadcast %jit3A_211 : i32 to vector<16x2048xi32>
    %select_n3A_213 = arith.select %lt3A_209, %broadcast_in_dim3A_212, %select_n3A_207 : vector<16x2048xi1>, vector<16x2048xi32>
    %slice3A_214 = vector.extract_strided_slice %dot_general3A_38 {offsets = [480, 0], sizes = [16, 2048], strides = [1, 1]} : vector<4096x2048xf32> to vector<16x2048xf32>
    %lt3A_215 = arith.cmpf olt, %slice3A_214, %min3A_210 : vector<16x2048xf32>
    %min3A_216 = arith.minimumf %min3A_210, %slice3A_214 : vector<16x2048xf32>
    %jit3A_217 = arith.constant 30 : i32
    %broadcast_in_dim3A_218 = vector.broadcast %jit3A_217 : i32 to vector<16x2048xi32>
    %select_n3A_219 = arith.select %lt3A_215, %broadcast_in_dim3A_218, %select_n3A_213 : vector<16x2048xi1>, vector<16x2048xi32>
    %slice3A_220 = vector.extract_strided_slice %dot_general3A_38 {offsets = [496, 0], sizes = [16, 2048], strides = [1, 1]} : vector<4096x2048xf32> to vector<16x2048xf32>
    %lt3A_221 = arith.cmpf olt, %slice3A_220, %min3A_216 : vector<16x2048xf32>
    %min3A_222 = arith.minimumf %min3A_216, %slice3A_220 : vector<16x2048xf32>
    %jit3A_223 = arith.constant 31 : i32
    %broadcast_in_dim3A_224 = vector.broadcast %jit3A_223 : i32 to vector<16x2048xi32>
    %select_n3A_225 = arith.select %lt3A_221, %broadcast_in_dim3A_224, %select_n3A_219 : vector<16x2048xi1>, vector<16x2048xi32>
    %slice3A_226 = vector.extract_strided_slice %dot_general3A_38 {offsets = [512, 0], sizes = [16, 2048], strides = [1, 1]} : vector<4096x2048xf32> to vector<16x2048xf32>
    %lt3A_227 = arith.cmpf olt, %slice3A_226, %min3A_222 : vector<16x2048xf32>
    %min3A_228 = arith.minimumf %min3A_222, %slice3A_226 : vector<16x2048xf32>
    %jit3A_229 = arith.constant 32 : i32
    %broadcast_in_dim3A_230 = vector.broadcast %jit3A_229 : i32 to vector<16x2048xi32>
    %select_n3A_231 = arith.select %lt3A_227, %broadcast_in_dim3A_230, %select_n3A_225 : vector<16x2048xi1>, vector<16x2048xi32>
    %slice3A_232 = vector.extract_strided_slice %dot_general3A_38 {offsets = [528, 0], sizes = [16, 2048], strides = [1, 1]} : vector<4096x2048xf32> to vector<16x2048xf32>
    %lt3A_233 = arith.cmpf olt, %slice3A_232, %min3A_228 : vector<16x2048xf32>
    %min3A_234 = arith.minimumf %min3A_228, %slice3A_232 : vector<16x2048xf32>
    %jit3A_235 = arith.constant 33 : i32
    %broadcast_in_dim3A_236 = vector.broadcast %jit3A_235 : i32 to vector<16x2048xi32>
    %select_n3A_237 = arith.select %lt3A_233, %broadcast_in_dim3A_236, %select_n3A_231 : vector<16x2048xi1>, vector<16x2048xi32>
    %slice3A_238 = vector.extract_strided_slice %dot_general3A_38 {offsets = [544, 0], sizes = [16, 2048], strides = [1, 1]} : vector<4096x2048xf32> to vector<16x2048xf32>
    %lt3A_239 = arith.cmpf olt, %slice3A_238, %min3A_234 : vector<16x2048xf32>
    %min3A_240 = arith.minimumf %min3A_234, %slice3A_238 : vector<16x2048xf32>
    %jit3A_241 = arith.constant 34 : i32
    %broadcast_in_dim3A_242 = vector.broadcast %jit3A_241 : i32 to vector<16x2048xi32>
    %select_n3A_243 = arith.select %lt3A_239, %broadcast_in_dim3A_242, %select_n3A_237 : vector<16x2048xi1>, vector<16x2048xi32>
    %slice3A_244 = vector.extract_strided_slice %dot_general3A_38 {offsets = [560, 0], sizes = [16, 2048], strides = [1, 1]} : vector<4096x2048xf32> to vector<16x2048xf32>
    %lt3A_245 = arith.cmpf olt, %slice3A_244, %min3A_240 : vector<16x2048xf32>
    %min3A_246 = arith.minimumf %min3A_240, %slice3A_244 : vector<16x2048xf32>
    %jit3A_247 = arith.constant 35 : i32
    %broadcast_in_dim3A_248 = vector.broadcast %jit3A_247 : i32 to vector<16x2048xi32>
    %select_n3A_249 = arith.select %lt3A_245, %broadcast_in_dim3A_248, %select_n3A_243 : vector<16x2048xi1>, vector<16x2048xi32>
    %slice3A_250 = vector.extract_strided_slice %dot_general3A_38 {offsets = [576, 0], sizes = [16, 2048], strides = [1, 1]} : vector<4096x2048xf32> to vector<16x2048xf32>
    %lt3A_251 = arith.cmpf olt, %slice3A_250, %min3A_246 : vector<16x2048xf32>
    %min3A_252 = arith.minimumf %min3A_246, %slice3A_250 : vector<16x2048xf32>
    %jit3A_253 = arith.constant 36 : i32
    %broadcast_in_dim3A_254 = vector.broadcast %jit3A_253 : i32 to vector<16x2048xi32>
    %select_n3A_255 = arith.select %lt3A_251, %broadcast_in_dim3A_254, %select_n3A_249 : vector<16x2048xi1>, vector<16x2048xi32>
    %slice3A_256 = vector.extract_strided_slice %dot_general3A_38 {offsets = [592, 0], sizes = [16, 2048], strides = [1, 1]} : vector<4096x2048xf32> to vector<16x2048xf32>
    %lt3A_257 = arith.cmpf olt, %slice3A_256, %min3A_252 : vector<16x2048xf32>
    %min3A_258 = arith.minimumf %min3A_252, %slice3A_256 : vector<16x2048xf32>
    %jit3A_259 = arith.constant 37 : i32
    %broadcast_in_dim3A_260 = vector.broadcast %jit3A_259 : i32 to vector<16x2048xi32>
    %select_n3A_261 = arith.select %lt3A_257, %broadcast_in_dim3A_260, %select_n3A_255 : vector<16x2048xi1>, vector<16x2048xi32>
    %slice3A_262 = vector.extract_strided_slice %dot_general3A_38 {offsets = [608, 0], sizes = [16, 2048], strides = [1, 1]} : vector<4096x2048xf32> to vector<16x2048xf32>
    %lt3A_263 = arith.cmpf olt, %slice3A_262, %min3A_258 : vector<16x2048xf32>
    %min3A_264 = arith.minimumf %min3A_258, %slice3A_262 : vector<16x2048xf32>
    %jit3A_265 = arith.constant 38 : i32
    %broadcast_in_dim3A_266 = vector.broadcast %jit3A_265 : i32 to vector<16x2048xi32>
    %select_n3A_267 = arith.select %lt3A_263, %broadcast_in_dim3A_266, %select_n3A_261 : vector<16x2048xi1>, vector<16x2048xi32>
    %slice3A_268 = vector.extract_strided_slice %dot_general3A_38 {offsets = [624, 0], sizes = [16, 2048], strides = [1, 1]} : vector<4096x2048xf32> to vector<16x2048xf32>
    %lt3A_269 = arith.cmpf olt, %slice3A_268, %min3A_264 : vector<16x2048xf32>
    %min3A_270 = arith.minimumf %min3A_264, %slice3A_268 : vector<16x2048xf32>
    %jit3A_271 = arith.constant 39 : i32
    %broadcast_in_dim3A_272 = vector.broadcast %jit3A_271 : i32 to vector<16x2048xi32>
    %select_n3A_273 = arith.select %lt3A_269, %broadcast_in_dim3A_272, %select_n3A_267 : vector<16x2048xi1>, vector<16x2048xi32>
    %slice3A_274 = vector.extract_strided_slice %dot_general3A_38 {offsets = [640, 0], sizes = [16, 2048], strides = [1, 1]} : vector<4096x2048xf32> to vector<16x2048xf32>
    %lt3A_275 = arith.cmpf olt, %slice3A_274, %min3A_270 : vector<16x2048xf32>
    %min3A_276 = arith.minimumf %min3A_270, %slice3A_274 : vector<16x2048xf32>
    %jit3A_277 = arith.constant 40 : i32
    %broadcast_in_dim3A_278 = vector.broadcast %jit3A_277 : i32 to vector<16x2048xi32>
    %select_n3A_279 = arith.select %lt3A_275, %broadcast_in_dim3A_278, %select_n3A_273 : vector<16x2048xi1>, vector<16x2048xi32>
    %slice3A_280 = vector.extract_strided_slice %dot_general3A_38 {offsets = [656, 0], sizes = [16, 2048], strides = [1, 1]} : vector<4096x2048xf32> to vector<16x2048xf32>
    %lt3A_281 = arith.cmpf olt, %slice3A_280, %min3A_276 : vector<16x2048xf32>
    %min3A_282 = arith.minimumf %min3A_276, %slice3A_280 : vector<16x2048xf32>
    %jit3A_283 = arith.constant 41 : i32
    %broadcast_in_dim3A_284 = vector.broadcast %jit3A_283 : i32 to vector<16x2048xi32>
    %select_n3A_285 = arith.select %lt3A_281, %broadcast_in_dim3A_284, %select_n3A_279 : vector<16x2048xi1>, vector<16x2048xi32>
    %slice3A_286 = vector.extract_strided_slice %dot_general3A_38 {offsets = [672, 0], sizes = [16, 2048], strides = [1, 1]} : vector<4096x2048xf32> to vector<16x2048xf32>
    %lt3A_287 = arith.cmpf olt, %slice3A_286, %min3A_282 : vector<16x2048xf32>
    %min3A_288 = arith.minimumf %min3A_282, %slice3A_286 : vector<16x2048xf32>
    %jit3A_289 = arith.constant 42 : i32
    %broadcast_in_dim3A_290 = vector.broadcast %jit3A_289 : i32 to vector<16x2048xi32>
    %select_n3A_291 = arith.select %lt3A_287, %broadcast_in_dim3A_290, %select_n3A_285 : vector<16x2048xi1>, vector<16x2048xi32>
    %slice3A_292 = vector.extract_strided_slice %dot_general3A_38 {offsets = [688, 0], sizes = [16, 2048], strides = [1, 1]} : vector<4096x2048xf32> to vector<16x2048xf32>
    %lt3A_293 = arith.cmpf olt, %slice3A_292, %min3A_288 : vector<16x2048xf32>
    %min3A_294 = arith.minimumf %min3A_288, %slice3A_292 : vector<16x2048xf32>
    %jit3A_295 = arith.constant 43 : i32
    %broadcast_in_dim3A_296 = vector.broadcast %jit3A_295 : i32 to vector<16x2048xi32>
    %select_n3A_297 = arith.select %lt3A_293, %broadcast_in_dim3A_296, %select_n3A_291 : vector<16x2048xi1>, vector<16x2048xi32>
    %slice3A_298 = vector.extract_strided_slice %dot_general3A_38 {offsets = [704, 0], sizes = [16, 2048], strides = [1, 1]} : vector<4096x2048xf32> to vector<16x2048xf32>
    %lt3A_299 = arith.cmpf olt, %slice3A_298, %min3A_294 : vector<16x2048xf32>
    %min3A_300 = arith.minimumf %min3A_294, %slice3A_298 : vector<16x2048xf32>
    %jit3A_301 = arith.constant 44 : i32
    %broadcast_in_dim3A_302 = vector.broadcast %jit3A_301 : i32 to vector<16x2048xi32>
    %select_n3A_303 = arith.select %lt3A_299, %broadcast_in_dim3A_302, %select_n3A_297 : vector<16x2048xi1>, vector<16x2048xi32>
    %slice3A_304 = vector.extract_strided_slice %dot_general3A_38 {offsets = [720, 0], sizes = [16, 2048], strides = [1, 1]} : vector<4096x2048xf32> to vector<16x2048xf32>
    %lt3A_305 = arith.cmpf olt, %slice3A_304, %min3A_300 : vector<16x2048xf32>
    %min3A_306 = arith.minimumf %min3A_300, %slice3A_304 : vector<16x2048xf32>
    %jit3A_307 = arith.constant 45 : i32
    %broadcast_in_dim3A_308 = vector.broadcast %jit3A_307 : i32 to vector<16x2048xi32>
    %select_n3A_309 = arith.select %lt3A_305, %broadcast_in_dim3A_308, %select_n3A_303 : vector<16x2048xi1>, vector<16x2048xi32>
    %slice3A_310 = vector.extract_strided_slice %dot_general3A_38 {offsets = [736, 0], sizes = [16, 2048], strides = [1, 1]} : vector<4096x2048xf32> to vector<16x2048xf32>
    %lt3A_311 = arith.cmpf olt, %slice3A_310, %min3A_306 : vector<16x2048xf32>
    %min3A_312 = arith.minimumf %min3A_306, %slice3A_310 : vector<16x2048xf32>
    %jit3A_313 = arith.constant 46 : i32
    %broadcast_in_dim3A_314 = vector.broadcast %jit3A_313 : i32 to vector<16x2048xi32>
    %select_n3A_315 = arith.select %lt3A_311, %broadcast_in_dim3A_314, %select_n3A_309 : vector<16x2048xi1>, vector<16x2048xi32>
    %slice3A_316 = vector.extract_strided_slice %dot_general3A_38 {offsets = [752, 0], sizes = [16, 2048], strides = [1, 1]} : vector<4096x2048xf32> to vector<16x2048xf32>
    %lt3A_317 = arith.cmpf olt, %slice3A_316, %min3A_312 : vector<16x2048xf32>
    %min3A_318 = arith.minimumf %min3A_312, %slice3A_316 : vector<16x2048xf32>
    %jit3A_319 = arith.constant 47 : i32
    %broadcast_in_dim3A_320 = vector.broadcast %jit3A_319 : i32 to vector<16x2048xi32>
    %select_n3A_321 = arith.select %lt3A_317, %broadcast_in_dim3A_320, %select_n3A_315 : vector<16x2048xi1>, vector<16x2048xi32>
    %slice3A_322 = vector.extract_strided_slice %dot_general3A_38 {offsets = [768, 0], sizes = [16, 2048], strides = [1, 1]} : vector<4096x2048xf32> to vector<16x2048xf32>
    %lt3A_323 = arith.cmpf olt, %slice3A_322, %min3A_318 : vector<16x2048xf32>
    %min3A_324 = arith.minimumf %min3A_318, %slice3A_322 : vector<16x2048xf32>
    %jit3A_325 = arith.constant 48 : i32
    %broadcast_in_dim3A_326 = vector.broadcast %jit3A_325 : i32 to vector<16x2048xi32>
    %select_n3A_327 = arith.select %lt3A_323, %broadcast_in_dim3A_326, %select_n3A_321 : vector<16x2048xi1>, vector<16x2048xi32>
    %slice3A_328 = vector.extract_strided_slice %dot_general3A_38 {offsets = [784, 0], sizes = [16, 2048], strides = [1, 1]} : vector<4096x2048xf32> to vector<16x2048xf32>
    %lt3A_329 = arith.cmpf olt, %slice3A_328, %min3A_324 : vector<16x2048xf32>
    %min3A_330 = arith.minimumf %min3A_324, %slice3A_328 : vector<16x2048xf32>
    %jit3A_331 = arith.constant 49 : i32
    %broadcast_in_dim3A_332 = vector.broadcast %jit3A_331 : i32 to vector<16x2048xi32>
    %select_n3A_333 = arith.select %lt3A_329, %broadcast_in_dim3A_332, %select_n3A_327 : vector<16x2048xi1>, vector<16x2048xi32>
    %slice3A_334 = vector.extract_strided_slice %dot_general3A_38 {offsets = [800, 0], sizes = [16, 2048], strides = [1, 1]} : vector<4096x2048xf32> to vector<16x2048xf32>
    %lt3A_335 = arith.cmpf olt, %slice3A_334, %min3A_330 : vector<16x2048xf32>
    %min3A_336 = arith.minimumf %min3A_330, %slice3A_334 : vector<16x2048xf32>
    %jit3A_337 = arith.constant 50 : i32
    %broadcast_in_dim3A_338 = vector.broadcast %jit3A_337 : i32 to vector<16x2048xi32>
    %select_n3A_339 = arith.select %lt3A_335, %broadcast_in_dim3A_338, %select_n3A_333 : vector<16x2048xi1>, vector<16x2048xi32>
    %slice3A_340 = vector.extract_strided_slice %dot_general3A_38 {offsets = [816, 0], sizes = [16, 2048], strides = [1, 1]} : vector<4096x2048xf32> to vector<16x2048xf32>
    %lt3A_341 = arith.cmpf olt, %slice3A_340, %min3A_336 : vector<16x2048xf32>
    %min3A_342 = arith.minimumf %min3A_336, %slice3A_340 : vector<16x2048xf32>
    %jit3A_343 = arith.constant 51 : i32
    %broadcast_in_dim3A_344 = vector.broadcast %jit3A_343 : i32 to vector<16x2048xi32>
    %select_n3A_345 = arith.select %lt3A_341, %broadcast_in_dim3A_344, %select_n3A_339 : vector<16x2048xi1>, vector<16x2048xi32>
    %slice3A_346 = vector.extract_strided_slice %dot_general3A_38 {offsets = [832, 0], sizes = [16, 2048], strides = [1, 1]} : vector<4096x2048xf32> to vector<16x2048xf32>
    %lt3A_347 = arith.cmpf olt, %slice3A_346, %min3A_342 : vector<16x2048xf32>
    %min3A_348 = arith.minimumf %min3A_342, %slice3A_346 : vector<16x2048xf32>
    %jit3A_349 = arith.constant 52 : i32
    %broadcast_in_dim3A_350 = vector.broadcast %jit3A_349 : i32 to vector<16x2048xi32>
    %select_n3A_351 = arith.select %lt3A_347, %broadcast_in_dim3A_350, %select_n3A_345 : vector<16x2048xi1>, vector<16x2048xi32>
    %slice3A_352 = vector.extract_strided_slice %dot_general3A_38 {offsets = [848, 0], sizes = [16, 2048], strides = [1, 1]} : vector<4096x2048xf32> to vector<16x2048xf32>
    %lt3A_353 = arith.cmpf olt, %slice3A_352, %min3A_348 : vector<16x2048xf32>
    %min3A_354 = arith.minimumf %min3A_348, %slice3A_352 : vector<16x2048xf32>
    %jit3A_355 = arith.constant 53 : i32
    %broadcast_in_dim3A_356 = vector.broadcast %jit3A_355 : i32 to vector<16x2048xi32>
    %select_n3A_357 = arith.select %lt3A_353, %broadcast_in_dim3A_356, %select_n3A_351 : vector<16x2048xi1>, vector<16x2048xi32>
    %slice3A_358 = vector.extract_strided_slice %dot_general3A_38 {offsets = [864, 0], sizes = [16, 2048], strides = [1, 1]} : vector<4096x2048xf32> to vector<16x2048xf32>
    %lt3A_359 = arith.cmpf olt, %slice3A_358, %min3A_354 : vector<16x2048xf32>
    %min3A_360 = arith.minimumf %min3A_354, %slice3A_358 : vector<16x2048xf32>
    %jit3A_361 = arith.constant 54 : i32
    %broadcast_in_dim3A_362 = vector.broadcast %jit3A_361 : i32 to vector<16x2048xi32>
    %select_n3A_363 = arith.select %lt3A_359, %broadcast_in_dim3A_362, %select_n3A_357 : vector<16x2048xi1>, vector<16x2048xi32>
    %slice3A_364 = vector.extract_strided_slice %dot_general3A_38 {offsets = [880, 0], sizes = [16, 2048], strides = [1, 1]} : vector<4096x2048xf32> to vector<16x2048xf32>
    %lt3A_365 = arith.cmpf olt, %slice3A_364, %min3A_360 : vector<16x2048xf32>
    %min3A_366 = arith.minimumf %min3A_360, %slice3A_364 : vector<16x2048xf32>
    %jit3A_367 = arith.constant 55 : i32
    %broadcast_in_dim3A_368 = vector.broadcast %jit3A_367 : i32 to vector<16x2048xi32>
    %select_n3A_369 = arith.select %lt3A_365, %broadcast_in_dim3A_368, %select_n3A_363 : vector<16x2048xi1>, vector<16x2048xi32>
    %slice3A_370 = vector.extract_strided_slice %dot_general3A_38 {offsets = [896, 0], sizes = [16, 2048], strides = [1, 1]} : vector<4096x2048xf32> to vector<16x2048xf32>
    %lt3A_371 = arith.cmpf olt, %slice3A_370, %min3A_366 : vector<16x2048xf32>
    %min3A_372 = arith.minimumf %min3A_366, %slice3A_370 : vector<16x2048xf32>
    %jit3A_373 = arith.constant 56 : i32
    %broadcast_in_dim3A_374 = vector.broadcast %jit3A_373 : i32 to vector<16x2048xi32>
    %select_n3A_375 = arith.select %lt3A_371, %broadcast_in_dim3A_374, %select_n3A_369 : vector<16x2048xi1>, vector<16x2048xi32>
    %slice3A_376 = vector.extract_strided_slice %dot_general3A_38 {offsets = [912, 0], sizes = [16, 2048], strides = [1, 1]} : vector<4096x2048xf32> to vector<16x2048xf32>
    %lt3A_377 = arith.cmpf olt, %slice3A_376, %min3A_372 : vector<16x2048xf32>
    %min3A_378 = arith.minimumf %min3A_372, %slice3A_376 : vector<16x2048xf32>
    %jit3A_379 = arith.constant 57 : i32
    %broadcast_in_dim3A_380 = vector.broadcast %jit3A_379 : i32 to vector<16x2048xi32>
    %select_n3A_381 = arith.select %lt3A_377, %broadcast_in_dim3A_380, %select_n3A_375 : vector<16x2048xi1>, vector<16x2048xi32>
    %slice3A_382 = vector.extract_strided_slice %dot_general3A_38 {offsets = [928, 0], sizes = [16, 2048], strides = [1, 1]} : vector<4096x2048xf32> to vector<16x2048xf32>
    %lt3A_383 = arith.cmpf olt, %slice3A_382, %min3A_378 : vector<16x2048xf32>
    %min3A_384 = arith.minimumf %min3A_378, %slice3A_382 : vector<16x2048xf32>
    %jit3A_385 = arith.constant 58 : i32
    %broadcast_in_dim3A_386 = vector.broadcast %jit3A_385 : i32 to vector<16x2048xi32>
    %select_n3A_387 = arith.select %lt3A_383, %broadcast_in_dim3A_386, %select_n3A_381 : vector<16x2048xi1>, vector<16x2048xi32>
    %slice3A_388 = vector.extract_strided_slice %dot_general3A_38 {offsets = [944, 0], sizes = [16, 2048], strides = [1, 1]} : vector<4096x2048xf32> to vector<16x2048xf32>
    %lt3A_389 = arith.cmpf olt, %slice3A_388, %min3A_384 : vector<16x2048xf32>
    %min3A_390 = arith.minimumf %min3A_384, %slice3A_388 : vector<16x2048xf32>
    %jit3A_391 = arith.constant 59 : i32
    %broadcast_in_dim3A_392 = vector.broadcast %jit3A_391 : i32 to vector<16x2048xi32>
    %select_n3A_393 = arith.select %lt3A_389, %broadcast_in_dim3A_392, %select_n3A_387 : vector<16x2048xi1>, vector<16x2048xi32>
    %slice3A_394 = vector.extract_strided_slice %dot_general3A_38 {offsets = [960, 0], sizes = [16, 2048], strides = [1, 1]} : vector<4096x2048xf32> to vector<16x2048xf32>
    %lt3A_395 = arith.cmpf olt, %slice3A_394, %min3A_390 : vector<16x2048xf32>
    %min3A_396 = arith.minimumf %min3A_390, %slice3A_394 : vector<16x2048xf32>
    %jit3A_397 = arith.constant 60 : i32
    %broadcast_in_dim3A_398 = vector.broadcast %jit3A_397 : i32 to vector<16x2048xi32>
    %select_n3A_399 = arith.select %lt3A_395, %broadcast_in_dim3A_398, %select_n3A_393 : vector<16x2048xi1>, vector<16x2048xi32>
    %slice3A_400 = vector.extract_strided_slice %dot_general3A_38 {offsets = [976, 0], sizes = [16, 2048], strides = [1, 1]} : vector<4096x2048xf32> to vector<16x2048xf32>
    %lt3A_401 = arith.cmpf olt, %slice3A_400, %min3A_396 : vector<16x2048xf32>
    %min3A_402 = arith.minimumf %min3A_396, %slice3A_400 : vector<16x2048xf32>
    %jit3A_403 = arith.constant 61 : i32
    %broadcast_in_dim3A_404 = vector.broadcast %jit3A_403 : i32 to vector<16x2048xi32>
    %select_n3A_405 = arith.select %lt3A_401, %broadcast_in_dim3A_404, %select_n3A_399 : vector<16x2048xi1>, vector<16x2048xi32>
    %slice3A_406 = vector.extract_strided_slice %dot_general3A_38 {offsets = [992, 0], sizes = [16, 2048], strides = [1, 1]} : vector<4096x2048xf32> to vector<16x2048xf32>
    %lt3A_407 = arith.cmpf olt, %slice3A_406, %min3A_402 : vector<16x2048xf32>
    %min3A_408 = arith.minimumf %min3A_402, %slice3A_406 : vector<16x2048xf32>
    %jit3A_409 = arith.constant 62 : i32
    %broadcast_in_dim3A_410 = vector.broadcast %jit3A_409 : i32 to vector<16x2048xi32>
    %select_n3A_411 = arith.select %lt3A_407, %broadcast_in_dim3A_410, %select_n3A_405 : vector<16x2048xi1>, vector<16x2048xi32>
    %slice3A_412 = vector.extract_strided_slice %dot_general3A_38 {offsets = [1008, 0], sizes = [16, 2048], strides = [1, 1]} : vector<4096x2048xf32> to vector<16x2048xf32>
    %lt3A_413 = arith.cmpf olt, %slice3A_412, %min3A_408 : vector<16x2048xf32>
    %min3A_414 = arith.minimumf %min3A_408, %slice3A_412 : vector<16x2048xf32>
    %jit3A_415 = arith.constant 63 : i32
    %broadcast_in_dim3A_416 = vector.broadcast %jit3A_415 : i32 to vector<16x2048xi32>
    %select_n3A_417 = arith.select %lt3A_413, %broadcast_in_dim3A_416, %select_n3A_411 : vector<16x2048xi1>, vector<16x2048xi32>
    %slice3A_418 = vector.extract_strided_slice %dot_general3A_38 {offsets = [1024, 0], sizes = [16, 2048], strides = [1, 1]} : vector<4096x2048xf32> to vector<16x2048xf32>
    %lt3A_419 = arith.cmpf olt, %slice3A_418, %min3A_414 : vector<16x2048xf32>
    %min3A_420 = arith.minimumf %min3A_414, %slice3A_418 : vector<16x2048xf32>
    %jit3A_421 = arith.constant 64 : i32
    %broadcast_in_dim3A_422 = vector.broadcast %jit3A_421 : i32 to vector<16x2048xi32>
    %select_n3A_423 = arith.select %lt3A_419, %broadcast_in_dim3A_422, %select_n3A_417 : vector<16x2048xi1>, vector<16x2048xi32>
    %slice3A_424 = vector.extract_strided_slice %dot_general3A_38 {offsets = [1040, 0], sizes = [16, 2048], strides = [1, 1]} : vector<4096x2048xf32> to vector<16x2048xf32>
    %lt3A_425 = arith.cmpf olt, %slice3A_424, %min3A_420 : vector<16x2048xf32>
    %min3A_426 = arith.minimumf %min3A_420, %slice3A_424 : vector<16x2048xf32>
    %jit3A_427 = arith.constant 65 : i32
    %broadcast_in_dim3A_428 = vector.broadcast %jit3A_427 : i32 to vector<16x2048xi32>
    %select_n3A_429 = arith.select %lt3A_425, %broadcast_in_dim3A_428, %select_n3A_423 : vector<16x2048xi1>, vector<16x2048xi32>
    %slice3A_430 = vector.extract_strided_slice %dot_general3A_38 {offsets = [1056, 0], sizes = [16, 2048], strides = [1, 1]} : vector<4096x2048xf32> to vector<16x2048xf32>
    %lt3A_431 = arith.cmpf olt, %slice3A_430, %min3A_426 : vector<16x2048xf32>
    %min3A_432 = arith.minimumf %min3A_426, %slice3A_430 : vector<16x2048xf32>
    %jit3A_433 = arith.constant 66 : i32
    %broadcast_in_dim3A_434 = vector.broadcast %jit3A_433 : i32 to vector<16x2048xi32>
    %select_n3A_435 = arith.select %lt3A_431, %broadcast_in_dim3A_434, %select_n3A_429 : vector<16x2048xi1>, vector<16x2048xi32>
    %slice3A_436 = vector.extract_strided_slice %dot_general3A_38 {offsets = [1072, 0], sizes = [16, 2048], strides = [1, 1]} : vector<4096x2048xf32> to vector<16x2048xf32>
    %lt3A_437 = arith.cmpf olt, %slice3A_436, %min3A_432 : vector<16x2048xf32>
    %min3A_438 = arith.minimumf %min3A_432, %slice3A_436 : vector<16x2048xf32>
    %jit3A_439 = arith.constant 67 : i32
    %broadcast_in_dim3A_440 = vector.broadcast %jit3A_439 : i32 to vector<16x2048xi32>
    %select_n3A_441 = arith.select %lt3A_437, %broadcast_in_dim3A_440, %select_n3A_435 : vector<16x2048xi1>, vector<16x2048xi32>
    %slice3A_442 = vector.extract_strided_slice %dot_general3A_38 {offsets = [1088, 0], sizes = [16, 2048], strides = [1, 1]} : vector<4096x2048xf32> to vector<16x2048xf32>
    %lt3A_443 = arith.cmpf olt, %slice3A_442, %min3A_438 : vector<16x2048xf32>
    %min3A_444 = arith.minimumf %min3A_438, %slice3A_442 : vector<16x2048xf32>
    %jit3A_445 = arith.constant 68 : i32
    %broadcast_in_dim3A_446 = vector.broadcast %jit3A_445 : i32 to vector<16x2048xi32>
    %select_n3A_447 = arith.select %lt3A_443, %broadcast_in_dim3A_446, %select_n3A_441 : vector<16x2048xi1>, vector<16x2048xi32>
    %slice3A_448 = vector.extract_strided_slice %dot_general3A_38 {offsets = [1104, 0], sizes = [16, 2048], strides = [1, 1]} : vector<4096x2048xf32> to vector<16x2048xf32>
    %lt3A_449 = arith.cmpf olt, %slice3A_448, %min3A_444 : vector<16x2048xf32>
    %min3A_450 = arith.minimumf %min3A_444, %slice3A_448 : vector<16x2048xf32>
    %jit3A_451 = arith.constant 69 : i32
    %broadcast_in_dim3A_452 = vector.broadcast %jit3A_451 : i32 to vector<16x2048xi32>
    %select_n3A_453 = arith.select %lt3A_449, %broadcast_in_dim3A_452, %select_n3A_447 : vector<16x2048xi1>, vector<16x2048xi32>
    %slice3A_454 = vector.extract_strided_slice %dot_general3A_38 {offsets = [1120, 0], sizes = [16, 2048], strides = [1, 1]} : vector<4096x2048xf32> to vector<16x2048xf32>
    %lt3A_455 = arith.cmpf olt, %slice3A_454, %min3A_450 : vector<16x2048xf32>
    %min3A_456 = arith.minimumf %min3A_450, %slice3A_454 : vector<16x2048xf32>
    %jit3A_457 = arith.constant 70 : i32
    %broadcast_in_dim3A_458 = vector.broadcast %jit3A_457 : i32 to vector<16x2048xi32>
    %select_n3A_459 = arith.select %lt3A_455, %broadcast_in_dim3A_458, %select_n3A_453 : vector<16x2048xi1>, vector<16x2048xi32>
    %slice3A_460 = vector.extract_strided_slice %dot_general3A_38 {offsets = [1136, 0], sizes = [16, 2048], strides = [1, 1]} : vector<4096x2048xf32> to vector<16x2048xf32>
    %lt3A_461 = arith.cmpf olt, %slice3A_460, %min3A_456 : vector<16x2048xf32>
    %min3A_462 = arith.minimumf %min3A_456, %slice3A_460 : vector<16x2048xf32>
    %jit3A_463 = arith.constant 71 : i32
    %broadcast_in_dim3A_464 = vector.broadcast %jit3A_463 : i32 to vector<16x2048xi32>
    %select_n3A_465 = arith.select %lt3A_461, %broadcast_in_dim3A_464, %select_n3A_459 : vector<16x2048xi1>, vector<16x2048xi32>
    %slice3A_466 = vector.extract_strided_slice %dot_general3A_38 {offsets = [1152, 0], sizes = [16, 2048], strides = [1, 1]} : vector<4096x2048xf32> to vector<16x2048xf32>
    %lt3A_467 = arith.cmpf olt, %slice3A_466, %min3A_462 : vector<16x2048xf32>
    %min3A_468 = arith.minimumf %min3A_462, %slice3A_466 : vector<16x2048xf32>
    %jit3A_469 = arith.constant 72 : i32
    %broadcast_in_dim3A_470 = vector.broadcast %jit3A_469 : i32 to vector<16x2048xi32>
    %select_n3A_471 = arith.select %lt3A_467, %broadcast_in_dim3A_470, %select_n3A_465 : vector<16x2048xi1>, vector<16x2048xi32>
    %slice3A_472 = vector.extract_strided_slice %dot_general3A_38 {offsets = [1168, 0], sizes = [16, 2048], strides = [1, 1]} : vector<4096x2048xf32> to vector<16x2048xf32>
    %lt3A_473 = arith.cmpf olt, %slice3A_472, %min3A_468 : vector<16x2048xf32>
    %min3A_474 = arith.minimumf %min3A_468, %slice3A_472 : vector<16x2048xf32>
    %jit3A_475 = arith.constant 73 : i32
    %broadcast_in_dim3A_476 = vector.broadcast %jit3A_475 : i32 to vector<16x2048xi32>
    %select_n3A_477 = arith.select %lt3A_473, %broadcast_in_dim3A_476, %select_n3A_471 : vector<16x2048xi1>, vector<16x2048xi32>
    %slice3A_478 = vector.extract_strided_slice %dot_general3A_38 {offsets = [1184, 0], sizes = [16, 2048], strides = [1, 1]} : vector<4096x2048xf32> to vector<16x2048xf32>
    %lt3A_479 = arith.cmpf olt, %slice3A_478, %min3A_474 : vector<16x2048xf32>
    %min3A_480 = arith.minimumf %min3A_474, %slice3A_478 : vector<16x2048xf32>
    %jit3A_481 = arith.constant 74 : i32
    %broadcast_in_dim3A_482 = vector.broadcast %jit3A_481 : i32 to vector<16x2048xi32>
    %select_n3A_483 = arith.select %lt3A_479, %broadcast_in_dim3A_482, %select_n3A_477 : vector<16x2048xi1>, vector<16x2048xi32>
    %slice3A_484 = vector.extract_strided_slice %dot_general3A_38 {offsets = [1200, 0], sizes = [16, 2048], strides = [1, 1]} : vector<4096x2048xf32> to vector<16x2048xf32>
    %lt3A_485 = arith.cmpf olt, %slice3A_484, %min3A_480 : vector<16x2048xf32>
    %min3A_486 = arith.minimumf %min3A_480, %slice3A_484 : vector<16x2048xf32>
    %jit3A_487 = arith.constant 75 : i32
    %broadcast_in_dim3A_488 = vector.broadcast %jit3A_487 : i32 to vector<16x2048xi32>
    %select_n3A_489 = arith.select %lt3A_485, %broadcast_in_dim3A_488, %select_n3A_483 : vector<16x2048xi1>, vector<16x2048xi32>
    %slice3A_490 = vector.extract_strided_slice %dot_general3A_38 {offsets = [1216, 0], sizes = [16, 2048], strides = [1, 1]} : vector<4096x2048xf32> to vector<16x2048xf32>
    %lt3A_491 = arith.cmpf olt, %slice3A_490, %min3A_486 : vector<16x2048xf32>
    %min3A_492 = arith.minimumf %min3A_486, %slice3A_490 : vector<16x2048xf32>
    %jit3A_493 = arith.constant 76 : i32
    %broadcast_in_dim3A_494 = vector.broadcast %jit3A_493 : i32 to vector<16x2048xi32>
    %select_n3A_495 = arith.select %lt3A_491, %broadcast_in_dim3A_494, %select_n3A_489 : vector<16x2048xi1>, vector<16x2048xi32>
    %slice3A_496 = vector.extract_strided_slice %dot_general3A_38 {offsets = [1232, 0], sizes = [16, 2048], strides = [1, 1]} : vector<4096x2048xf32> to vector<16x2048xf32>
    %lt3A_497 = arith.cmpf olt, %slice3A_496, %min3A_492 : vector<16x2048xf32>
    %min3A_498 = arith.minimumf %min3A_492, %slice3A_496 : vector<16x2048xf32>
    %jit3A_499 = arith.constant 77 : i32
    %broadcast_in_dim3A_500 = vector.broadcast %jit3A_499 : i32 to vector<16x2048xi32>
    %select_n3A_501 = arith.select %lt3A_497, %broadcast_in_dim3A_500, %select_n3A_495 : vector<16x2048xi1>, vector<16x2048xi32>
    %slice3A_502 = vector.extract_strided_slice %dot_general3A_38 {offsets = [1248, 0], sizes = [16, 2048], strides = [1, 1]} : vector<4096x2048xf32> to vector<16x2048xf32>
    %lt3A_503 = arith.cmpf olt, %slice3A_502, %min3A_498 : vector<16x2048xf32>
    %min3A_504 = arith.minimumf %min3A_498, %slice3A_502 : vector<16x2048xf32>
    %jit3A_505 = arith.constant 78 : i32
    %broadcast_in_dim3A_506 = vector.broadcast %jit3A_505 : i32 to vector<16x2048xi32>
    %select_n3A_507 = arith.select %lt3A_503, %broadcast_in_dim3A_506, %select_n3A_501 : vector<16x2048xi1>, vector<16x2048xi32>
    %slice3A_508 = vector.extract_strided_slice %dot_general3A_38 {offsets = [1264, 0], sizes = [16, 2048], strides = [1, 1]} : vector<4096x2048xf32> to vector<16x2048xf32>
    %lt3A_509 = arith.cmpf olt, %slice3A_508, %min3A_504 : vector<16x2048xf32>
    %min3A_510 = arith.minimumf %min3A_504, %slice3A_508 : vector<16x2048xf32>
    %jit3A_511 = arith.constant 79 : i32
    %broadcast_in_dim3A_512 = vector.broadcast %jit3A_511 : i32 to vector<16x2048xi32>
    %select_n3A_513 = arith.select %lt3A_509, %broadcast_in_dim3A_512, %select_n3A_507 : vector<16x2048xi1>, vector<16x2048xi32>
    %slice3A_514 = vector.extract_strided_slice %dot_general3A_38 {offsets = [1280, 0], sizes = [16, 2048], strides = [1, 1]} : vector<4096x2048xf32> to vector<16x2048xf32>
    %lt3A_515 = arith.cmpf olt, %slice3A_514, %min3A_510 : vector<16x2048xf32>
    %min3A_516 = arith.minimumf %min3A_510, %slice3A_514 : vector<16x2048xf32>
    %jit3A_517 = arith.constant 80 : i32
    %broadcast_in_dim3A_518 = vector.broadcast %jit3A_517 : i32 to vector<16x2048xi32>
    %select_n3A_519 = arith.select %lt3A_515, %broadcast_in_dim3A_518, %select_n3A_513 : vector<16x2048xi1>, vector<16x2048xi32>
    %slice3A_520 = vector.extract_strided_slice %dot_general3A_38 {offsets = [1296, 0], sizes = [16, 2048], strides = [1, 1]} : vector<4096x2048xf32> to vector<16x2048xf32>
    %lt3A_521 = arith.cmpf olt, %slice3A_520, %min3A_516 : vector<16x2048xf32>
    %min3A_522 = arith.minimumf %min3A_516, %slice3A_520 : vector<16x2048xf32>
    %jit3A_523 = arith.constant 81 : i32
    %broadcast_in_dim3A_524 = vector.broadcast %jit3A_523 : i32 to vector<16x2048xi32>
    %select_n3A_525 = arith.select %lt3A_521, %broadcast_in_dim3A_524, %select_n3A_519 : vector<16x2048xi1>, vector<16x2048xi32>
    %slice3A_526 = vector.extract_strided_slice %dot_general3A_38 {offsets = [1312, 0], sizes = [16, 2048], strides = [1, 1]} : vector<4096x2048xf32> to vector<16x2048xf32>
    %lt3A_527 = arith.cmpf olt, %slice3A_526, %min3A_522 : vector<16x2048xf32>
    %min3A_528 = arith.minimumf %min3A_522, %slice3A_526 : vector<16x2048xf32>
    %jit3A_529 = arith.constant 82 : i32
    %broadcast_in_dim3A_530 = vector.broadcast %jit3A_529 : i32 to vector<16x2048xi32>
    %select_n3A_531 = arith.select %lt3A_527, %broadcast_in_dim3A_530, %select_n3A_525 : vector<16x2048xi1>, vector<16x2048xi32>
    %slice3A_532 = vector.extract_strided_slice %dot_general3A_38 {offsets = [1328, 0], sizes = [16, 2048], strides = [1, 1]} : vector<4096x2048xf32> to vector<16x2048xf32>
    %lt3A_533 = arith.cmpf olt, %slice3A_532, %min3A_528 : vector<16x2048xf32>
    %min3A_534 = arith.minimumf %min3A_528, %slice3A_532 : vector<16x2048xf32>
    %jit3A_535 = arith.constant 83 : i32
    %broadcast_in_dim3A_536 = vector.broadcast %jit3A_535 : i32 to vector<16x2048xi32>
    %select_n3A_537 = arith.select %lt3A_533, %broadcast_in_dim3A_536, %select_n3A_531 : vector<16x2048xi1>, vector<16x2048xi32>
    %slice3A_538 = vector.extract_strided_slice %dot_general3A_38 {offsets = [1344, 0], sizes = [16, 2048], strides = [1, 1]} : vector<4096x2048xf32> to vector<16x2048xf32>
    %lt3A_539 = arith.cmpf olt, %slice3A_538, %min3A_534 : vector<16x2048xf32>
    %min3A_540 = arith.minimumf %min3A_534, %slice3A_538 : vector<16x2048xf32>
    %jit3A_541 = arith.constant 84 : i32
    %broadcast_in_dim3A_542 = vector.broadcast %jit3A_541 : i32 to vector<16x2048xi32>
    %select_n3A_543 = arith.select %lt3A_539, %broadcast_in_dim3A_542, %select_n3A_537 : vector<16x2048xi1>, vector<16x2048xi32>
    %slice3A_544 = vector.extract_strided_slice %dot_general3A_38 {offsets = [1360, 0], sizes = [16, 2048], strides = [1, 1]} : vector<4096x2048xf32> to vector<16x2048xf32>
    %lt3A_545 = arith.cmpf olt, %slice3A_544, %min3A_540 : vector<16x2048xf32>
    %min3A_546 = arith.minimumf %min3A_540, %slice3A_544 : vector<16x2048xf32>
    %jit3A_547 = arith.constant 85 : i32
    %broadcast_in_dim3A_548 = vector.broadcast %jit3A_547 : i32 to vector<16x2048xi32>
    %select_n3A_549 = arith.select %lt3A_545, %broadcast_in_dim3A_548, %select_n3A_543 : vector<16x2048xi1>, vector<16x2048xi32>
    %slice3A_550 = vector.extract_strided_slice %dot_general3A_38 {offsets = [1376, 0], sizes = [16, 2048], strides = [1, 1]} : vector<4096x2048xf32> to vector<16x2048xf32>
    %lt3A_551 = arith.cmpf olt, %slice3A_550, %min3A_546 : vector<16x2048xf32>
    %min3A_552 = arith.minimumf %min3A_546, %slice3A_550 : vector<16x2048xf32>
    %jit3A_553 = arith.constant 86 : i32
    %broadcast_in_dim3A_554 = vector.broadcast %jit3A_553 : i32 to vector<16x2048xi32>
    %select_n3A_555 = arith.select %lt3A_551, %broadcast_in_dim3A_554, %select_n3A_549 : vector<16x2048xi1>, vector<16x2048xi32>
    %slice3A_556 = vector.extract_strided_slice %dot_general3A_38 {offsets = [1392, 0], sizes = [16, 2048], strides = [1, 1]} : vector<4096x2048xf32> to vector<16x2048xf32>
    %lt3A_557 = arith.cmpf olt, %slice3A_556, %min3A_552 : vector<16x2048xf32>
    %min3A_558 = arith.minimumf %min3A_552, %slice3A_556 : vector<16x2048xf32>
    %jit3A_559 = arith.constant 87 : i32
    %broadcast_in_dim3A_560 = vector.broadcast %jit3A_559 : i32 to vector<16x2048xi32>
    %select_n3A_561 = arith.select %lt3A_557, %broadcast_in_dim3A_560, %select_n3A_555 : vector<16x2048xi1>, vector<16x2048xi32>
    %slice3A_562 = vector.extract_strided_slice %dot_general3A_38 {offsets = [1408, 0], sizes = [16, 2048], strides = [1, 1]} : vector<4096x2048xf32> to vector<16x2048xf32>
    %lt3A_563 = arith.cmpf olt, %slice3A_562, %min3A_558 : vector<16x2048xf32>
    %min3A_564 = arith.minimumf %min3A_558, %slice3A_562 : vector<16x2048xf32>
    %jit3A_565 = arith.constant 88 : i32
    %broadcast_in_dim3A_566 = vector.broadcast %jit3A_565 : i32 to vector<16x2048xi32>
    %select_n3A_567 = arith.select %lt3A_563, %broadcast_in_dim3A_566, %select_n3A_561 : vector<16x2048xi1>, vector<16x2048xi32>
    %slice3A_568 = vector.extract_strided_slice %dot_general3A_38 {offsets = [1424, 0], sizes = [16, 2048], strides = [1, 1]} : vector<4096x2048xf32> to vector<16x2048xf32>
    %lt3A_569 = arith.cmpf olt, %slice3A_568, %min3A_564 : vector<16x2048xf32>
    %min3A_570 = arith.minimumf %min3A_564, %slice3A_568 : vector<16x2048xf32>
    %jit3A_571 = arith.constant 89 : i32
    %broadcast_in_dim3A_572 = vector.broadcast %jit3A_571 : i32 to vector<16x2048xi32>
    %select_n3A_573 = arith.select %lt3A_569, %broadcast_in_dim3A_572, %select_n3A_567 : vector<16x2048xi1>, vector<16x2048xi32>
    %slice3A_574 = vector.extract_strided_slice %dot_general3A_38 {offsets = [1440, 0], sizes = [16, 2048], strides = [1, 1]} : vector<4096x2048xf32> to vector<16x2048xf32>
    %lt3A_575 = arith.cmpf olt, %slice3A_574, %min3A_570 : vector<16x2048xf32>
    %min3A_576 = arith.minimumf %min3A_570, %slice3A_574 : vector<16x2048xf32>
    %jit3A_577 = arith.constant 90 : i32
    %broadcast_in_dim3A_578 = vector.broadcast %jit3A_577 : i32 to vector<16x2048xi32>
    %select_n3A_579 = arith.select %lt3A_575, %broadcast_in_dim3A_578, %select_n3A_573 : vector<16x2048xi1>, vector<16x2048xi32>
    %slice3A_580 = vector.extract_strided_slice %dot_general3A_38 {offsets = [1456, 0], sizes = [16, 2048], strides = [1, 1]} : vector<4096x2048xf32> to vector<16x2048xf32>
    %lt3A_581 = arith.cmpf olt, %slice3A_580, %min3A_576 : vector<16x2048xf32>
    %min3A_582 = arith.minimumf %min3A_576, %slice3A_580 : vector<16x2048xf32>
    %jit3A_583 = arith.constant 91 : i32
    %broadcast_in_dim3A_584 = vector.broadcast %jit3A_583 : i32 to vector<16x2048xi32>
    %select_n3A_585 = arith.select %lt3A_581, %broadcast_in_dim3A_584, %select_n3A_579 : vector<16x2048xi1>, vector<16x2048xi32>
    %slice3A_586 = vector.extract_strided_slice %dot_general3A_38 {offsets = [1472, 0], sizes = [16, 2048], strides = [1, 1]} : vector<4096x2048xf32> to vector<16x2048xf32>
    %lt3A_587 = arith.cmpf olt, %slice3A_586, %min3A_582 : vector<16x2048xf32>
    %min3A_588 = arith.minimumf %min3A_582, %slice3A_586 : vector<16x2048xf32>
    %jit3A_589 = arith.constant 92 : i32
    %broadcast_in_dim3A_590 = vector.broadcast %jit3A_589 : i32 to vector<16x2048xi32>
    %select_n3A_591 = arith.select %lt3A_587, %broadcast_in_dim3A_590, %select_n3A_585 : vector<16x2048xi1>, vector<16x2048xi32>
    %slice3A_592 = vector.extract_strided_slice %dot_general3A_38 {offsets = [1488, 0], sizes = [16, 2048], strides = [1, 1]} : vector<4096x2048xf32> to vector<16x2048xf32>
    %lt3A_593 = arith.cmpf olt, %slice3A_592, %min3A_588 : vector<16x2048xf32>
    %min3A_594 = arith.minimumf %min3A_588, %slice3A_592 : vector<16x2048xf32>
    %jit3A_595 = arith.constant 93 : i32
    %broadcast_in_dim3A_596 = vector.broadcast %jit3A_595 : i32 to vector<16x2048xi32>
    %select_n3A_597 = arith.select %lt3A_593, %broadcast_in_dim3A_596, %select_n3A_591 : vector<16x2048xi1>, vector<16x2048xi32>
    %slice3A_598 = vector.extract_strided_slice %dot_general3A_38 {offsets = [1504, 0], sizes = [16, 2048], strides = [1, 1]} : vector<4096x2048xf32> to vector<16x2048xf32>
    %lt3A_599 = arith.cmpf olt, %slice3A_598, %min3A_594 : vector<16x2048xf32>
    %min3A_600 = arith.minimumf %min3A_594, %slice3A_598 : vector<16x2048xf32>
    %jit3A_601 = arith.constant 94 : i32
    %broadcast_in_dim3A_602 = vector.broadcast %jit3A_601 : i32 to vector<16x2048xi32>
    %select_n3A_603 = arith.select %lt3A_599, %broadcast_in_dim3A_602, %select_n3A_597 : vector<16x2048xi1>, vector<16x2048xi32>
    %slice3A_604 = vector.extract_strided_slice %dot_general3A_38 {offsets = [1520, 0], sizes = [16, 2048], strides = [1, 1]} : vector<4096x2048xf32> to vector<16x2048xf32>
    %lt3A_605 = arith.cmpf olt, %slice3A_604, %min3A_600 : vector<16x2048xf32>
    %min3A_606 = arith.minimumf %min3A_600, %slice3A_604 : vector<16x2048xf32>
    %jit3A_607 = arith.constant 95 : i32
    %broadcast_in_dim3A_608 = vector.broadcast %jit3A_607 : i32 to vector<16x2048xi32>
    %select_n3A_609 = arith.select %lt3A_605, %broadcast_in_dim3A_608, %select_n3A_603 : vector<16x2048xi1>, vector<16x2048xi32>
    %slice3A_610 = vector.extract_strided_slice %dot_general3A_38 {offsets = [1536, 0], sizes = [16, 2048], strides = [1, 1]} : vector<4096x2048xf32> to vector<16x2048xf32>
    %lt3A_611 = arith.cmpf olt, %slice3A_610, %min3A_606 : vector<16x2048xf32>
    %min3A_612 = arith.minimumf %min3A_606, %slice3A_610 : vector<16x2048xf32>
    %jit3A_613 = arith.constant 96 : i32
    %broadcast_in_dim3A_614 = vector.broadcast %jit3A_613 : i32 to vector<16x2048xi32>
    %select_n3A_615 = arith.select %lt3A_611, %broadcast_in_dim3A_614, %select_n3A_609 : vector<16x2048xi1>, vector<16x2048xi32>
    %slice3A_616 = vector.extract_strided_slice %dot_general3A_38 {offsets = [1552, 0], sizes = [16, 2048], strides = [1, 1]} : vector<4096x2048xf32> to vector<16x2048xf32>
    %lt3A_617 = arith.cmpf olt, %slice3A_616, %min3A_612 : vector<16x2048xf32>
    %min3A_618 = arith.minimumf %min3A_612, %slice3A_616 : vector<16x2048xf32>
    %jit3A_619 = arith.constant 97 : i32
    %broadcast_in_dim3A_620 = vector.broadcast %jit3A_619 : i32 to vector<16x2048xi32>
    %select_n3A_621 = arith.select %lt3A_617, %broadcast_in_dim3A_620, %select_n3A_615 : vector<16x2048xi1>, vector<16x2048xi32>
    %slice3A_622 = vector.extract_strided_slice %dot_general3A_38 {offsets = [1568, 0], sizes = [16, 2048], strides = [1, 1]} : vector<4096x2048xf32> to vector<16x2048xf32>
    %lt3A_623 = arith.cmpf olt, %slice3A_622, %min3A_618 : vector<16x2048xf32>
    %min3A_624 = arith.minimumf %min3A_618, %slice3A_622 : vector<16x2048xf32>
    %jit3A_625 = arith.constant 98 : i32
    %broadcast_in_dim3A_626 = vector.broadcast %jit3A_625 : i32 to vector<16x2048xi32>
    %select_n3A_627 = arith.select %lt3A_623, %broadcast_in_dim3A_626, %select_n3A_621 : vector<16x2048xi1>, vector<16x2048xi32>
    %slice3A_628 = vector.extract_strided_slice %dot_general3A_38 {offsets = [1584, 0], sizes = [16, 2048], strides = [1, 1]} : vector<4096x2048xf32> to vector<16x2048xf32>
    %lt3A_629 = arith.cmpf olt, %slice3A_628, %min3A_624 : vector<16x2048xf32>
    %min3A_630 = arith.minimumf %min3A_624, %slice3A_628 : vector<16x2048xf32>
    %jit3A_631 = arith.constant 99 : i32
    %broadcast_in_dim3A_632 = vector.broadcast %jit3A_631 : i32 to vector<16x2048xi32>
    %select_n3A_633 = arith.select %lt3A_629, %broadcast_in_dim3A_632, %select_n3A_627 : vector<16x2048xi1>, vector<16x2048xi32>
    %slice3A_634 = vector.extract_strided_slice %dot_general3A_38 {offsets = [1600, 0], sizes = [16, 2048], strides = [1, 1]} : vector<4096x2048xf32> to vector<16x2048xf32>
    %lt3A_635 = arith.cmpf olt, %slice3A_634, %min3A_630 : vector<16x2048xf32>
    %min3A_636 = arith.minimumf %min3A_630, %slice3A_634 : vector<16x2048xf32>
    %jit3A_637 = arith.constant 100 : i32
    %broadcast_in_dim3A_638 = vector.broadcast %jit3A_637 : i32 to vector<16x2048xi32>
    %select_n3A_639 = arith.select %lt3A_635, %broadcast_in_dim3A_638, %select_n3A_633 : vector<16x2048xi1>, vector<16x2048xi32>
    %slice3A_640 = vector.extract_strided_slice %dot_general3A_38 {offsets = [1616, 0], sizes = [16, 2048], strides = [1, 1]} : vector<4096x2048xf32> to vector<16x2048xf32>
    %lt3A_641 = arith.cmpf olt, %slice3A_640, %min3A_636 : vector<16x2048xf32>
    %min3A_642 = arith.minimumf %min3A_636, %slice3A_640 : vector<16x2048xf32>
    %jit3A_643 = arith.constant 101 : i32
    %broadcast_in_dim3A_644 = vector.broadcast %jit3A_643 : i32 to vector<16x2048xi32>
    %select_n3A_645 = arith.select %lt3A_641, %broadcast_in_dim3A_644, %select_n3A_639 : vector<16x2048xi1>, vector<16x2048xi32>
    %slice3A_646 = vector.extract_strided_slice %dot_general3A_38 {offsets = [1632, 0], sizes = [16, 2048], strides = [1, 1]} : vector<4096x2048xf32> to vector<16x2048xf32>
    %lt3A_647 = arith.cmpf olt, %slice3A_646, %min3A_642 : vector<16x2048xf32>
    %min3A_648 = arith.minimumf %min3A_642, %slice3A_646 : vector<16x2048xf32>
    %jit3A_649 = arith.constant 102 : i32
    %broadcast_in_dim3A_650 = vector.broadcast %jit3A_649 : i32 to vector<16x2048xi32>
    %select_n3A_651 = arith.select %lt3A_647, %broadcast_in_dim3A_650, %select_n3A_645 : vector<16x2048xi1>, vector<16x2048xi32>
    %slice3A_652 = vector.extract_strided_slice %dot_general3A_38 {offsets = [1648, 0], sizes = [16, 2048], strides = [1, 1]} : vector<4096x2048xf32> to vector<16x2048xf32>
    %lt3A_653 = arith.cmpf olt, %slice3A_652, %min3A_648 : vector<16x2048xf32>
    %min3A_654 = arith.minimumf %min3A_648, %slice3A_652 : vector<16x2048xf32>
    %jit3A_655 = arith.constant 103 : i32
    %broadcast_in_dim3A_656 = vector.broadcast %jit3A_655 : i32 to vector<16x2048xi32>
    %select_n3A_657 = arith.select %lt3A_653, %broadcast_in_dim3A_656, %select_n3A_651 : vector<16x2048xi1>, vector<16x2048xi32>
    %slice3A_658 = vector.extract_strided_slice %dot_general3A_38 {offsets = [1664, 0], sizes = [16, 2048], strides = [1, 1]} : vector<4096x2048xf32> to vector<16x2048xf32>
    %lt3A_659 = arith.cmpf olt, %slice3A_658, %min3A_654 : vector<16x2048xf32>
    %min3A_660 = arith.minimumf %min3A_654, %slice3A_658 : vector<16x2048xf32>
    %jit3A_661 = arith.constant 104 : i32
    %broadcast_in_dim3A_662 = vector.broadcast %jit3A_661 : i32 to vector<16x2048xi32>
    %select_n3A_663 = arith.select %lt3A_659, %broadcast_in_dim3A_662, %select_n3A_657 : vector<16x2048xi1>, vector<16x2048xi32>
    %slice3A_664 = vector.extract_strided_slice %dot_general3A_38 {offsets = [1680, 0], sizes = [16, 2048], strides = [1, 1]} : vector<4096x2048xf32> to vector<16x2048xf32>
    %lt3A_665 = arith.cmpf olt, %slice3A_664, %min3A_660 : vector<16x2048xf32>
    %min3A_666 = arith.minimumf %min3A_660, %slice3A_664 : vector<16x2048xf32>
    %jit3A_667 = arith.constant 105 : i32
    %broadcast_in_dim3A_668 = vector.broadcast %jit3A_667 : i32 to vector<16x2048xi32>
    %select_n3A_669 = arith.select %lt3A_665, %broadcast_in_dim3A_668, %select_n3A_663 : vector<16x2048xi1>, vector<16x2048xi32>
    %slice3A_670 = vector.extract_strided_slice %dot_general3A_38 {offsets = [1696, 0], sizes = [16, 2048], strides = [1, 1]} : vector<4096x2048xf32> to vector<16x2048xf32>
    %lt3A_671 = arith.cmpf olt, %slice3A_670, %min3A_666 : vector<16x2048xf32>
    %min3A_672 = arith.minimumf %min3A_666, %slice3A_670 : vector<16x2048xf32>
    %jit3A_673 = arith.constant 106 : i32
    %broadcast_in_dim3A_674 = vector.broadcast %jit3A_673 : i32 to vector<16x2048xi32>
    %select_n3A_675 = arith.select %lt3A_671, %broadcast_in_dim3A_674, %select_n3A_669 : vector<16x2048xi1>, vector<16x2048xi32>
    %slice3A_676 = vector.extract_strided_slice %dot_general3A_38 {offsets = [1712, 0], sizes = [16, 2048], strides = [1, 1]} : vector<4096x2048xf32> to vector<16x2048xf32>
    %lt3A_677 = arith.cmpf olt, %slice3A_676, %min3A_672 : vector<16x2048xf32>
    %min3A_678 = arith.minimumf %min3A_672, %slice3A_676 : vector<16x2048xf32>
    %jit3A_679 = arith.constant 107 : i32
    %broadcast_in_dim3A_680 = vector.broadcast %jit3A_679 : i32 to vector<16x2048xi32>
    %select_n3A_681 = arith.select %lt3A_677, %broadcast_in_dim3A_680, %select_n3A_675 : vector<16x2048xi1>, vector<16x2048xi32>
    %slice3A_682 = vector.extract_strided_slice %dot_general3A_38 {offsets = [1728, 0], sizes = [16, 2048], strides = [1, 1]} : vector<4096x2048xf32> to vector<16x2048xf32>
    %lt3A_683 = arith.cmpf olt, %slice3A_682, %min3A_678 : vector<16x2048xf32>
    %min3A_684 = arith.minimumf %min3A_678, %slice3A_682 : vector<16x2048xf32>
    %jit3A_685 = arith.constant 108 : i32
    %broadcast_in_dim3A_686 = vector.broadcast %jit3A_685 : i32 to vector<16x2048xi32>
    %select_n3A_687 = arith.select %lt3A_683, %broadcast_in_dim3A_686, %select_n3A_681 : vector<16x2048xi1>, vector<16x2048xi32>
    %slice3A_688 = vector.extract_strided_slice %dot_general3A_38 {offsets = [1744, 0], sizes = [16, 2048], strides = [1, 1]} : vector<4096x2048xf32> to vector<16x2048xf32>
    %lt3A_689 = arith.cmpf olt, %slice3A_688, %min3A_684 : vector<16x2048xf32>
    %min3A_690 = arith.minimumf %min3A_684, %slice3A_688 : vector<16x2048xf32>
    %jit3A_691 = arith.constant 109 : i32
    %broadcast_in_dim3A_692 = vector.broadcast %jit3A_691 : i32 to vector<16x2048xi32>
    %select_n3A_693 = arith.select %lt3A_689, %broadcast_in_dim3A_692, %select_n3A_687 : vector<16x2048xi1>, vector<16x2048xi32>
    %slice3A_694 = vector.extract_strided_slice %dot_general3A_38 {offsets = [1760, 0], sizes = [16, 2048], strides = [1, 1]} : vector<4096x2048xf32> to vector<16x2048xf32>
    %lt3A_695 = arith.cmpf olt, %slice3A_694, %min3A_690 : vector<16x2048xf32>
    %min3A_696 = arith.minimumf %min3A_690, %slice3A_694 : vector<16x2048xf32>
    %jit3A_697 = arith.constant 110 : i32
    %broadcast_in_dim3A_698 = vector.broadcast %jit3A_697 : i32 to vector<16x2048xi32>
    %select_n3A_699 = arith.select %lt3A_695, %broadcast_in_dim3A_698, %select_n3A_693 : vector<16x2048xi1>, vector<16x2048xi32>
    %slice3A_700 = vector.extract_strided_slice %dot_general3A_38 {offsets = [1776, 0], sizes = [16, 2048], strides = [1, 1]} : vector<4096x2048xf32> to vector<16x2048xf32>
    %lt3A_701 = arith.cmpf olt, %slice3A_700, %min3A_696 : vector<16x2048xf32>
    %min3A_702 = arith.minimumf %min3A_696, %slice3A_700 : vector<16x2048xf32>
    %jit3A_703 = arith.constant 111 : i32
    %broadcast_in_dim3A_704 = vector.broadcast %jit3A_703 : i32 to vector<16x2048xi32>
    %select_n3A_705 = arith.select %lt3A_701, %broadcast_in_dim3A_704, %select_n3A_699 : vector<16x2048xi1>, vector<16x2048xi32>
    %slice3A_706 = vector.extract_strided_slice %dot_general3A_38 {offsets = [1792, 0], sizes = [16, 2048], strides = [1, 1]} : vector<4096x2048xf32> to vector<16x2048xf32>
    %lt3A_707 = arith.cmpf olt, %slice3A_706, %min3A_702 : vector<16x2048xf32>
    %min3A_708 = arith.minimumf %min3A_702, %slice3A_706 : vector<16x2048xf32>
    %jit3A_709 = arith.constant 112 : i32
    %broadcast_in_dim3A_710 = vector.broadcast %jit3A_709 : i32 to vector<16x2048xi32>
    %select_n3A_711 = arith.select %lt3A_707, %broadcast_in_dim3A_710, %select_n3A_705 : vector<16x2048xi1>, vector<16x2048xi32>
    %slice3A_712 = vector.extract_strided_slice %dot_general3A_38 {offsets = [1808, 0], sizes = [16, 2048], strides = [1, 1]} : vector<4096x2048xf32> to vector<16x2048xf32>
    %lt3A_713 = arith.cmpf olt, %slice3A_712, %min3A_708 : vector<16x2048xf32>
    %min3A_714 = arith.minimumf %min3A_708, %slice3A_712 : vector<16x2048xf32>
    %jit3A_715 = arith.constant 113 : i32
    %broadcast_in_dim3A_716 = vector.broadcast %jit3A_715 : i32 to vector<16x2048xi32>
    %select_n3A_717 = arith.select %lt3A_713, %broadcast_in_dim3A_716, %select_n3A_711 : vector<16x2048xi1>, vector<16x2048xi32>
    %slice3A_718 = vector.extract_strided_slice %dot_general3A_38 {offsets = [1824, 0], sizes = [16, 2048], strides = [1, 1]} : vector<4096x2048xf32> to vector<16x2048xf32>
    %lt3A_719 = arith.cmpf olt, %slice3A_718, %min3A_714 : vector<16x2048xf32>
    %min3A_720 = arith.minimumf %min3A_714, %slice3A_718 : vector<16x2048xf32>
    %jit3A_721 = arith.constant 114 : i32
    %broadcast_in_dim3A_722 = vector.broadcast %jit3A_721 : i32 to vector<16x2048xi32>
    %select_n3A_723 = arith.select %lt3A_719, %broadcast_in_dim3A_722, %select_n3A_717 : vector<16x2048xi1>, vector<16x2048xi32>
    %slice3A_724 = vector.extract_strided_slice %dot_general3A_38 {offsets = [1840, 0], sizes = [16, 2048], strides = [1, 1]} : vector<4096x2048xf32> to vector<16x2048xf32>
    %lt3A_725 = arith.cmpf olt, %slice3A_724, %min3A_720 : vector<16x2048xf32>
    %min3A_726 = arith.minimumf %min3A_720, %slice3A_724 : vector<16x2048xf32>
    %jit3A_727 = arith.constant 115 : i32
    %broadcast_in_dim3A_728 = vector.broadcast %jit3A_727 : i32 to vector<16x2048xi32>
    %select_n3A_729 = arith.select %lt3A_725, %broadcast_in_dim3A_728, %select_n3A_723 : vector<16x2048xi1>, vector<16x2048xi32>
    %slice3A_730 = vector.extract_strided_slice %dot_general3A_38 {offsets = [1856, 0], sizes = [16, 2048], strides = [1, 1]} : vector<4096x2048xf32> to vector<16x2048xf32>
    %lt3A_731 = arith.cmpf olt, %slice3A_730, %min3A_726 : vector<16x2048xf32>
    %min3A_732 = arith.minimumf %min3A_726, %slice3A_730 : vector<16x2048xf32>
    %jit3A_733 = arith.constant 116 : i32
    %broadcast_in_dim3A_734 = vector.broadcast %jit3A_733 : i32 to vector<16x2048xi32>
    %select_n3A_735 = arith.select %lt3A_731, %broadcast_in_dim3A_734, %select_n3A_729 : vector<16x2048xi1>, vector<16x2048xi32>
    %slice3A_736 = vector.extract_strided_slice %dot_general3A_38 {offsets = [1872, 0], sizes = [16, 2048], strides = [1, 1]} : vector<4096x2048xf32> to vector<16x2048xf32>
    %lt3A_737 = arith.cmpf olt, %slice3A_736, %min3A_732 : vector<16x2048xf32>
    %min3A_738 = arith.minimumf %min3A_732, %slice3A_736 : vector<16x2048xf32>
    %jit3A_739 = arith.constant 117 : i32
    %broadcast_in_dim3A_740 = vector.broadcast %jit3A_739 : i32 to vector<16x2048xi32>
    %select_n3A_741 = arith.select %lt3A_737, %broadcast_in_dim3A_740, %select_n3A_735 : vector<16x2048xi1>, vector<16x2048xi32>
    %slice3A_742 = vector.extract_strided_slice %dot_general3A_38 {offsets = [1888, 0], sizes = [16, 2048], strides = [1, 1]} : vector<4096x2048xf32> to vector<16x2048xf32>
    %lt3A_743 = arith.cmpf olt, %slice3A_742, %min3A_738 : vector<16x2048xf32>
    %min3A_744 = arith.minimumf %min3A_738, %slice3A_742 : vector<16x2048xf32>
    %jit3A_745 = arith.constant 118 : i32
    %broadcast_in_dim3A_746 = vector.broadcast %jit3A_745 : i32 to vector<16x2048xi32>
    %select_n3A_747 = arith.select %lt3A_743, %broadcast_in_dim3A_746, %select_n3A_741 : vector<16x2048xi1>, vector<16x2048xi32>
    %slice3A_748 = vector.extract_strided_slice %dot_general3A_38 {offsets = [1904, 0], sizes = [16, 2048], strides = [1, 1]} : vector<4096x2048xf32> to vector<16x2048xf32>
    %lt3A_749 = arith.cmpf olt, %slice3A_748, %min3A_744 : vector<16x2048xf32>
    %min3A_750 = arith.minimumf %min3A_744, %slice3A_748 : vector<16x2048xf32>
    %jit3A_751 = arith.constant 119 : i32
    %broadcast_in_dim3A_752 = vector.broadcast %jit3A_751 : i32 to vector<16x2048xi32>
    %select_n3A_753 = arith.select %lt3A_749, %broadcast_in_dim3A_752, %select_n3A_747 : vector<16x2048xi1>, vector<16x2048xi32>
    %slice3A_754 = vector.extract_strided_slice %dot_general3A_38 {offsets = [1920, 0], sizes = [16, 2048], strides = [1, 1]} : vector<4096x2048xf32> to vector<16x2048xf32>
    %lt3A_755 = arith.cmpf olt, %slice3A_754, %min3A_750 : vector<16x2048xf32>
    %min3A_756 = arith.minimumf %min3A_750, %slice3A_754 : vector<16x2048xf32>
    %jit3A_757 = arith.constant 120 : i32
    %broadcast_in_dim3A_758 = vector.broadcast %jit3A_757 : i32 to vector<16x2048xi32>
    %select_n3A_759 = arith.select %lt3A_755, %broadcast_in_dim3A_758, %select_n3A_753 : vector<16x2048xi1>, vector<16x2048xi32>
    %slice3A_760 = vector.extract_strided_slice %dot_general3A_38 {offsets = [1936, 0], sizes = [16, 2048], strides = [1, 1]} : vector<4096x2048xf32> to vector<16x2048xf32>
    %lt3A_761 = arith.cmpf olt, %slice3A_760, %min3A_756 : vector<16x2048xf32>
    %min3A_762 = arith.minimumf %min3A_756, %slice3A_760 : vector<16x2048xf32>
    %jit3A_763 = arith.constant 121 : i32
    %broadcast_in_dim3A_764 = vector.broadcast %jit3A_763 : i32 to vector<16x2048xi32>
    %select_n3A_765 = arith.select %lt3A_761, %broadcast_in_dim3A_764, %select_n3A_759 : vector<16x2048xi1>, vector<16x2048xi32>
    %slice3A_766 = vector.extract_strided_slice %dot_general3A_38 {offsets = [1952, 0], sizes = [16, 2048], strides = [1, 1]} : vector<4096x2048xf32> to vector<16x2048xf32>
    %lt3A_767 = arith.cmpf olt, %slice3A_766, %min3A_762 : vector<16x2048xf32>
    %min3A_768 = arith.minimumf %min3A_762, %slice3A_766 : vector<16x2048xf32>
    %jit3A_769 = arith.constant 122 : i32
    %broadcast_in_dim3A_770 = vector.broadcast %jit3A_769 : i32 to vector<16x2048xi32>
    %select_n3A_771 = arith.select %lt3A_767, %broadcast_in_dim3A_770, %select_n3A_765 : vector<16x2048xi1>, vector<16x2048xi32>
    %slice3A_772 = vector.extract_strided_slice %dot_general3A_38 {offsets = [1968, 0], sizes = [16, 2048], strides = [1, 1]} : vector<4096x2048xf32> to vector<16x2048xf32>
    %lt3A_773 = arith.cmpf olt, %slice3A_772, %min3A_768 : vector<16x2048xf32>
    %min3A_774 = arith.minimumf %min3A_768, %slice3A_772 : vector<16x2048xf32>
    %jit3A_775 = arith.constant 123 : i32
    %broadcast_in_dim3A_776 = vector.broadcast %jit3A_775 : i32 to vector<16x2048xi32>
    %select_n3A_777 = arith.select %lt3A_773, %broadcast_in_dim3A_776, %select_n3A_771 : vector<16x2048xi1>, vector<16x2048xi32>
    %slice3A_778 = vector.extract_strided_slice %dot_general3A_38 {offsets = [1984, 0], sizes = [16, 2048], strides = [1, 1]} : vector<4096x2048xf32> to vector<16x2048xf32>
    %lt3A_779 = arith.cmpf olt, %slice3A_778, %min3A_774 : vector<16x2048xf32>
    %min3A_780 = arith.minimumf %min3A_774, %slice3A_778 : vector<16x2048xf32>
    %jit3A_781 = arith.constant 124 : i32
    %broadcast_in_dim3A_782 = vector.broadcast %jit3A_781 : i32 to vector<16x2048xi32>
    %select_n3A_783 = arith.select %lt3A_779, %broadcast_in_dim3A_782, %select_n3A_777 : vector<16x2048xi1>, vector<16x2048xi32>
    %slice3A_784 = vector.extract_strided_slice %dot_general3A_38 {offsets = [2000, 0], sizes = [16, 2048], strides = [1, 1]} : vector<4096x2048xf32> to vector<16x2048xf32>
    %lt3A_785 = arith.cmpf olt, %slice3A_784, %min3A_780 : vector<16x2048xf32>
    %min3A_786 = arith.minimumf %min3A_780, %slice3A_784 : vector<16x2048xf32>
    %jit3A_787 = arith.constant 125 : i32
    %broadcast_in_dim3A_788 = vector.broadcast %jit3A_787 : i32 to vector<16x2048xi32>
    %select_n3A_789 = arith.select %lt3A_785, %broadcast_in_dim3A_788, %select_n3A_783 : vector<16x2048xi1>, vector<16x2048xi32>
    %slice3A_790 = vector.extract_strided_slice %dot_general3A_38 {offsets = [2016, 0], sizes = [16, 2048], strides = [1, 1]} : vector<4096x2048xf32> to vector<16x2048xf32>
    %lt3A_791 = arith.cmpf olt, %slice3A_790, %min3A_786 : vector<16x2048xf32>
    %min3A_792 = arith.minimumf %min3A_786, %slice3A_790 : vector<16x2048xf32>
    %jit3A_793 = arith.constant 126 : i32
    %broadcast_in_dim3A_794 = vector.broadcast %jit3A_793 : i32 to vector<16x2048xi32>
    %select_n3A_795 = arith.select %lt3A_791, %broadcast_in_dim3A_794, %select_n3A_789 : vector<16x2048xi1>, vector<16x2048xi32>
    %slice3A_796 = vector.extract_strided_slice %dot_general3A_38 {offsets = [2032, 0], sizes = [16, 2048], strides = [1, 1]} : vector<4096x2048xf32> to vector<16x2048xf32>
    %lt3A_797 = arith.cmpf olt, %slice3A_796, %min3A_792 : vector<16x2048xf32>
    %min3A_798 = arith.minimumf %min3A_792, %slice3A_796 : vector<16x2048xf32>
    %jit3A_799 = arith.constant 127 : i32
    %broadcast_in_dim3A_800 = vector.broadcast %jit3A_799 : i32 to vector<16x2048xi32>
    %select_n3A_801 = arith.select %lt3A_797, %broadcast_in_dim3A_800, %select_n3A_795 : vector<16x2048xi1>, vector<16x2048xi32>
    %slice3A_802 = vector.extract_strided_slice %dot_general3A_38 {offsets = [2048, 0], sizes = [16, 2048], strides = [1, 1]} : vector<4096x2048xf32> to vector<16x2048xf32>
    %lt3A_803 = arith.cmpf olt, %slice3A_802, %min3A_798 : vector<16x2048xf32>
    %min3A_804 = arith.minimumf %min3A_798, %slice3A_802 : vector<16x2048xf32>
    %jit3A_805 = arith.constant 128 : i32
    %broadcast_in_dim3A_806 = vector.broadcast %jit3A_805 : i32 to vector<16x2048xi32>
    %select_n3A_807 = arith.select %lt3A_803, %broadcast_in_dim3A_806, %select_n3A_801 : vector<16x2048xi1>, vector<16x2048xi32>
    %slice3A_808 = vector.extract_strided_slice %dot_general3A_38 {offsets = [2064, 0], sizes = [16, 2048], strides = [1, 1]} : vector<4096x2048xf32> to vector<16x2048xf32>
    %lt3A_809 = arith.cmpf olt, %slice3A_808, %min3A_804 : vector<16x2048xf32>
    %min3A_810 = arith.minimumf %min3A_804, %slice3A_808 : vector<16x2048xf32>
    %jit3A_811 = arith.constant 129 : i32
    %broadcast_in_dim3A_812 = vector.broadcast %jit3A_811 : i32 to vector<16x2048xi32>
    %select_n3A_813 = arith.select %lt3A_809, %broadcast_in_dim3A_812, %select_n3A_807 : vector<16x2048xi1>, vector<16x2048xi32>
    %slice3A_814 = vector.extract_strided_slice %dot_general3A_38 {offsets = [2080, 0], sizes = [16, 2048], strides = [1, 1]} : vector<4096x2048xf32> to vector<16x2048xf32>
    %lt3A_815 = arith.cmpf olt, %slice3A_814, %min3A_810 : vector<16x2048xf32>
    %min3A_816 = arith.minimumf %min3A_810, %slice3A_814 : vector<16x2048xf32>
    %jit3A_817 = arith.constant 130 : i32
    %broadcast_in_dim3A_818 = vector.broadcast %jit3A_817 : i32 to vector<16x2048xi32>
    %select_n3A_819 = arith.select %lt3A_815, %broadcast_in_dim3A_818, %select_n3A_813 : vector<16x2048xi1>, vector<16x2048xi32>
    %slice3A_820 = vector.extract_strided_slice %dot_general3A_38 {offsets = [2096, 0], sizes = [16, 2048], strides = [1, 1]} : vector<4096x2048xf32> to vector<16x2048xf32>
    %lt3A_821 = arith.cmpf olt, %slice3A_820, %min3A_816 : vector<16x2048xf32>
    %min3A_822 = arith.minimumf %min3A_816, %slice3A_820 : vector<16x2048xf32>
    %jit3A_823 = arith.constant 131 : i32
    %broadcast_in_dim3A_824 = vector.broadcast %jit3A_823 : i32 to vector<16x2048xi32>
    %select_n3A_825 = arith.select %lt3A_821, %broadcast_in_dim3A_824, %select_n3A_819 : vector<16x2048xi1>, vector<16x2048xi32>
    %slice3A_826 = vector.extract_strided_slice %dot_general3A_38 {offsets = [2112, 0], sizes = [16, 2048], strides = [1, 1]} : vector<4096x2048xf32> to vector<16x2048xf32>
    %lt3A_827 = arith.cmpf olt, %slice3A_826, %min3A_822 : vector<16x2048xf32>
    %min3A_828 = arith.minimumf %min3A_822, %slice3A_826 : vector<16x2048xf32>
    %jit3A_829 = arith.constant 132 : i32
    %broadcast_in_dim3A_830 = vector.broadcast %jit3A_829 : i32 to vector<16x2048xi32>
    %select_n3A_831 = arith.select %lt3A_827, %broadcast_in_dim3A_830, %select_n3A_825 : vector<16x2048xi1>, vector<16x2048xi32>
    %slice3A_832 = vector.extract_strided_slice %dot_general3A_38 {offsets = [2128, 0], sizes = [16, 2048], strides = [1, 1]} : vector<4096x2048xf32> to vector<16x2048xf32>
    %lt3A_833 = arith.cmpf olt, %slice3A_832, %min3A_828 : vector<16x2048xf32>
    %min3A_834 = arith.minimumf %min3A_828, %slice3A_832 : vector<16x2048xf32>
    %jit3A_835 = arith.constant 133 : i32
    %broadcast_in_dim3A_836 = vector.broadcast %jit3A_835 : i32 to vector<16x2048xi32>
    %select_n3A_837 = arith.select %lt3A_833, %broadcast_in_dim3A_836, %select_n3A_831 : vector<16x2048xi1>, vector<16x2048xi32>
    %slice3A_838 = vector.extract_strided_slice %dot_general3A_38 {offsets = [2144, 0], sizes = [16, 2048], strides = [1, 1]} : vector<4096x2048xf32> to vector<16x2048xf32>
    %lt3A_839 = arith.cmpf olt, %slice3A_838, %min3A_834 : vector<16x2048xf32>
    %min3A_840 = arith.minimumf %min3A_834, %slice3A_838 : vector<16x2048xf32>
    %jit3A_841 = arith.constant 134 : i32
    %broadcast_in_dim3A_842 = vector.broadcast %jit3A_841 : i32 to vector<16x2048xi32>
    %select_n3A_843 = arith.select %lt3A_839, %broadcast_in_dim3A_842, %select_n3A_837 : vector<16x2048xi1>, vector<16x2048xi32>
    %slice3A_844 = vector.extract_strided_slice %dot_general3A_38 {offsets = [2160, 0], sizes = [16, 2048], strides = [1, 1]} : vector<4096x2048xf32> to vector<16x2048xf32>
    %lt3A_845 = arith.cmpf olt, %slice3A_844, %min3A_840 : vector<16x2048xf32>
    %min3A_846 = arith.minimumf %min3A_840, %slice3A_844 : vector<16x2048xf32>
    %jit3A_847 = arith.constant 135 : i32
    %broadcast_in_dim3A_848 = vector.broadcast %jit3A_847 : i32 to vector<16x2048xi32>
    %select_n3A_849 = arith.select %lt3A_845, %broadcast_in_dim3A_848, %select_n3A_843 : vector<16x2048xi1>, vector<16x2048xi32>
    %slice3A_850 = vector.extract_strided_slice %dot_general3A_38 {offsets = [2176, 0], sizes = [16, 2048], strides = [1, 1]} : vector<4096x2048xf32> to vector<16x2048xf32>
    %lt3A_851 = arith.cmpf olt, %slice3A_850, %min3A_846 : vector<16x2048xf32>
    %min3A_852 = arith.minimumf %min3A_846, %slice3A_850 : vector<16x2048xf32>
    %jit3A_853 = arith.constant 136 : i32
    %broadcast_in_dim3A_854 = vector.broadcast %jit3A_853 : i32 to vector<16x2048xi32>
    %select_n3A_855 = arith.select %lt3A_851, %broadcast_in_dim3A_854, %select_n3A_849 : vector<16x2048xi1>, vector<16x2048xi32>
    %slice3A_856 = vector.extract_strided_slice %dot_general3A_38 {offsets = [2192, 0], sizes = [16, 2048], strides = [1, 1]} : vector<4096x2048xf32> to vector<16x2048xf32>
    %lt3A_857 = arith.cmpf olt, %slice3A_856, %min3A_852 : vector<16x2048xf32>
    %min3A_858 = arith.minimumf %min3A_852, %slice3A_856 : vector<16x2048xf32>
    %jit3A_859 = arith.constant 137 : i32
    %broadcast_in_dim3A_860 = vector.broadcast %jit3A_859 : i32 to vector<16x2048xi32>
    %select_n3A_861 = arith.select %lt3A_857, %broadcast_in_dim3A_860, %select_n3A_855 : vector<16x2048xi1>, vector<16x2048xi32>
    %slice3A_862 = vector.extract_strided_slice %dot_general3A_38 {offsets = [2208, 0], sizes = [16, 2048], strides = [1, 1]} : vector<4096x2048xf32> to vector<16x2048xf32>
    %lt3A_863 = arith.cmpf olt, %slice3A_862, %min3A_858 : vector<16x2048xf32>
    %min3A_864 = arith.minimumf %min3A_858, %slice3A_862 : vector<16x2048xf32>
    %jit3A_865 = arith.constant 138 : i32
    %broadcast_in_dim3A_866 = vector.broadcast %jit3A_865 : i32 to vector<16x2048xi32>
    %select_n3A_867 = arith.select %lt3A_863, %broadcast_in_dim3A_866, %select_n3A_861 : vector<16x2048xi1>, vector<16x2048xi32>
    %slice3A_868 = vector.extract_strided_slice %dot_general3A_38 {offsets = [2224, 0], sizes = [16, 2048], strides = [1, 1]} : vector<4096x2048xf32> to vector<16x2048xf32>
    %lt3A_869 = arith.cmpf olt, %slice3A_868, %min3A_864 : vector<16x2048xf32>
    %min3A_870 = arith.minimumf %min3A_864, %slice3A_868 : vector<16x2048xf32>
    %jit3A_871 = arith.constant 139 : i32
    %broadcast_in_dim3A_872 = vector.broadcast %jit3A_871 : i32 to vector<16x2048xi32>
    %select_n3A_873 = arith.select %lt3A_869, %broadcast_in_dim3A_872, %select_n3A_867 : vector<16x2048xi1>, vector<16x2048xi32>
    %slice3A_874 = vector.extract_strided_slice %dot_general3A_38 {offsets = [2240, 0], sizes = [16, 2048], strides = [1, 1]} : vector<4096x2048xf32> to vector<16x2048xf32>
    %lt3A_875 = arith.cmpf olt, %slice3A_874, %min3A_870 : vector<16x2048xf32>
    %min3A_876 = arith.minimumf %min3A_870, %slice3A_874 : vector<16x2048xf32>
    %jit3A_877 = arith.constant 140 : i32
    %broadcast_in_dim3A_878 = vector.broadcast %jit3A_877 : i32 to vector<16x2048xi32>
    %select_n3A_879 = arith.select %lt3A_875, %broadcast_in_dim3A_878, %select_n3A_873 : vector<16x2048xi1>, vector<16x2048xi32>
    %slice3A_880 = vector.extract_strided_slice %dot_general3A_38 {offsets = [2256, 0], sizes = [16, 2048], strides = [1, 1]} : vector<4096x2048xf32> to vector<16x2048xf32>
    %lt3A_881 = arith.cmpf olt, %slice3A_880, %min3A_876 : vector<16x2048xf32>
    %min3A_882 = arith.minimumf %min3A_876, %slice3A_880 : vector<16x2048xf32>
    %jit3A_883 = arith.constant 141 : i32
    %broadcast_in_dim3A_884 = vector.broadcast %jit3A_883 : i32 to vector<16x2048xi32>
    %select_n3A_885 = arith.select %lt3A_881, %broadcast_in_dim3A_884, %select_n3A_879 : vector<16x2048xi1>, vector<16x2048xi32>
    %slice3A_886 = vector.extract_strided_slice %dot_general3A_38 {offsets = [2272, 0], sizes = [16, 2048], strides = [1, 1]} : vector<4096x2048xf32> to vector<16x2048xf32>
    %lt3A_887 = arith.cmpf olt, %slice3A_886, %min3A_882 : vector<16x2048xf32>
    %min3A_888 = arith.minimumf %min3A_882, %slice3A_886 : vector<16x2048xf32>
    %jit3A_889 = arith.constant 142 : i32
    %broadcast_in_dim3A_890 = vector.broadcast %jit3A_889 : i32 to vector<16x2048xi32>
    %select_n3A_891 = arith.select %lt3A_887, %broadcast_in_dim3A_890, %select_n3A_885 : vector<16x2048xi1>, vector<16x2048xi32>
    %slice3A_892 = vector.extract_strided_slice %dot_general3A_38 {offsets = [2288, 0], sizes = [16, 2048], strides = [1, 1]} : vector<4096x2048xf32> to vector<16x2048xf32>
    %lt3A_893 = arith.cmpf olt, %slice3A_892, %min3A_888 : vector<16x2048xf32>
    %min3A_894 = arith.minimumf %min3A_888, %slice3A_892 : vector<16x2048xf32>
    %jit3A_895 = arith.constant 143 : i32
    %broadcast_in_dim3A_896 = vector.broadcast %jit3A_895 : i32 to vector<16x2048xi32>
    %select_n3A_897 = arith.select %lt3A_893, %broadcast_in_dim3A_896, %select_n3A_891 : vector<16x2048xi1>, vector<16x2048xi32>
    %slice3A_898 = vector.extract_strided_slice %dot_general3A_38 {offsets = [2304, 0], sizes = [16, 2048], strides = [1, 1]} : vector<4096x2048xf32> to vector<16x2048xf32>
    %lt3A_899 = arith.cmpf olt, %slice3A_898, %min3A_894 : vector<16x2048xf32>
    %min3A_900 = arith.minimumf %min3A_894, %slice3A_898 : vector<16x2048xf32>
    %jit3A_901 = arith.constant 144 : i32
    %broadcast_in_dim3A_902 = vector.broadcast %jit3A_901 : i32 to vector<16x2048xi32>
    %select_n3A_903 = arith.select %lt3A_899, %broadcast_in_dim3A_902, %select_n3A_897 : vector<16x2048xi1>, vector<16x2048xi32>
    %slice3A_904 = vector.extract_strided_slice %dot_general3A_38 {offsets = [2320, 0], sizes = [16, 2048], strides = [1, 1]} : vector<4096x2048xf32> to vector<16x2048xf32>
    %lt3A_905 = arith.cmpf olt, %slice3A_904, %min3A_900 : vector<16x2048xf32>
    %min3A_906 = arith.minimumf %min3A_900, %slice3A_904 : vector<16x2048xf32>
    %jit3A_907 = arith.constant 145 : i32
    %broadcast_in_dim3A_908 = vector.broadcast %jit3A_907 : i32 to vector<16x2048xi32>
    %select_n3A_909 = arith.select %lt3A_905, %broadcast_in_dim3A_908, %select_n3A_903 : vector<16x2048xi1>, vector<16x2048xi32>
    %slice3A_910 = vector.extract_strided_slice %dot_general3A_38 {offsets = [2336, 0], sizes = [16, 2048], strides = [1, 1]} : vector<4096x2048xf32> to vector<16x2048xf32>
    %lt3A_911 = arith.cmpf olt, %slice3A_910, %min3A_906 : vector<16x2048xf32>
    %min3A_912 = arith.minimumf %min3A_906, %slice3A_910 : vector<16x2048xf32>
    %jit3A_913 = arith.constant 146 : i32
    %broadcast_in_dim3A_914 = vector.broadcast %jit3A_913 : i32 to vector<16x2048xi32>
    %select_n3A_915 = arith.select %lt3A_911, %broadcast_in_dim3A_914, %select_n3A_909 : vector<16x2048xi1>, vector<16x2048xi32>
    %slice3A_916 = vector.extract_strided_slice %dot_general3A_38 {offsets = [2352, 0], sizes = [16, 2048], strides = [1, 1]} : vector<4096x2048xf32> to vector<16x2048xf32>
    %lt3A_917 = arith.cmpf olt, %slice3A_916, %min3A_912 : vector<16x2048xf32>
    %min3A_918 = arith.minimumf %min3A_912, %slice3A_916 : vector<16x2048xf32>
    %jit3A_919 = arith.constant 147 : i32
    %broadcast_in_dim3A_920 = vector.broadcast %jit3A_919 : i32 to vector<16x2048xi32>
    %select_n3A_921 = arith.select %lt3A_917, %broadcast_in_dim3A_920, %select_n3A_915 : vector<16x2048xi1>, vector<16x2048xi32>
    %slice3A_922 = vector.extract_strided_slice %dot_general3A_38 {offsets = [2368, 0], sizes = [16, 2048], strides = [1, 1]} : vector<4096x2048xf32> to vector<16x2048xf32>
    %lt3A_923 = arith.cmpf olt, %slice3A_922, %min3A_918 : vector<16x2048xf32>
    %min3A_924 = arith.minimumf %min3A_918, %slice3A_922 : vector<16x2048xf32>
    %jit3A_925 = arith.constant 148 : i32
    %broadcast_in_dim3A_926 = vector.broadcast %jit3A_925 : i32 to vector<16x2048xi32>
    %select_n3A_927 = arith.select %lt3A_923, %broadcast_in_dim3A_926, %select_n3A_921 : vector<16x2048xi1>, vector<16x2048xi32>
    %slice3A_928 = vector.extract_strided_slice %dot_general3A_38 {offsets = [2384, 0], sizes = [16, 2048], strides = [1, 1]} : vector<4096x2048xf32> to vector<16x2048xf32>
    %lt3A_929 = arith.cmpf olt, %slice3A_928, %min3A_924 : vector<16x2048xf32>
    %min3A_930 = arith.minimumf %min3A_924, %slice3A_928 : vector<16x2048xf32>
    %jit3A_931 = arith.constant 149 : i32
    %broadcast_in_dim3A_932 = vector.broadcast %jit3A_931 : i32 to vector<16x2048xi32>
    %select_n3A_933 = arith.select %lt3A_929, %broadcast_in_dim3A_932, %select_n3A_927 : vector<16x2048xi1>, vector<16x2048xi32>
    %slice3A_934 = vector.extract_strided_slice %dot_general3A_38 {offsets = [2400, 0], sizes = [16, 2048], strides = [1, 1]} : vector<4096x2048xf32> to vector<16x2048xf32>
    %lt3A_935 = arith.cmpf olt, %slice3A_934, %min3A_930 : vector<16x2048xf32>
    %min3A_936 = arith.minimumf %min3A_930, %slice3A_934 : vector<16x2048xf32>
    %jit3A_937 = arith.constant 150 : i32
    %broadcast_in_dim3A_938 = vector.broadcast %jit3A_937 : i32 to vector<16x2048xi32>
    %select_n3A_939 = arith.select %lt3A_935, %broadcast_in_dim3A_938, %select_n3A_933 : vector<16x2048xi1>, vector<16x2048xi32>
    %slice3A_940 = vector.extract_strided_slice %dot_general3A_38 {offsets = [2416, 0], sizes = [16, 2048], strides = [1, 1]} : vector<4096x2048xf32> to vector<16x2048xf32>
    %lt3A_941 = arith.cmpf olt, %slice3A_940, %min3A_936 : vector<16x2048xf32>
    %min3A_942 = arith.minimumf %min3A_936, %slice3A_940 : vector<16x2048xf32>
    %jit3A_943 = arith.constant 151 : i32
    %broadcast_in_dim3A_944 = vector.broadcast %jit3A_943 : i32 to vector<16x2048xi32>
    %select_n3A_945 = arith.select %lt3A_941, %broadcast_in_dim3A_944, %select_n3A_939 : vector<16x2048xi1>, vector<16x2048xi32>
    %slice3A_946 = vector.extract_strided_slice %dot_general3A_38 {offsets = [2432, 0], sizes = [16, 2048], strides = [1, 1]} : vector<4096x2048xf32> to vector<16x2048xf32>
    %lt3A_947 = arith.cmpf olt, %slice3A_946, %min3A_942 : vector<16x2048xf32>
    %min3A_948 = arith.minimumf %min3A_942, %slice3A_946 : vector<16x2048xf32>
    %jit3A_949 = arith.constant 152 : i32
    %broadcast_in_dim3A_950 = vector.broadcast %jit3A_949 : i32 to vector<16x2048xi32>
    %select_n3A_951 = arith.select %lt3A_947, %broadcast_in_dim3A_950, %select_n3A_945 : vector<16x2048xi1>, vector<16x2048xi32>
    %slice3A_952 = vector.extract_strided_slice %dot_general3A_38 {offsets = [2448, 0], sizes = [16, 2048], strides = [1, 1]} : vector<4096x2048xf32> to vector<16x2048xf32>
    %lt3A_953 = arith.cmpf olt, %slice3A_952, %min3A_948 : vector<16x2048xf32>
    %min3A_954 = arith.minimumf %min3A_948, %slice3A_952 : vector<16x2048xf32>
    %jit3A_955 = arith.constant 153 : i32
    %broadcast_in_dim3A_956 = vector.broadcast %jit3A_955 : i32 to vector<16x2048xi32>
    %select_n3A_957 = arith.select %lt3A_953, %broadcast_in_dim3A_956, %select_n3A_951 : vector<16x2048xi1>, vector<16x2048xi32>
    %slice3A_958 = vector.extract_strided_slice %dot_general3A_38 {offsets = [2464, 0], sizes = [16, 2048], strides = [1, 1]} : vector<4096x2048xf32> to vector<16x2048xf32>
    %lt3A_959 = arith.cmpf olt, %slice3A_958, %min3A_954 : vector<16x2048xf32>
    %min3A_960 = arith.minimumf %min3A_954, %slice3A_958 : vector<16x2048xf32>
    %jit3A_961 = arith.constant 154 : i32
    %broadcast_in_dim3A_962 = vector.broadcast %jit3A_961 : i32 to vector<16x2048xi32>
    %select_n3A_963 = arith.select %lt3A_959, %broadcast_in_dim3A_962, %select_n3A_957 : vector<16x2048xi1>, vector<16x2048xi32>
    %slice3A_964 = vector.extract_strided_slice %dot_general3A_38 {offsets = [2480, 0], sizes = [16, 2048], strides = [1, 1]} : vector<4096x2048xf32> to vector<16x2048xf32>
    %lt3A_965 = arith.cmpf olt, %slice3A_964, %min3A_960 : vector<16x2048xf32>
    %min3A_966 = arith.minimumf %min3A_960, %slice3A_964 : vector<16x2048xf32>
    %jit3A_967 = arith.constant 155 : i32
    %broadcast_in_dim3A_968 = vector.broadcast %jit3A_967 : i32 to vector<16x2048xi32>
    %select_n3A_969 = arith.select %lt3A_965, %broadcast_in_dim3A_968, %select_n3A_963 : vector<16x2048xi1>, vector<16x2048xi32>
    %slice3A_970 = vector.extract_strided_slice %dot_general3A_38 {offsets = [2496, 0], sizes = [16, 2048], strides = [1, 1]} : vector<4096x2048xf32> to vector<16x2048xf32>
    %lt3A_971 = arith.cmpf olt, %slice3A_970, %min3A_966 : vector<16x2048xf32>
    %min3A_972 = arith.minimumf %min3A_966, %slice3A_970 : vector<16x2048xf32>
    %jit3A_973 = arith.constant 156 : i32
    %broadcast_in_dim3A_974 = vector.broadcast %jit3A_973 : i32 to vector<16x2048xi32>
    %select_n3A_975 = arith.select %lt3A_971, %broadcast_in_dim3A_974, %select_n3A_969 : vector<16x2048xi1>, vector<16x2048xi32>
    %slice3A_976 = vector.extract_strided_slice %dot_general3A_38 {offsets = [2512, 0], sizes = [16, 2048], strides = [1, 1]} : vector<4096x2048xf32> to vector<16x2048xf32>
    %lt3A_977 = arith.cmpf olt, %slice3A_976, %min3A_972 : vector<16x2048xf32>
    %min3A_978 = arith.minimumf %min3A_972, %slice3A_976 : vector<16x2048xf32>
    %jit3A_979 = arith.constant 157 : i32
    %broadcast_in_dim3A_980 = vector.broadcast %jit3A_979 : i32 to vector<16x2048xi32>
    %select_n3A_981 = arith.select %lt3A_977, %broadcast_in_dim3A_980, %select_n3A_975 : vector<16x2048xi1>, vector<16x2048xi32>
    %slice3A_982 = vector.extract_strided_slice %dot_general3A_38 {offsets = [2528, 0], sizes = [16, 2048], strides = [1, 1]} : vector<4096x2048xf32> to vector<16x2048xf32>
    %lt3A_983 = arith.cmpf olt, %slice3A_982, %min3A_978 : vector<16x2048xf32>
    %min3A_984 = arith.minimumf %min3A_978, %slice3A_982 : vector<16x2048xf32>
    %jit3A_985 = arith.constant 158 : i32
    %broadcast_in_dim3A_986 = vector.broadcast %jit3A_985 : i32 to vector<16x2048xi32>
    %select_n3A_987 = arith.select %lt3A_983, %broadcast_in_dim3A_986, %select_n3A_981 : vector<16x2048xi1>, vector<16x2048xi32>
    %slice3A_988 = vector.extract_strided_slice %dot_general3A_38 {offsets = [2544, 0], sizes = [16, 2048], strides = [1, 1]} : vector<4096x2048xf32> to vector<16x2048xf32>
    %lt3A_989 = arith.cmpf olt, %slice3A_988, %min3A_984 : vector<16x2048xf32>
    %min3A_990 = arith.minimumf %min3A_984, %slice3A_988 : vector<16x2048xf32>
    %jit3A_991 = arith.constant 159 : i32
    %broadcast_in_dim3A_992 = vector.broadcast %jit3A_991 : i32 to vector<16x2048xi32>
    %select_n3A_993 = arith.select %lt3A_989, %broadcast_in_dim3A_992, %select_n3A_987 : vector<16x2048xi1>, vector<16x2048xi32>
    %slice3A_994 = vector.extract_strided_slice %dot_general3A_38 {offsets = [2560, 0], sizes = [16, 2048], strides = [1, 1]} : vector<4096x2048xf32> to vector<16x2048xf32>
    %lt3A_995 = arith.cmpf olt, %slice3A_994, %min3A_990 : vector<16x2048xf32>
    %min3A_996 = arith.minimumf %min3A_990, %slice3A_994 : vector<16x2048xf32>
    %jit3A_997 = arith.constant 160 : i32
    %broadcast_in_dim3A_998 = vector.broadcast %jit3A_997 : i32 to vector<16x2048xi32>
    %select_n3A_999 = arith.select %lt3A_995, %broadcast_in_dim3A_998, %select_n3A_993 : vector<16x2048xi1>, vector<16x2048xi32>
    %slice3A_1000 = vector.extract_strided_slice %dot_general3A_38 {offsets = [2576, 0], sizes = [16, 2048], strides = [1, 1]} : vector<4096x2048xf32> to vector<16x2048xf32>
    %lt3A_1001 = arith.cmpf olt, %slice3A_1000, %min3A_996 : vector<16x2048xf32>
    %min3A_1002 = arith.minimumf %min3A_996, %slice3A_1000 : vector<16x2048xf32>
    %jit3A_1003 = arith.constant 161 : i32
    %broadcast_in_dim3A_1004 = vector.broadcast %jit3A_1003 : i32 to vector<16x2048xi32>
    %select_n3A_1005 = arith.select %lt3A_1001, %broadcast_in_dim3A_1004, %select_n3A_999 : vector<16x2048xi1>, vector<16x2048xi32>
    %slice3A_1006 = vector.extract_strided_slice %dot_general3A_38 {offsets = [2592, 0], sizes = [16, 2048], strides = [1, 1]} : vector<4096x2048xf32> to vector<16x2048xf32>
    %lt3A_1007 = arith.cmpf olt, %slice3A_1006, %min3A_1002 : vector<16x2048xf32>
    %min3A_1008 = arith.minimumf %min3A_1002, %slice3A_1006 : vector<16x2048xf32>
    %jit3A_1009 = arith.constant 162 : i32
    %broadcast_in_dim3A_1010 = vector.broadcast %jit3A_1009 : i32 to vector<16x2048xi32>
    %select_n3A_1011 = arith.select %lt3A_1007, %broadcast_in_dim3A_1010, %select_n3A_1005 : vector<16x2048xi1>, vector<16x2048xi32>
    %slice3A_1012 = vector.extract_strided_slice %dot_general3A_38 {offsets = [2608, 0], sizes = [16, 2048], strides = [1, 1]} : vector<4096x2048xf32> to vector<16x2048xf32>
    %lt3A_1013 = arith.cmpf olt, %slice3A_1012, %min3A_1008 : vector<16x2048xf32>
    %min3A_1014 = arith.minimumf %min3A_1008, %slice3A_1012 : vector<16x2048xf32>
    %jit3A_1015 = arith.constant 163 : i32
    %broadcast_in_dim3A_1016 = vector.broadcast %jit3A_1015 : i32 to vector<16x2048xi32>
    %select_n3A_1017 = arith.select %lt3A_1013, %broadcast_in_dim3A_1016, %select_n3A_1011 : vector<16x2048xi1>, vector<16x2048xi32>
    %slice3A_1018 = vector.extract_strided_slice %dot_general3A_38 {offsets = [2624, 0], sizes = [16, 2048], strides = [1, 1]} : vector<4096x2048xf32> to vector<16x2048xf32>
    %lt3A_1019 = arith.cmpf olt, %slice3A_1018, %min3A_1014 : vector<16x2048xf32>
    %min3A_1020 = arith.minimumf %min3A_1014, %slice3A_1018 : vector<16x2048xf32>
    %jit3A_1021 = arith.constant 164 : i32
    %broadcast_in_dim3A_1022 = vector.broadcast %jit3A_1021 : i32 to vector<16x2048xi32>
    %select_n3A_1023 = arith.select %lt3A_1019, %broadcast_in_dim3A_1022, %select_n3A_1017 : vector<16x2048xi1>, vector<16x2048xi32>
    %slice3A_1024 = vector.extract_strided_slice %dot_general3A_38 {offsets = [2640, 0], sizes = [16, 2048], strides = [1, 1]} : vector<4096x2048xf32> to vector<16x2048xf32>
    %lt3A_1025 = arith.cmpf olt, %slice3A_1024, %min3A_1020 : vector<16x2048xf32>
    %min3A_1026 = arith.minimumf %min3A_1020, %slice3A_1024 : vector<16x2048xf32>
    %jit3A_1027 = arith.constant 165 : i32
    %broadcast_in_dim3A_1028 = vector.broadcast %jit3A_1027 : i32 to vector<16x2048xi32>
    %select_n3A_1029 = arith.select %lt3A_1025, %broadcast_in_dim3A_1028, %select_n3A_1023 : vector<16x2048xi1>, vector<16x2048xi32>
    %slice3A_1030 = vector.extract_strided_slice %dot_general3A_38 {offsets = [2656, 0], sizes = [16, 2048], strides = [1, 1]} : vector<4096x2048xf32> to vector<16x2048xf32>
    %lt3A_1031 = arith.cmpf olt, %slice3A_1030, %min3A_1026 : vector<16x2048xf32>
    %min3A_1032 = arith.minimumf %min3A_1026, %slice3A_1030 : vector<16x2048xf32>
    %jit3A_1033 = arith.constant 166 : i32
    %broadcast_in_dim3A_1034 = vector.broadcast %jit3A_1033 : i32 to vector<16x2048xi32>
    %select_n3A_1035 = arith.select %lt3A_1031, %broadcast_in_dim3A_1034, %select_n3A_1029 : vector<16x2048xi1>, vector<16x2048xi32>
    %slice3A_1036 = vector.extract_strided_slice %dot_general3A_38 {offsets = [2672, 0], sizes = [16, 2048], strides = [1, 1]} : vector<4096x2048xf32> to vector<16x2048xf32>
    %lt3A_1037 = arith.cmpf olt, %slice3A_1036, %min3A_1032 : vector<16x2048xf32>
    %min3A_1038 = arith.minimumf %min3A_1032, %slice3A_1036 : vector<16x2048xf32>
    %jit3A_1039 = arith.constant 167 : i32
    %broadcast_in_dim3A_1040 = vector.broadcast %jit3A_1039 : i32 to vector<16x2048xi32>
    %select_n3A_1041 = arith.select %lt3A_1037, %broadcast_in_dim3A_1040, %select_n3A_1035 : vector<16x2048xi1>, vector<16x2048xi32>
    %slice3A_1042 = vector.extract_strided_slice %dot_general3A_38 {offsets = [2688, 0], sizes = [16, 2048], strides = [1, 1]} : vector<4096x2048xf32> to vector<16x2048xf32>
    %lt3A_1043 = arith.cmpf olt, %slice3A_1042, %min3A_1038 : vector<16x2048xf32>
    %min3A_1044 = arith.minimumf %min3A_1038, %slice3A_1042 : vector<16x2048xf32>
    %jit3A_1045 = arith.constant 168 : i32
    %broadcast_in_dim3A_1046 = vector.broadcast %jit3A_1045 : i32 to vector<16x2048xi32>
    %select_n3A_1047 = arith.select %lt3A_1043, %broadcast_in_dim3A_1046, %select_n3A_1041 : vector<16x2048xi1>, vector<16x2048xi32>
    %slice3A_1048 = vector.extract_strided_slice %dot_general3A_38 {offsets = [2704, 0], sizes = [16, 2048], strides = [1, 1]} : vector<4096x2048xf32> to vector<16x2048xf32>
    %lt3A_1049 = arith.cmpf olt, %slice3A_1048, %min3A_1044 : vector<16x2048xf32>
    %min3A_1050 = arith.minimumf %min3A_1044, %slice3A_1048 : vector<16x2048xf32>
    %jit3A_1051 = arith.constant 169 : i32
    %broadcast_in_dim3A_1052 = vector.broadcast %jit3A_1051 : i32 to vector<16x2048xi32>
    %select_n3A_1053 = arith.select %lt3A_1049, %broadcast_in_dim3A_1052, %select_n3A_1047 : vector<16x2048xi1>, vector<16x2048xi32>
    %slice3A_1054 = vector.extract_strided_slice %dot_general3A_38 {offsets = [2720, 0], sizes = [16, 2048], strides = [1, 1]} : vector<4096x2048xf32> to vector<16x2048xf32>
    %lt3A_1055 = arith.cmpf olt, %slice3A_1054, %min3A_1050 : vector<16x2048xf32>
    %min3A_1056 = arith.minimumf %min3A_1050, %slice3A_1054 : vector<16x2048xf32>
    %jit3A_1057 = arith.constant 170 : i32
    %broadcast_in_dim3A_1058 = vector.broadcast %jit3A_1057 : i32 to vector<16x2048xi32>
    %select_n3A_1059 = arith.select %lt3A_1055, %broadcast_in_dim3A_1058, %select_n3A_1053 : vector<16x2048xi1>, vector<16x2048xi32>
    %slice3A_1060 = vector.extract_strided_slice %dot_general3A_38 {offsets = [2736, 0], sizes = [16, 2048], strides = [1, 1]} : vector<4096x2048xf32> to vector<16x2048xf32>
    %lt3A_1061 = arith.cmpf olt, %slice3A_1060, %min3A_1056 : vector<16x2048xf32>
    %min3A_1062 = arith.minimumf %min3A_1056, %slice3A_1060 : vector<16x2048xf32>
    %jit3A_1063 = arith.constant 171 : i32
    %broadcast_in_dim3A_1064 = vector.broadcast %jit3A_1063 : i32 to vector<16x2048xi32>
    %select_n3A_1065 = arith.select %lt3A_1061, %broadcast_in_dim3A_1064, %select_n3A_1059 : vector<16x2048xi1>, vector<16x2048xi32>
    %slice3A_1066 = vector.extract_strided_slice %dot_general3A_38 {offsets = [2752, 0], sizes = [16, 2048], strides = [1, 1]} : vector<4096x2048xf32> to vector<16x2048xf32>
    %lt3A_1067 = arith.cmpf olt, %slice3A_1066, %min3A_1062 : vector<16x2048xf32>
    %min3A_1068 = arith.minimumf %min3A_1062, %slice3A_1066 : vector<16x2048xf32>
    %jit3A_1069 = arith.constant 172 : i32
    %broadcast_in_dim3A_1070 = vector.broadcast %jit3A_1069 : i32 to vector<16x2048xi32>
    %select_n3A_1071 = arith.select %lt3A_1067, %broadcast_in_dim3A_1070, %select_n3A_1065 : vector<16x2048xi1>, vector<16x2048xi32>
    %slice3A_1072 = vector.extract_strided_slice %dot_general3A_38 {offsets = [2768, 0], sizes = [16, 2048], strides = [1, 1]} : vector<4096x2048xf32> to vector<16x2048xf32>
    %lt3A_1073 = arith.cmpf olt, %slice3A_1072, %min3A_1068 : vector<16x2048xf32>
    %min3A_1074 = arith.minimumf %min3A_1068, %slice3A_1072 : vector<16x2048xf32>
    %jit3A_1075 = arith.constant 173 : i32
    %broadcast_in_dim3A_1076 = vector.broadcast %jit3A_1075 : i32 to vector<16x2048xi32>
    %select_n3A_1077 = arith.select %lt3A_1073, %broadcast_in_dim3A_1076, %select_n3A_1071 : vector<16x2048xi1>, vector<16x2048xi32>
    %slice3A_1078 = vector.extract_strided_slice %dot_general3A_38 {offsets = [2784, 0], sizes = [16, 2048], strides = [1, 1]} : vector<4096x2048xf32> to vector<16x2048xf32>
    %lt3A_1079 = arith.cmpf olt, %slice3A_1078, %min3A_1074 : vector<16x2048xf32>
    %min3A_1080 = arith.minimumf %min3A_1074, %slice3A_1078 : vector<16x2048xf32>
    %jit3A_1081 = arith.constant 174 : i32
    %broadcast_in_dim3A_1082 = vector.broadcast %jit3A_1081 : i32 to vector<16x2048xi32>
    %select_n3A_1083 = arith.select %lt3A_1079, %broadcast_in_dim3A_1082, %select_n3A_1077 : vector<16x2048xi1>, vector<16x2048xi32>
    %slice3A_1084 = vector.extract_strided_slice %dot_general3A_38 {offsets = [2800, 0], sizes = [16, 2048], strides = [1, 1]} : vector<4096x2048xf32> to vector<16x2048xf32>
    %lt3A_1085 = arith.cmpf olt, %slice3A_1084, %min3A_1080 : vector<16x2048xf32>
    %min3A_1086 = arith.minimumf %min3A_1080, %slice3A_1084 : vector<16x2048xf32>
    %jit3A_1087 = arith.constant 175 : i32
    %broadcast_in_dim3A_1088 = vector.broadcast %jit3A_1087 : i32 to vector<16x2048xi32>
    %select_n3A_1089 = arith.select %lt3A_1085, %broadcast_in_dim3A_1088, %select_n3A_1083 : vector<16x2048xi1>, vector<16x2048xi32>
    %slice3A_1090 = vector.extract_strided_slice %dot_general3A_38 {offsets = [2816, 0], sizes = [16, 2048], strides = [1, 1]} : vector<4096x2048xf32> to vector<16x2048xf32>
    %lt3A_1091 = arith.cmpf olt, %slice3A_1090, %min3A_1086 : vector<16x2048xf32>
    %min3A_1092 = arith.minimumf %min3A_1086, %slice3A_1090 : vector<16x2048xf32>
    %jit3A_1093 = arith.constant 176 : i32
    %broadcast_in_dim3A_1094 = vector.broadcast %jit3A_1093 : i32 to vector<16x2048xi32>
    %select_n3A_1095 = arith.select %lt3A_1091, %broadcast_in_dim3A_1094, %select_n3A_1089 : vector<16x2048xi1>, vector<16x2048xi32>
    %slice3A_1096 = vector.extract_strided_slice %dot_general3A_38 {offsets = [2832, 0], sizes = [16, 2048], strides = [1, 1]} : vector<4096x2048xf32> to vector<16x2048xf32>
    %lt3A_1097 = arith.cmpf olt, %slice3A_1096, %min3A_1092 : vector<16x2048xf32>
    %min3A_1098 = arith.minimumf %min3A_1092, %slice3A_1096 : vector<16x2048xf32>
    %jit3A_1099 = arith.constant 177 : i32
    %broadcast_in_dim3A_1100 = vector.broadcast %jit3A_1099 : i32 to vector<16x2048xi32>
    %select_n3A_1101 = arith.select %lt3A_1097, %broadcast_in_dim3A_1100, %select_n3A_1095 : vector<16x2048xi1>, vector<16x2048xi32>
    %slice3A_1102 = vector.extract_strided_slice %dot_general3A_38 {offsets = [2848, 0], sizes = [16, 2048], strides = [1, 1]} : vector<4096x2048xf32> to vector<16x2048xf32>
    %lt3A_1103 = arith.cmpf olt, %slice3A_1102, %min3A_1098 : vector<16x2048xf32>
    %min3A_1104 = arith.minimumf %min3A_1098, %slice3A_1102 : vector<16x2048xf32>
    %jit3A_1105 = arith.constant 178 : i32
    %broadcast_in_dim3A_1106 = vector.broadcast %jit3A_1105 : i32 to vector<16x2048xi32>
    %select_n3A_1107 = arith.select %lt3A_1103, %broadcast_in_dim3A_1106, %select_n3A_1101 : vector<16x2048xi1>, vector<16x2048xi32>
    %slice3A_1108 = vector.extract_strided_slice %dot_general3A_38 {offsets = [2864, 0], sizes = [16, 2048], strides = [1, 1]} : vector<4096x2048xf32> to vector<16x2048xf32>
    %lt3A_1109 = arith.cmpf olt, %slice3A_1108, %min3A_1104 : vector<16x2048xf32>
    %min3A_1110 = arith.minimumf %min3A_1104, %slice3A_1108 : vector<16x2048xf32>
    %jit3A_1111 = arith.constant 179 : i32
    %broadcast_in_dim3A_1112 = vector.broadcast %jit3A_1111 : i32 to vector<16x2048xi32>
    %select_n3A_1113 = arith.select %lt3A_1109, %broadcast_in_dim3A_1112, %select_n3A_1107 : vector<16x2048xi1>, vector<16x2048xi32>
    %slice3A_1114 = vector.extract_strided_slice %dot_general3A_38 {offsets = [2880, 0], sizes = [16, 2048], strides = [1, 1]} : vector<4096x2048xf32> to vector<16x2048xf32>
    %lt3A_1115 = arith.cmpf olt, %slice3A_1114, %min3A_1110 : vector<16x2048xf32>
    %min3A_1116 = arith.minimumf %min3A_1110, %slice3A_1114 : vector<16x2048xf32>
    %jit3A_1117 = arith.constant 180 : i32
    %broadcast_in_dim3A_1118 = vector.broadcast %jit3A_1117 : i32 to vector<16x2048xi32>
    %select_n3A_1119 = arith.select %lt3A_1115, %broadcast_in_dim3A_1118, %select_n3A_1113 : vector<16x2048xi1>, vector<16x2048xi32>
    %slice3A_1120 = vector.extract_strided_slice %dot_general3A_38 {offsets = [2896, 0], sizes = [16, 2048], strides = [1, 1]} : vector<4096x2048xf32> to vector<16x2048xf32>
    %lt3A_1121 = arith.cmpf olt, %slice3A_1120, %min3A_1116 : vector<16x2048xf32>
    %min3A_1122 = arith.minimumf %min3A_1116, %slice3A_1120 : vector<16x2048xf32>
    %jit3A_1123 = arith.constant 181 : i32
    %broadcast_in_dim3A_1124 = vector.broadcast %jit3A_1123 : i32 to vector<16x2048xi32>
    %select_n3A_1125 = arith.select %lt3A_1121, %broadcast_in_dim3A_1124, %select_n3A_1119 : vector<16x2048xi1>, vector<16x2048xi32>
    %slice3A_1126 = vector.extract_strided_slice %dot_general3A_38 {offsets = [2912, 0], sizes = [16, 2048], strides = [1, 1]} : vector<4096x2048xf32> to vector<16x2048xf32>
    %lt3A_1127 = arith.cmpf olt, %slice3A_1126, %min3A_1122 : vector<16x2048xf32>
    %min3A_1128 = arith.minimumf %min3A_1122, %slice3A_1126 : vector<16x2048xf32>
    %jit3A_1129 = arith.constant 182 : i32
    %broadcast_in_dim3A_1130 = vector.broadcast %jit3A_1129 : i32 to vector<16x2048xi32>
    %select_n3A_1131 = arith.select %lt3A_1127, %broadcast_in_dim3A_1130, %select_n3A_1125 : vector<16x2048xi1>, vector<16x2048xi32>
    %slice3A_1132 = vector.extract_strided_slice %dot_general3A_38 {offsets = [2928, 0], sizes = [16, 2048], strides = [1, 1]} : vector<4096x2048xf32> to vector<16x2048xf32>
    %lt3A_1133 = arith.cmpf olt, %slice3A_1132, %min3A_1128 : vector<16x2048xf32>
    %min3A_1134 = arith.minimumf %min3A_1128, %slice3A_1132 : vector<16x2048xf32>
    %jit3A_1135 = arith.constant 183 : i32
    %broadcast_in_dim3A_1136 = vector.broadcast %jit3A_1135 : i32 to vector<16x2048xi32>
    %select_n3A_1137 = arith.select %lt3A_1133, %broadcast_in_dim3A_1136, %select_n3A_1131 : vector<16x2048xi1>, vector<16x2048xi32>
    %slice3A_1138 = vector.extract_strided_slice %dot_general3A_38 {offsets = [2944, 0], sizes = [16, 2048], strides = [1, 1]} : vector<4096x2048xf32> to vector<16x2048xf32>
    %lt3A_1139 = arith.cmpf olt, %slice3A_1138, %min3A_1134 : vector<16x2048xf32>
    %min3A_1140 = arith.minimumf %min3A_1134, %slice3A_1138 : vector<16x2048xf32>
    %jit3A_1141 = arith.constant 184 : i32
    %broadcast_in_dim3A_1142 = vector.broadcast %jit3A_1141 : i32 to vector<16x2048xi32>
    %select_n3A_1143 = arith.select %lt3A_1139, %broadcast_in_dim3A_1142, %select_n3A_1137 : vector<16x2048xi1>, vector<16x2048xi32>
    %slice3A_1144 = vector.extract_strided_slice %dot_general3A_38 {offsets = [2960, 0], sizes = [16, 2048], strides = [1, 1]} : vector<4096x2048xf32> to vector<16x2048xf32>
    %lt3A_1145 = arith.cmpf olt, %slice3A_1144, %min3A_1140 : vector<16x2048xf32>
    %min3A_1146 = arith.minimumf %min3A_1140, %slice3A_1144 : vector<16x2048xf32>
    %jit3A_1147 = arith.constant 185 : i32
    %broadcast_in_dim3A_1148 = vector.broadcast %jit3A_1147 : i32 to vector<16x2048xi32>
    %select_n3A_1149 = arith.select %lt3A_1145, %broadcast_in_dim3A_1148, %select_n3A_1143 : vector<16x2048xi1>, vector<16x2048xi32>
    %slice3A_1150 = vector.extract_strided_slice %dot_general3A_38 {offsets = [2976, 0], sizes = [16, 2048], strides = [1, 1]} : vector<4096x2048xf32> to vector<16x2048xf32>
    %lt3A_1151 = arith.cmpf olt, %slice3A_1150, %min3A_1146 : vector<16x2048xf32>
    %min3A_1152 = arith.minimumf %min3A_1146, %slice3A_1150 : vector<16x2048xf32>
    %jit3A_1153 = arith.constant 186 : i32
    %broadcast_in_dim3A_1154 = vector.broadcast %jit3A_1153 : i32 to vector<16x2048xi32>
    %select_n3A_1155 = arith.select %lt3A_1151, %broadcast_in_dim3A_1154, %select_n3A_1149 : vector<16x2048xi1>, vector<16x2048xi32>
    %slice3A_1156 = vector.extract_strided_slice %dot_general3A_38 {offsets = [2992, 0], sizes = [16, 2048], strides = [1, 1]} : vector<4096x2048xf32> to vector<16x2048xf32>
    %lt3A_1157 = arith.cmpf olt, %slice3A_1156, %min3A_1152 : vector<16x2048xf32>
    %min3A_1158 = arith.minimumf %min3A_1152, %slice3A_1156 : vector<16x2048xf32>
    %jit3A_1159 = arith.constant 187 : i32
    %broadcast_in_dim3A_1160 = vector.broadcast %jit3A_1159 : i32 to vector<16x2048xi32>
    %select_n3A_1161 = arith.select %lt3A_1157, %broadcast_in_dim3A_1160, %select_n3A_1155 : vector<16x2048xi1>, vector<16x2048xi32>
    %slice3A_1162 = vector.extract_strided_slice %dot_general3A_38 {offsets = [3008, 0], sizes = [16, 2048], strides = [1, 1]} : vector<4096x2048xf32> to vector<16x2048xf32>
    %lt3A_1163 = arith.cmpf olt, %slice3A_1162, %min3A_1158 : vector<16x2048xf32>
    %min3A_1164 = arith.minimumf %min3A_1158, %slice3A_1162 : vector<16x2048xf32>
    %jit3A_1165 = arith.constant 188 : i32
    %broadcast_in_dim3A_1166 = vector.broadcast %jit3A_1165 : i32 to vector<16x2048xi32>
    %select_n3A_1167 = arith.select %lt3A_1163, %broadcast_in_dim3A_1166, %select_n3A_1161 : vector<16x2048xi1>, vector<16x2048xi32>
    %slice3A_1168 = vector.extract_strided_slice %dot_general3A_38 {offsets = [3024, 0], sizes = [16, 2048], strides = [1, 1]} : vector<4096x2048xf32> to vector<16x2048xf32>
    %lt3A_1169 = arith.cmpf olt, %slice3A_1168, %min3A_1164 : vector<16x2048xf32>
    %min3A_1170 = arith.minimumf %min3A_1164, %slice3A_1168 : vector<16x2048xf32>
    %jit3A_1171 = arith.constant 189 : i32
    %broadcast_in_dim3A_1172 = vector.broadcast %jit3A_1171 : i32 to vector<16x2048xi32>
    %select_n3A_1173 = arith.select %lt3A_1169, %broadcast_in_dim3A_1172, %select_n3A_1167 : vector<16x2048xi1>, vector<16x2048xi32>
    %slice3A_1174 = vector.extract_strided_slice %dot_general3A_38 {offsets = [3040, 0], sizes = [16, 2048], strides = [1, 1]} : vector<4096x2048xf32> to vector<16x2048xf32>
    %lt3A_1175 = arith.cmpf olt, %slice3A_1174, %min3A_1170 : vector<16x2048xf32>
    %min3A_1176 = arith.minimumf %min3A_1170, %slice3A_1174 : vector<16x2048xf32>
    %jit3A_1177 = arith.constant 190 : i32
    %broadcast_in_dim3A_1178 = vector.broadcast %jit3A_1177 : i32 to vector<16x2048xi32>
    %select_n3A_1179 = arith.select %lt3A_1175, %broadcast_in_dim3A_1178, %select_n3A_1173 : vector<16x2048xi1>, vector<16x2048xi32>
    %slice3A_1180 = vector.extract_strided_slice %dot_general3A_38 {offsets = [3056, 0], sizes = [16, 2048], strides = [1, 1]} : vector<4096x2048xf32> to vector<16x2048xf32>
    %lt3A_1181 = arith.cmpf olt, %slice3A_1180, %min3A_1176 : vector<16x2048xf32>
    %min3A_1182 = arith.minimumf %min3A_1176, %slice3A_1180 : vector<16x2048xf32>
    %jit3A_1183 = arith.constant 191 : i32
    %broadcast_in_dim3A_1184 = vector.broadcast %jit3A_1183 : i32 to vector<16x2048xi32>
    %select_n3A_1185 = arith.select %lt3A_1181, %broadcast_in_dim3A_1184, %select_n3A_1179 : vector<16x2048xi1>, vector<16x2048xi32>
    %slice3A_1186 = vector.extract_strided_slice %dot_general3A_38 {offsets = [3072, 0], sizes = [16, 2048], strides = [1, 1]} : vector<4096x2048xf32> to vector<16x2048xf32>
    %lt3A_1187 = arith.cmpf olt, %slice3A_1186, %min3A_1182 : vector<16x2048xf32>
    %min3A_1188 = arith.minimumf %min3A_1182, %slice3A_1186 : vector<16x2048xf32>
    %jit3A_1189 = arith.constant 192 : i32
    %broadcast_in_dim3A_1190 = vector.broadcast %jit3A_1189 : i32 to vector<16x2048xi32>
    %select_n3A_1191 = arith.select %lt3A_1187, %broadcast_in_dim3A_1190, %select_n3A_1185 : vector<16x2048xi1>, vector<16x2048xi32>
    %slice3A_1192 = vector.extract_strided_slice %dot_general3A_38 {offsets = [3088, 0], sizes = [16, 2048], strides = [1, 1]} : vector<4096x2048xf32> to vector<16x2048xf32>
    %lt3A_1193 = arith.cmpf olt, %slice3A_1192, %min3A_1188 : vector<16x2048xf32>
    %min3A_1194 = arith.minimumf %min3A_1188, %slice3A_1192 : vector<16x2048xf32>
    %jit3A_1195 = arith.constant 193 : i32
    %broadcast_in_dim3A_1196 = vector.broadcast %jit3A_1195 : i32 to vector<16x2048xi32>
    %select_n3A_1197 = arith.select %lt3A_1193, %broadcast_in_dim3A_1196, %select_n3A_1191 : vector<16x2048xi1>, vector<16x2048xi32>
    %slice3A_1198 = vector.extract_strided_slice %dot_general3A_38 {offsets = [3104, 0], sizes = [16, 2048], strides = [1, 1]} : vector<4096x2048xf32> to vector<16x2048xf32>
    %lt3A_1199 = arith.cmpf olt, %slice3A_1198, %min3A_1194 : vector<16x2048xf32>
    %min3A_1200 = arith.minimumf %min3A_1194, %slice3A_1198 : vector<16x2048xf32>
    %jit3A_1201 = arith.constant 194 : i32
    %broadcast_in_dim3A_1202 = vector.broadcast %jit3A_1201 : i32 to vector<16x2048xi32>
    %select_n3A_1203 = arith.select %lt3A_1199, %broadcast_in_dim3A_1202, %select_n3A_1197 : vector<16x2048xi1>, vector<16x2048xi32>
    %slice3A_1204 = vector.extract_strided_slice %dot_general3A_38 {offsets = [3120, 0], sizes = [16, 2048], strides = [1, 1]} : vector<4096x2048xf32> to vector<16x2048xf32>
    %lt3A_1205 = arith.cmpf olt, %slice3A_1204, %min3A_1200 : vector<16x2048xf32>
    %min3A_1206 = arith.minimumf %min3A_1200, %slice3A_1204 : vector<16x2048xf32>
    %jit3A_1207 = arith.constant 195 : i32
    %broadcast_in_dim3A_1208 = vector.broadcast %jit3A_1207 : i32 to vector<16x2048xi32>
    %select_n3A_1209 = arith.select %lt3A_1205, %broadcast_in_dim3A_1208, %select_n3A_1203 : vector<16x2048xi1>, vector<16x2048xi32>
    %slice3A_1210 = vector.extract_strided_slice %dot_general3A_38 {offsets = [3136, 0], sizes = [16, 2048], strides = [1, 1]} : vector<4096x2048xf32> to vector<16x2048xf32>
    %lt3A_1211 = arith.cmpf olt, %slice3A_1210, %min3A_1206 : vector<16x2048xf32>
    %min3A_1212 = arith.minimumf %min3A_1206, %slice3A_1210 : vector<16x2048xf32>
    %jit3A_1213 = arith.constant 196 : i32
    %broadcast_in_dim3A_1214 = vector.broadcast %jit3A_1213 : i32 to vector<16x2048xi32>
    %select_n3A_1215 = arith.select %lt3A_1211, %broadcast_in_dim3A_1214, %select_n3A_1209 : vector<16x2048xi1>, vector<16x2048xi32>
    %slice3A_1216 = vector.extract_strided_slice %dot_general3A_38 {offsets = [3152, 0], sizes = [16, 2048], strides = [1, 1]} : vector<4096x2048xf32> to vector<16x2048xf32>
    %lt3A_1217 = arith.cmpf olt, %slice3A_1216, %min3A_1212 : vector<16x2048xf32>
    %min3A_1218 = arith.minimumf %min3A_1212, %slice3A_1216 : vector<16x2048xf32>
    %jit3A_1219 = arith.constant 197 : i32
    %broadcast_in_dim3A_1220 = vector.broadcast %jit3A_1219 : i32 to vector<16x2048xi32>
    %select_n3A_1221 = arith.select %lt3A_1217, %broadcast_in_dim3A_1220, %select_n3A_1215 : vector<16x2048xi1>, vector<16x2048xi32>
    %slice3A_1222 = vector.extract_strided_slice %dot_general3A_38 {offsets = [3168, 0], sizes = [16, 2048], strides = [1, 1]} : vector<4096x2048xf32> to vector<16x2048xf32>
    %lt3A_1223 = arith.cmpf olt, %slice3A_1222, %min3A_1218 : vector<16x2048xf32>
    %min3A_1224 = arith.minimumf %min3A_1218, %slice3A_1222 : vector<16x2048xf32>
    %jit3A_1225 = arith.constant 198 : i32
    %broadcast_in_dim3A_1226 = vector.broadcast %jit3A_1225 : i32 to vector<16x2048xi32>
    %select_n3A_1227 = arith.select %lt3A_1223, %broadcast_in_dim3A_1226, %select_n3A_1221 : vector<16x2048xi1>, vector<16x2048xi32>
    %slice3A_1228 = vector.extract_strided_slice %dot_general3A_38 {offsets = [3184, 0], sizes = [16, 2048], strides = [1, 1]} : vector<4096x2048xf32> to vector<16x2048xf32>
    %lt3A_1229 = arith.cmpf olt, %slice3A_1228, %min3A_1224 : vector<16x2048xf32>
    %min3A_1230 = arith.minimumf %min3A_1224, %slice3A_1228 : vector<16x2048xf32>
    %jit3A_1231 = arith.constant 199 : i32
    %broadcast_in_dim3A_1232 = vector.broadcast %jit3A_1231 : i32 to vector<16x2048xi32>
    %select_n3A_1233 = arith.select %lt3A_1229, %broadcast_in_dim3A_1232, %select_n3A_1227 : vector<16x2048xi1>, vector<16x2048xi32>
    %slice3A_1234 = vector.extract_strided_slice %dot_general3A_38 {offsets = [3200, 0], sizes = [16, 2048], strides = [1, 1]} : vector<4096x2048xf32> to vector<16x2048xf32>
    %lt3A_1235 = arith.cmpf olt, %slice3A_1234, %min3A_1230 : vector<16x2048xf32>
    %min3A_1236 = arith.minimumf %min3A_1230, %slice3A_1234 : vector<16x2048xf32>
    %jit3A_1237 = arith.constant 200 : i32
    %broadcast_in_dim3A_1238 = vector.broadcast %jit3A_1237 : i32 to vector<16x2048xi32>
    %select_n3A_1239 = arith.select %lt3A_1235, %broadcast_in_dim3A_1238, %select_n3A_1233 : vector<16x2048xi1>, vector<16x2048xi32>
    %slice3A_1240 = vector.extract_strided_slice %dot_general3A_38 {offsets = [3216, 0], sizes = [16, 2048], strides = [1, 1]} : vector<4096x2048xf32> to vector<16x2048xf32>
    %lt3A_1241 = arith.cmpf olt, %slice3A_1240, %min3A_1236 : vector<16x2048xf32>
    %min3A_1242 = arith.minimumf %min3A_1236, %slice3A_1240 : vector<16x2048xf32>
    %jit3A_1243 = arith.constant 201 : i32
    %broadcast_in_dim3A_1244 = vector.broadcast %jit3A_1243 : i32 to vector<16x2048xi32>
    %select_n3A_1245 = arith.select %lt3A_1241, %broadcast_in_dim3A_1244, %select_n3A_1239 : vector<16x2048xi1>, vector<16x2048xi32>
    %slice3A_1246 = vector.extract_strided_slice %dot_general3A_38 {offsets = [3232, 0], sizes = [16, 2048], strides = [1, 1]} : vector<4096x2048xf32> to vector<16x2048xf32>
    %lt3A_1247 = arith.cmpf olt, %slice3A_1246, %min3A_1242 : vector<16x2048xf32>
    %min3A_1248 = arith.minimumf %min3A_1242, %slice3A_1246 : vector<16x2048xf32>
    %jit3A_1249 = arith.constant 202 : i32
    %broadcast_in_dim3A_1250 = vector.broadcast %jit3A_1249 : i32 to vector<16x2048xi32>
    %select_n3A_1251 = arith.select %lt3A_1247, %broadcast_in_dim3A_1250, %select_n3A_1245 : vector<16x2048xi1>, vector<16x2048xi32>
    %slice3A_1252 = vector.extract_strided_slice %dot_general3A_38 {offsets = [3248, 0], sizes = [16, 2048], strides = [1, 1]} : vector<4096x2048xf32> to vector<16x2048xf32>
    %lt3A_1253 = arith.cmpf olt, %slice3A_1252, %min3A_1248 : vector<16x2048xf32>
    %min3A_1254 = arith.minimumf %min3A_1248, %slice3A_1252 : vector<16x2048xf32>
    %jit3A_1255 = arith.constant 203 : i32
    %broadcast_in_dim3A_1256 = vector.broadcast %jit3A_1255 : i32 to vector<16x2048xi32>
    %select_n3A_1257 = arith.select %lt3A_1253, %broadcast_in_dim3A_1256, %select_n3A_1251 : vector<16x2048xi1>, vector<16x2048xi32>
    %slice3A_1258 = vector.extract_strided_slice %dot_general3A_38 {offsets = [3264, 0], sizes = [16, 2048], strides = [1, 1]} : vector<4096x2048xf32> to vector<16x2048xf32>
    %lt3A_1259 = arith.cmpf olt, %slice3A_1258, %min3A_1254 : vector<16x2048xf32>
    %min3A_1260 = arith.minimumf %min3A_1254, %slice3A_1258 : vector<16x2048xf32>
    %jit3A_1261 = arith.constant 204 : i32
    %broadcast_in_dim3A_1262 = vector.broadcast %jit3A_1261 : i32 to vector<16x2048xi32>
    %select_n3A_1263 = arith.select %lt3A_1259, %broadcast_in_dim3A_1262, %select_n3A_1257 : vector<16x2048xi1>, vector<16x2048xi32>
    %slice3A_1264 = vector.extract_strided_slice %dot_general3A_38 {offsets = [3280, 0], sizes = [16, 2048], strides = [1, 1]} : vector<4096x2048xf32> to vector<16x2048xf32>
    %lt3A_1265 = arith.cmpf olt, %slice3A_1264, %min3A_1260 : vector<16x2048xf32>
    %min3A_1266 = arith.minimumf %min3A_1260, %slice3A_1264 : vector<16x2048xf32>
    %jit3A_1267 = arith.constant 205 : i32
    %broadcast_in_dim3A_1268 = vector.broadcast %jit3A_1267 : i32 to vector<16x2048xi32>
    %select_n3A_1269 = arith.select %lt3A_1265, %broadcast_in_dim3A_1268, %select_n3A_1263 : vector<16x2048xi1>, vector<16x2048xi32>
    %slice3A_1270 = vector.extract_strided_slice %dot_general3A_38 {offsets = [3296, 0], sizes = [16, 2048], strides = [1, 1]} : vector<4096x2048xf32> to vector<16x2048xf32>
    %lt3A_1271 = arith.cmpf olt, %slice3A_1270, %min3A_1266 : vector<16x2048xf32>
    %min3A_1272 = arith.minimumf %min3A_1266, %slice3A_1270 : vector<16x2048xf32>
    %jit3A_1273 = arith.constant 206 : i32
    %broadcast_in_dim3A_1274 = vector.broadcast %jit3A_1273 : i32 to vector<16x2048xi32>
    %select_n3A_1275 = arith.select %lt3A_1271, %broadcast_in_dim3A_1274, %select_n3A_1269 : vector<16x2048xi1>, vector<16x2048xi32>
    %slice3A_1276 = vector.extract_strided_slice %dot_general3A_38 {offsets = [3312, 0], sizes = [16, 2048], strides = [1, 1]} : vector<4096x2048xf32> to vector<16x2048xf32>
    %lt3A_1277 = arith.cmpf olt, %slice3A_1276, %min3A_1272 : vector<16x2048xf32>
    %min3A_1278 = arith.minimumf %min3A_1272, %slice3A_1276 : vector<16x2048xf32>
    %jit3A_1279 = arith.constant 207 : i32
    %broadcast_in_dim3A_1280 = vector.broadcast %jit3A_1279 : i32 to vector<16x2048xi32>
    %select_n3A_1281 = arith.select %lt3A_1277, %broadcast_in_dim3A_1280, %select_n3A_1275 : vector<16x2048xi1>, vector<16x2048xi32>
    %slice3A_1282 = vector.extract_strided_slice %dot_general3A_38 {offsets = [3328, 0], sizes = [16, 2048], strides = [1, 1]} : vector<4096x2048xf32> to vector<16x2048xf32>
    %lt3A_1283 = arith.cmpf olt, %slice3A_1282, %min3A_1278 : vector<16x2048xf32>
    %min3A_1284 = arith.minimumf %min3A_1278, %slice3A_1282 : vector<16x2048xf32>
    %jit3A_1285 = arith.constant 208 : i32
    %broadcast_in_dim3A_1286 = vector.broadcast %jit3A_1285 : i32 to vector<16x2048xi32>
    %select_n3A_1287 = arith.select %lt3A_1283, %broadcast_in_dim3A_1286, %select_n3A_1281 : vector<16x2048xi1>, vector<16x2048xi32>
    %slice3A_1288 = vector.extract_strided_slice %dot_general3A_38 {offsets = [3344, 0], sizes = [16, 2048], strides = [1, 1]} : vector<4096x2048xf32> to vector<16x2048xf32>
    %lt3A_1289 = arith.cmpf olt, %slice3A_1288, %min3A_1284 : vector<16x2048xf32>
    %min3A_1290 = arith.minimumf %min3A_1284, %slice3A_1288 : vector<16x2048xf32>
    %jit3A_1291 = arith.constant 209 : i32
    %broadcast_in_dim3A_1292 = vector.broadcast %jit3A_1291 : i32 to vector<16x2048xi32>
    %select_n3A_1293 = arith.select %lt3A_1289, %broadcast_in_dim3A_1292, %select_n3A_1287 : vector<16x2048xi1>, vector<16x2048xi32>
    %slice3A_1294 = vector.extract_strided_slice %dot_general3A_38 {offsets = [3360, 0], sizes = [16, 2048], strides = [1, 1]} : vector<4096x2048xf32> to vector<16x2048xf32>
    %lt3A_1295 = arith.cmpf olt, %slice3A_1294, %min3A_1290 : vector<16x2048xf32>
    %min3A_1296 = arith.minimumf %min3A_1290, %slice3A_1294 : vector<16x2048xf32>
    %jit3A_1297 = arith.constant 210 : i32
    %broadcast_in_dim3A_1298 = vector.broadcast %jit3A_1297 : i32 to vector<16x2048xi32>
    %select_n3A_1299 = arith.select %lt3A_1295, %broadcast_in_dim3A_1298, %select_n3A_1293 : vector<16x2048xi1>, vector<16x2048xi32>
    %slice3A_1300 = vector.extract_strided_slice %dot_general3A_38 {offsets = [3376, 0], sizes = [16, 2048], strides = [1, 1]} : vector<4096x2048xf32> to vector<16x2048xf32>
    %lt3A_1301 = arith.cmpf olt, %slice3A_1300, %min3A_1296 : vector<16x2048xf32>
    %min3A_1302 = arith.minimumf %min3A_1296, %slice3A_1300 : vector<16x2048xf32>
    %jit3A_1303 = arith.constant 211 : i32
    %broadcast_in_dim3A_1304 = vector.broadcast %jit3A_1303 : i32 to vector<16x2048xi32>
    %select_n3A_1305 = arith.select %lt3A_1301, %broadcast_in_dim3A_1304, %select_n3A_1299 : vector<16x2048xi1>, vector<16x2048xi32>
    %slice3A_1306 = vector.extract_strided_slice %dot_general3A_38 {offsets = [3392, 0], sizes = [16, 2048], strides = [1, 1]} : vector<4096x2048xf32> to vector<16x2048xf32>
    %lt3A_1307 = arith.cmpf olt, %slice3A_1306, %min3A_1302 : vector<16x2048xf32>
    %min3A_1308 = arith.minimumf %min3A_1302, %slice3A_1306 : vector<16x2048xf32>
    %jit3A_1309 = arith.constant 212 : i32
    %broadcast_in_dim3A_1310 = vector.broadcast %jit3A_1309 : i32 to vector<16x2048xi32>
    %select_n3A_1311 = arith.select %lt3A_1307, %broadcast_in_dim3A_1310, %select_n3A_1305 : vector<16x2048xi1>, vector<16x2048xi32>
    %slice3A_1312 = vector.extract_strided_slice %dot_general3A_38 {offsets = [3408, 0], sizes = [16, 2048], strides = [1, 1]} : vector<4096x2048xf32> to vector<16x2048xf32>
    %lt3A_1313 = arith.cmpf olt, %slice3A_1312, %min3A_1308 : vector<16x2048xf32>
    %min3A_1314 = arith.minimumf %min3A_1308, %slice3A_1312 : vector<16x2048xf32>
    %jit3A_1315 = arith.constant 213 : i32
    %broadcast_in_dim3A_1316 = vector.broadcast %jit3A_1315 : i32 to vector<16x2048xi32>
    %select_n3A_1317 = arith.select %lt3A_1313, %broadcast_in_dim3A_1316, %select_n3A_1311 : vector<16x2048xi1>, vector<16x2048xi32>
    %slice3A_1318 = vector.extract_strided_slice %dot_general3A_38 {offsets = [3424, 0], sizes = [16, 2048], strides = [1, 1]} : vector<4096x2048xf32> to vector<16x2048xf32>
    %lt3A_1319 = arith.cmpf olt, %slice3A_1318, %min3A_1314 : vector<16x2048xf32>
    %min3A_1320 = arith.minimumf %min3A_1314, %slice3A_1318 : vector<16x2048xf32>
    %jit3A_1321 = arith.constant 214 : i32
    %broadcast_in_dim3A_1322 = vector.broadcast %jit3A_1321 : i32 to vector<16x2048xi32>
    %select_n3A_1323 = arith.select %lt3A_1319, %broadcast_in_dim3A_1322, %select_n3A_1317 : vector<16x2048xi1>, vector<16x2048xi32>
    %slice3A_1324 = vector.extract_strided_slice %dot_general3A_38 {offsets = [3440, 0], sizes = [16, 2048], strides = [1, 1]} : vector<4096x2048xf32> to vector<16x2048xf32>
    %lt3A_1325 = arith.cmpf olt, %slice3A_1324, %min3A_1320 : vector<16x2048xf32>
    %min3A_1326 = arith.minimumf %min3A_1320, %slice3A_1324 : vector<16x2048xf32>
    %jit3A_1327 = arith.constant 215 : i32
    %broadcast_in_dim3A_1328 = vector.broadcast %jit3A_1327 : i32 to vector<16x2048xi32>
    %select_n3A_1329 = arith.select %lt3A_1325, %broadcast_in_dim3A_1328, %select_n3A_1323 : vector<16x2048xi1>, vector<16x2048xi32>
    %slice3A_1330 = vector.extract_strided_slice %dot_general3A_38 {offsets = [3456, 0], sizes = [16, 2048], strides = [1, 1]} : vector<4096x2048xf32> to vector<16x2048xf32>
    %lt3A_1331 = arith.cmpf olt, %slice3A_1330, %min3A_1326 : vector<16x2048xf32>
    %min3A_1332 = arith.minimumf %min3A_1326, %slice3A_1330 : vector<16x2048xf32>
    %jit3A_1333 = arith.constant 216 : i32
    %broadcast_in_dim3A_1334 = vector.broadcast %jit3A_1333 : i32 to vector<16x2048xi32>
    %select_n3A_1335 = arith.select %lt3A_1331, %broadcast_in_dim3A_1334, %select_n3A_1329 : vector<16x2048xi1>, vector<16x2048xi32>
    %slice3A_1336 = vector.extract_strided_slice %dot_general3A_38 {offsets = [3472, 0], sizes = [16, 2048], strides = [1, 1]} : vector<4096x2048xf32> to vector<16x2048xf32>
    %lt3A_1337 = arith.cmpf olt, %slice3A_1336, %min3A_1332 : vector<16x2048xf32>
    %min3A_1338 = arith.minimumf %min3A_1332, %slice3A_1336 : vector<16x2048xf32>
    %jit3A_1339 = arith.constant 217 : i32
    %broadcast_in_dim3A_1340 = vector.broadcast %jit3A_1339 : i32 to vector<16x2048xi32>
    %select_n3A_1341 = arith.select %lt3A_1337, %broadcast_in_dim3A_1340, %select_n3A_1335 : vector<16x2048xi1>, vector<16x2048xi32>
    %slice3A_1342 = vector.extract_strided_slice %dot_general3A_38 {offsets = [3488, 0], sizes = [16, 2048], strides = [1, 1]} : vector<4096x2048xf32> to vector<16x2048xf32>
    %lt3A_1343 = arith.cmpf olt, %slice3A_1342, %min3A_1338 : vector<16x2048xf32>
    %min3A_1344 = arith.minimumf %min3A_1338, %slice3A_1342 : vector<16x2048xf32>
    %jit3A_1345 = arith.constant 218 : i32
    %broadcast_in_dim3A_1346 = vector.broadcast %jit3A_1345 : i32 to vector<16x2048xi32>
    %select_n3A_1347 = arith.select %lt3A_1343, %broadcast_in_dim3A_1346, %select_n3A_1341 : vector<16x2048xi1>, vector<16x2048xi32>
    %slice3A_1348 = vector.extract_strided_slice %dot_general3A_38 {offsets = [3504, 0], sizes = [16, 2048], strides = [1, 1]} : vector<4096x2048xf32> to vector<16x2048xf32>
    %lt3A_1349 = arith.cmpf olt, %slice3A_1348, %min3A_1344 : vector<16x2048xf32>
    %min3A_1350 = arith.minimumf %min3A_1344, %slice3A_1348 : vector<16x2048xf32>
    %jit3A_1351 = arith.constant 219 : i32
    %broadcast_in_dim3A_1352 = vector.broadcast %jit3A_1351 : i32 to vector<16x2048xi32>
    %select_n3A_1353 = arith.select %lt3A_1349, %broadcast_in_dim3A_1352, %select_n3A_1347 : vector<16x2048xi1>, vector<16x2048xi32>
    %slice3A_1354 = vector.extract_strided_slice %dot_general3A_38 {offsets = [3520, 0], sizes = [16, 2048], strides = [1, 1]} : vector<4096x2048xf32> to vector<16x2048xf32>
    %lt3A_1355 = arith.cmpf olt, %slice3A_1354, %min3A_1350 : vector<16x2048xf32>
    %min3A_1356 = arith.minimumf %min3A_1350, %slice3A_1354 : vector<16x2048xf32>
    %jit3A_1357 = arith.constant 220 : i32
    %broadcast_in_dim3A_1358 = vector.broadcast %jit3A_1357 : i32 to vector<16x2048xi32>
    %select_n3A_1359 = arith.select %lt3A_1355, %broadcast_in_dim3A_1358, %select_n3A_1353 : vector<16x2048xi1>, vector<16x2048xi32>
    %slice3A_1360 = vector.extract_strided_slice %dot_general3A_38 {offsets = [3536, 0], sizes = [16, 2048], strides = [1, 1]} : vector<4096x2048xf32> to vector<16x2048xf32>
    %lt3A_1361 = arith.cmpf olt, %slice3A_1360, %min3A_1356 : vector<16x2048xf32>
    %min3A_1362 = arith.minimumf %min3A_1356, %slice3A_1360 : vector<16x2048xf32>
    %jit3A_1363 = arith.constant 221 : i32
    %broadcast_in_dim3A_1364 = vector.broadcast %jit3A_1363 : i32 to vector<16x2048xi32>
    %select_n3A_1365 = arith.select %lt3A_1361, %broadcast_in_dim3A_1364, %select_n3A_1359 : vector<16x2048xi1>, vector<16x2048xi32>
    %slice3A_1366 = vector.extract_strided_slice %dot_general3A_38 {offsets = [3552, 0], sizes = [16, 2048], strides = [1, 1]} : vector<4096x2048xf32> to vector<16x2048xf32>
    %lt3A_1367 = arith.cmpf olt, %slice3A_1366, %min3A_1362 : vector<16x2048xf32>
    %min3A_1368 = arith.minimumf %min3A_1362, %slice3A_1366 : vector<16x2048xf32>
    %jit3A_1369 = arith.constant 222 : i32
    %broadcast_in_dim3A_1370 = vector.broadcast %jit3A_1369 : i32 to vector<16x2048xi32>
    %select_n3A_1371 = arith.select %lt3A_1367, %broadcast_in_dim3A_1370, %select_n3A_1365 : vector<16x2048xi1>, vector<16x2048xi32>
    %slice3A_1372 = vector.extract_strided_slice %dot_general3A_38 {offsets = [3568, 0], sizes = [16, 2048], strides = [1, 1]} : vector<4096x2048xf32> to vector<16x2048xf32>
    %lt3A_1373 = arith.cmpf olt, %slice3A_1372, %min3A_1368 : vector<16x2048xf32>
    %min3A_1374 = arith.minimumf %min3A_1368, %slice3A_1372 : vector<16x2048xf32>
    %jit3A_1375 = arith.constant 223 : i32
    %broadcast_in_dim3A_1376 = vector.broadcast %jit3A_1375 : i32 to vector<16x2048xi32>
    %select_n3A_1377 = arith.select %lt3A_1373, %broadcast_in_dim3A_1376, %select_n3A_1371 : vector<16x2048xi1>, vector<16x2048xi32>
    %slice3A_1378 = vector.extract_strided_slice %dot_general3A_38 {offsets = [3584, 0], sizes = [16, 2048], strides = [1, 1]} : vector<4096x2048xf32> to vector<16x2048xf32>
    %lt3A_1379 = arith.cmpf olt, %slice3A_1378, %min3A_1374 : vector<16x2048xf32>
    %min3A_1380 = arith.minimumf %min3A_1374, %slice3A_1378 : vector<16x2048xf32>
    %jit3A_1381 = arith.constant 224 : i32
    %broadcast_in_dim3A_1382 = vector.broadcast %jit3A_1381 : i32 to vector<16x2048xi32>
    %select_n3A_1383 = arith.select %lt3A_1379, %broadcast_in_dim3A_1382, %select_n3A_1377 : vector<16x2048xi1>, vector<16x2048xi32>
    %slice3A_1384 = vector.extract_strided_slice %dot_general3A_38 {offsets = [3600, 0], sizes = [16, 2048], strides = [1, 1]} : vector<4096x2048xf32> to vector<16x2048xf32>
    %lt3A_1385 = arith.cmpf olt, %slice3A_1384, %min3A_1380 : vector<16x2048xf32>
    %min3A_1386 = arith.minimumf %min3A_1380, %slice3A_1384 : vector<16x2048xf32>
    %jit3A_1387 = arith.constant 225 : i32
    %broadcast_in_dim3A_1388 = vector.broadcast %jit3A_1387 : i32 to vector<16x2048xi32>
    %select_n3A_1389 = arith.select %lt3A_1385, %broadcast_in_dim3A_1388, %select_n3A_1383 : vector<16x2048xi1>, vector<16x2048xi32>
    %slice3A_1390 = vector.extract_strided_slice %dot_general3A_38 {offsets = [3616, 0], sizes = [16, 2048], strides = [1, 1]} : vector<4096x2048xf32> to vector<16x2048xf32>
    %lt3A_1391 = arith.cmpf olt, %slice3A_1390, %min3A_1386 : vector<16x2048xf32>
    %min3A_1392 = arith.minimumf %min3A_1386, %slice3A_1390 : vector<16x2048xf32>
    %jit3A_1393 = arith.constant 226 : i32
    %broadcast_in_dim3A_1394 = vector.broadcast %jit3A_1393 : i32 to vector<16x2048xi32>
    %select_n3A_1395 = arith.select %lt3A_1391, %broadcast_in_dim3A_1394, %select_n3A_1389 : vector<16x2048xi1>, vector<16x2048xi32>
    %slice3A_1396 = vector.extract_strided_slice %dot_general3A_38 {offsets = [3632, 0], sizes = [16, 2048], strides = [1, 1]} : vector<4096x2048xf32> to vector<16x2048xf32>
    %lt3A_1397 = arith.cmpf olt, %slice3A_1396, %min3A_1392 : vector<16x2048xf32>
    %min3A_1398 = arith.minimumf %min3A_1392, %slice3A_1396 : vector<16x2048xf32>
    %jit3A_1399 = arith.constant 227 : i32
    %broadcast_in_dim3A_1400 = vector.broadcast %jit3A_1399 : i32 to vector<16x2048xi32>
    %select_n3A_1401 = arith.select %lt3A_1397, %broadcast_in_dim3A_1400, %select_n3A_1395 : vector<16x2048xi1>, vector<16x2048xi32>
    %slice3A_1402 = vector.extract_strided_slice %dot_general3A_38 {offsets = [3648, 0], sizes = [16, 2048], strides = [1, 1]} : vector<4096x2048xf32> to vector<16x2048xf32>
    %lt3A_1403 = arith.cmpf olt, %slice3A_1402, %min3A_1398 : vector<16x2048xf32>
    %min3A_1404 = arith.minimumf %min3A_1398, %slice3A_1402 : vector<16x2048xf32>
    %jit3A_1405 = arith.constant 228 : i32
    %broadcast_in_dim3A_1406 = vector.broadcast %jit3A_1405 : i32 to vector<16x2048xi32>
    %select_n3A_1407 = arith.select %lt3A_1403, %broadcast_in_dim3A_1406, %select_n3A_1401 : vector<16x2048xi1>, vector<16x2048xi32>
    %slice3A_1408 = vector.extract_strided_slice %dot_general3A_38 {offsets = [3664, 0], sizes = [16, 2048], strides = [1, 1]} : vector<4096x2048xf32> to vector<16x2048xf32>
    %lt3A_1409 = arith.cmpf olt, %slice3A_1408, %min3A_1404 : vector<16x2048xf32>
    %min3A_1410 = arith.minimumf %min3A_1404, %slice3A_1408 : vector<16x2048xf32>
    %jit3A_1411 = arith.constant 229 : i32
    %broadcast_in_dim3A_1412 = vector.broadcast %jit3A_1411 : i32 to vector<16x2048xi32>
    %select_n3A_1413 = arith.select %lt3A_1409, %broadcast_in_dim3A_1412, %select_n3A_1407 : vector<16x2048xi1>, vector<16x2048xi32>
    %slice3A_1414 = vector.extract_strided_slice %dot_general3A_38 {offsets = [3680, 0], sizes = [16, 2048], strides = [1, 1]} : vector<4096x2048xf32> to vector<16x2048xf32>
    %lt3A_1415 = arith.cmpf olt, %slice3A_1414, %min3A_1410 : vector<16x2048xf32>
    %min3A_1416 = arith.minimumf %min3A_1410, %slice3A_1414 : vector<16x2048xf32>
    %jit3A_1417 = arith.constant 230 : i32
    %broadcast_in_dim3A_1418 = vector.broadcast %jit3A_1417 : i32 to vector<16x2048xi32>
    %select_n3A_1419 = arith.select %lt3A_1415, %broadcast_in_dim3A_1418, %select_n3A_1413 : vector<16x2048xi1>, vector<16x2048xi32>
    %slice3A_1420 = vector.extract_strided_slice %dot_general3A_38 {offsets = [3696, 0], sizes = [16, 2048], strides = [1, 1]} : vector<4096x2048xf32> to vector<16x2048xf32>
    %lt3A_1421 = arith.cmpf olt, %slice3A_1420, %min3A_1416 : vector<16x2048xf32>
    %min3A_1422 = arith.minimumf %min3A_1416, %slice3A_1420 : vector<16x2048xf32>
    %jit3A_1423 = arith.constant 231 : i32
    %broadcast_in_dim3A_1424 = vector.broadcast %jit3A_1423 : i32 to vector<16x2048xi32>
    %select_n3A_1425 = arith.select %lt3A_1421, %broadcast_in_dim3A_1424, %select_n3A_1419 : vector<16x2048xi1>, vector<16x2048xi32>
    %slice3A_1426 = vector.extract_strided_slice %dot_general3A_38 {offsets = [3712, 0], sizes = [16, 2048], strides = [1, 1]} : vector<4096x2048xf32> to vector<16x2048xf32>
    %lt3A_1427 = arith.cmpf olt, %slice3A_1426, %min3A_1422 : vector<16x2048xf32>
    %min3A_1428 = arith.minimumf %min3A_1422, %slice3A_1426 : vector<16x2048xf32>
    %jit3A_1429 = arith.constant 232 : i32
    %broadcast_in_dim3A_1430 = vector.broadcast %jit3A_1429 : i32 to vector<16x2048xi32>
    %select_n3A_1431 = arith.select %lt3A_1427, %broadcast_in_dim3A_1430, %select_n3A_1425 : vector<16x2048xi1>, vector<16x2048xi32>
    %slice3A_1432 = vector.extract_strided_slice %dot_general3A_38 {offsets = [3728, 0], sizes = [16, 2048], strides = [1, 1]} : vector<4096x2048xf32> to vector<16x2048xf32>
    %lt3A_1433 = arith.cmpf olt, %slice3A_1432, %min3A_1428 : vector<16x2048xf32>
    %min3A_1434 = arith.minimumf %min3A_1428, %slice3A_1432 : vector<16x2048xf32>
    %jit3A_1435 = arith.constant 233 : i32
    %broadcast_in_dim3A_1436 = vector.broadcast %jit3A_1435 : i32 to vector<16x2048xi32>
    %select_n3A_1437 = arith.select %lt3A_1433, %broadcast_in_dim3A_1436, %select_n3A_1431 : vector<16x2048xi1>, vector<16x2048xi32>
    %slice3A_1438 = vector.extract_strided_slice %dot_general3A_38 {offsets = [3744, 0], sizes = [16, 2048], strides = [1, 1]} : vector<4096x2048xf32> to vector<16x2048xf32>
    %lt3A_1439 = arith.cmpf olt, %slice3A_1438, %min3A_1434 : vector<16x2048xf32>
    %min3A_1440 = arith.minimumf %min3A_1434, %slice3A_1438 : vector<16x2048xf32>
    %jit3A_1441 = arith.constant 234 : i32
    %broadcast_in_dim3A_1442 = vector.broadcast %jit3A_1441 : i32 to vector<16x2048xi32>
    %select_n3A_1443 = arith.select %lt3A_1439, %broadcast_in_dim3A_1442, %select_n3A_1437 : vector<16x2048xi1>, vector<16x2048xi32>
    %slice3A_1444 = vector.extract_strided_slice %dot_general3A_38 {offsets = [3760, 0], sizes = [16, 2048], strides = [1, 1]} : vector<4096x2048xf32> to vector<16x2048xf32>
    %lt3A_1445 = arith.cmpf olt, %slice3A_1444, %min3A_1440 : vector<16x2048xf32>
    %min3A_1446 = arith.minimumf %min3A_1440, %slice3A_1444 : vector<16x2048xf32>
    %jit3A_1447 = arith.constant 235 : i32
    %broadcast_in_dim3A_1448 = vector.broadcast %jit3A_1447 : i32 to vector<16x2048xi32>
    %select_n3A_1449 = arith.select %lt3A_1445, %broadcast_in_dim3A_1448, %select_n3A_1443 : vector<16x2048xi1>, vector<16x2048xi32>
    %slice3A_1450 = vector.extract_strided_slice %dot_general3A_38 {offsets = [3776, 0], sizes = [16, 2048], strides = [1, 1]} : vector<4096x2048xf32> to vector<16x2048xf32>
    %lt3A_1451 = arith.cmpf olt, %slice3A_1450, %min3A_1446 : vector<16x2048xf32>
    %min3A_1452 = arith.minimumf %min3A_1446, %slice3A_1450 : vector<16x2048xf32>
    %jit3A_1453 = arith.constant 236 : i32
    %broadcast_in_dim3A_1454 = vector.broadcast %jit3A_1453 : i32 to vector<16x2048xi32>
    %select_n3A_1455 = arith.select %lt3A_1451, %broadcast_in_dim3A_1454, %select_n3A_1449 : vector<16x2048xi1>, vector<16x2048xi32>
    %slice3A_1456 = vector.extract_strided_slice %dot_general3A_38 {offsets = [3792, 0], sizes = [16, 2048], strides = [1, 1]} : vector<4096x2048xf32> to vector<16x2048xf32>
    %lt3A_1457 = arith.cmpf olt, %slice3A_1456, %min3A_1452 : vector<16x2048xf32>
    %min3A_1458 = arith.minimumf %min3A_1452, %slice3A_1456 : vector<16x2048xf32>
    %jit3A_1459 = arith.constant 237 : i32
    %broadcast_in_dim3A_1460 = vector.broadcast %jit3A_1459 : i32 to vector<16x2048xi32>
    %select_n3A_1461 = arith.select %lt3A_1457, %broadcast_in_dim3A_1460, %select_n3A_1455 : vector<16x2048xi1>, vector<16x2048xi32>
    %slice3A_1462 = vector.extract_strided_slice %dot_general3A_38 {offsets = [3808, 0], sizes = [16, 2048], strides = [1, 1]} : vector<4096x2048xf32> to vector<16x2048xf32>
    %lt3A_1463 = arith.cmpf olt, %slice3A_1462, %min3A_1458 : vector<16x2048xf32>
    %min3A_1464 = arith.minimumf %min3A_1458, %slice3A_1462 : vector<16x2048xf32>
    %jit3A_1465 = arith.constant 238 : i32
    %broadcast_in_dim3A_1466 = vector.broadcast %jit3A_1465 : i32 to vector<16x2048xi32>
    %select_n3A_1467 = arith.select %lt3A_1463, %broadcast_in_dim3A_1466, %select_n3A_1461 : vector<16x2048xi1>, vector<16x2048xi32>
    %slice3A_1468 = vector.extract_strided_slice %dot_general3A_38 {offsets = [3824, 0], sizes = [16, 2048], strides = [1, 1]} : vector<4096x2048xf32> to vector<16x2048xf32>
    %lt3A_1469 = arith.cmpf olt, %slice3A_1468, %min3A_1464 : vector<16x2048xf32>
    %min3A_1470 = arith.minimumf %min3A_1464, %slice3A_1468 : vector<16x2048xf32>
    %jit3A_1471 = arith.constant 239 : i32
    %broadcast_in_dim3A_1472 = vector.broadcast %jit3A_1471 : i32 to vector<16x2048xi32>
    %select_n3A_1473 = arith.select %lt3A_1469, %broadcast_in_dim3A_1472, %select_n3A_1467 : vector<16x2048xi1>, vector<16x2048xi32>
    %slice3A_1474 = vector.extract_strided_slice %dot_general3A_38 {offsets = [3840, 0], sizes = [16, 2048], strides = [1, 1]} : vector<4096x2048xf32> to vector<16x2048xf32>
    %lt3A_1475 = arith.cmpf olt, %slice3A_1474, %min3A_1470 : vector<16x2048xf32>
    %min3A_1476 = arith.minimumf %min3A_1470, %slice3A_1474 : vector<16x2048xf32>
    %jit3A_1477 = arith.constant 240 : i32
    %broadcast_in_dim3A_1478 = vector.broadcast %jit3A_1477 : i32 to vector<16x2048xi32>
    %select_n3A_1479 = arith.select %lt3A_1475, %broadcast_in_dim3A_1478, %select_n3A_1473 : vector<16x2048xi1>, vector<16x2048xi32>
    %slice3A_1480 = vector.extract_strided_slice %dot_general3A_38 {offsets = [3856, 0], sizes = [16, 2048], strides = [1, 1]} : vector<4096x2048xf32> to vector<16x2048xf32>
    %lt3A_1481 = arith.cmpf olt, %slice3A_1480, %min3A_1476 : vector<16x2048xf32>
    %min3A_1482 = arith.minimumf %min3A_1476, %slice3A_1480 : vector<16x2048xf32>
    %jit3A_1483 = arith.constant 241 : i32
    %broadcast_in_dim3A_1484 = vector.broadcast %jit3A_1483 : i32 to vector<16x2048xi32>
    %select_n3A_1485 = arith.select %lt3A_1481, %broadcast_in_dim3A_1484, %select_n3A_1479 : vector<16x2048xi1>, vector<16x2048xi32>
    %slice3A_1486 = vector.extract_strided_slice %dot_general3A_38 {offsets = [3872, 0], sizes = [16, 2048], strides = [1, 1]} : vector<4096x2048xf32> to vector<16x2048xf32>
    %lt3A_1487 = arith.cmpf olt, %slice3A_1486, %min3A_1482 : vector<16x2048xf32>
    %min3A_1488 = arith.minimumf %min3A_1482, %slice3A_1486 : vector<16x2048xf32>
    %jit3A_1489 = arith.constant 242 : i32
    %broadcast_in_dim3A_1490 = vector.broadcast %jit3A_1489 : i32 to vector<16x2048xi32>
    %select_n3A_1491 = arith.select %lt3A_1487, %broadcast_in_dim3A_1490, %select_n3A_1485 : vector<16x2048xi1>, vector<16x2048xi32>
    %slice3A_1492 = vector.extract_strided_slice %dot_general3A_38 {offsets = [3888, 0], sizes = [16, 2048], strides = [1, 1]} : vector<4096x2048xf32> to vector<16x2048xf32>
    %lt3A_1493 = arith.cmpf olt, %slice3A_1492, %min3A_1488 : vector<16x2048xf32>
    %min3A_1494 = arith.minimumf %min3A_1488, %slice3A_1492 : vector<16x2048xf32>
    %jit3A_1495 = arith.constant 243 : i32
    %broadcast_in_dim3A_1496 = vector.broadcast %jit3A_1495 : i32 to vector<16x2048xi32>
    %select_n3A_1497 = arith.select %lt3A_1493, %broadcast_in_dim3A_1496, %select_n3A_1491 : vector<16x2048xi1>, vector<16x2048xi32>
    %slice3A_1498 = vector.extract_strided_slice %dot_general3A_38 {offsets = [3904, 0], sizes = [16, 2048], strides = [1, 1]} : vector<4096x2048xf32> to vector<16x2048xf32>
    %lt3A_1499 = arith.cmpf olt, %slice3A_1498, %min3A_1494 : vector<16x2048xf32>
    %min3A_1500 = arith.minimumf %min3A_1494, %slice3A_1498 : vector<16x2048xf32>
    %jit3A_1501 = arith.constant 244 : i32
    %broadcast_in_dim3A_1502 = vector.broadcast %jit3A_1501 : i32 to vector<16x2048xi32>
    %select_n3A_1503 = arith.select %lt3A_1499, %broadcast_in_dim3A_1502, %select_n3A_1497 : vector<16x2048xi1>, vector<16x2048xi32>
    %slice3A_1504 = vector.extract_strided_slice %dot_general3A_38 {offsets = [3920, 0], sizes = [16, 2048], strides = [1, 1]} : vector<4096x2048xf32> to vector<16x2048xf32>
    %lt3A_1505 = arith.cmpf olt, %slice3A_1504, %min3A_1500 : vector<16x2048xf32>
    %min3A_1506 = arith.minimumf %min3A_1500, %slice3A_1504 : vector<16x2048xf32>
    %jit3A_1507 = arith.constant 245 : i32
    %broadcast_in_dim3A_1508 = vector.broadcast %jit3A_1507 : i32 to vector<16x2048xi32>
    %select_n3A_1509 = arith.select %lt3A_1505, %broadcast_in_dim3A_1508, %select_n3A_1503 : vector<16x2048xi1>, vector<16x2048xi32>
    %slice3A_1510 = vector.extract_strided_slice %dot_general3A_38 {offsets = [3936, 0], sizes = [16, 2048], strides = [1, 1]} : vector<4096x2048xf32> to vector<16x2048xf32>
    %lt3A_1511 = arith.cmpf olt, %slice3A_1510, %min3A_1506 : vector<16x2048xf32>
    %min3A_1512 = arith.minimumf %min3A_1506, %slice3A_1510 : vector<16x2048xf32>
    %jit3A_1513 = arith.constant 246 : i32
    %broadcast_in_dim3A_1514 = vector.broadcast %jit3A_1513 : i32 to vector<16x2048xi32>
    %select_n3A_1515 = arith.select %lt3A_1511, %broadcast_in_dim3A_1514, %select_n3A_1509 : vector<16x2048xi1>, vector<16x2048xi32>
    %slice3A_1516 = vector.extract_strided_slice %dot_general3A_38 {offsets = [3952, 0], sizes = [16, 2048], strides = [1, 1]} : vector<4096x2048xf32> to vector<16x2048xf32>
    %lt3A_1517 = arith.cmpf olt, %slice3A_1516, %min3A_1512 : vector<16x2048xf32>
    %min3A_1518 = arith.minimumf %min3A_1512, %slice3A_1516 : vector<16x2048xf32>
    %jit3A_1519 = arith.constant 247 : i32
    %broadcast_in_dim3A_1520 = vector.broadcast %jit3A_1519 : i32 to vector<16x2048xi32>
    %select_n3A_1521 = arith.select %lt3A_1517, %broadcast_in_dim3A_1520, %select_n3A_1515 : vector<16x2048xi1>, vector<16x2048xi32>
    %slice3A_1522 = vector.extract_strided_slice %dot_general3A_38 {offsets = [3968, 0], sizes = [16, 2048], strides = [1, 1]} : vector<4096x2048xf32> to vector<16x2048xf32>
    %lt3A_1523 = arith.cmpf olt, %slice3A_1522, %min3A_1518 : vector<16x2048xf32>
    %min3A_1524 = arith.minimumf %min3A_1518, %slice3A_1522 : vector<16x2048xf32>
    %jit3A_1525 = arith.constant 248 : i32
    %broadcast_in_dim3A_1526 = vector.broadcast %jit3A_1525 : i32 to vector<16x2048xi32>
    %select_n3A_1527 = arith.select %lt3A_1523, %broadcast_in_dim3A_1526, %select_n3A_1521 : vector<16x2048xi1>, vector<16x2048xi32>
    %slice3A_1528 = vector.extract_strided_slice %dot_general3A_38 {offsets = [3984, 0], sizes = [16, 2048], strides = [1, 1]} : vector<4096x2048xf32> to vector<16x2048xf32>
    %lt3A_1529 = arith.cmpf olt, %slice3A_1528, %min3A_1524 : vector<16x2048xf32>
    %min3A_1530 = arith.minimumf %min3A_1524, %slice3A_1528 : vector<16x2048xf32>
    %jit3A_1531 = arith.constant 249 : i32
    %broadcast_in_dim3A_1532 = vector.broadcast %jit3A_1531 : i32 to vector<16x2048xi32>
    %select_n3A_1533 = arith.select %lt3A_1529, %broadcast_in_dim3A_1532, %select_n3A_1527 : vector<16x2048xi1>, vector<16x2048xi32>
    %slice3A_1534 = vector.extract_strided_slice %dot_general3A_38 {offsets = [4000, 0], sizes = [16, 2048], strides = [1, 1]} : vector<4096x2048xf32> to vector<16x2048xf32>
    %lt3A_1535 = arith.cmpf olt, %slice3A_1534, %min3A_1530 : vector<16x2048xf32>
    %min3A_1536 = arith.minimumf %min3A_1530, %slice3A_1534 : vector<16x2048xf32>
    %jit3A_1537 = arith.constant 250 : i32
    %broadcast_in_dim3A_1538 = vector.broadcast %jit3A_1537 : i32 to vector<16x2048xi32>
    %select_n3A_1539 = arith.select %lt3A_1535, %broadcast_in_dim3A_1538, %select_n3A_1533 : vector<16x2048xi1>, vector<16x2048xi32>
    %slice3A_1540 = vector.extract_strided_slice %dot_general3A_38 {offsets = [4016, 0], sizes = [16, 2048], strides = [1, 1]} : vector<4096x2048xf32> to vector<16x2048xf32>
    %lt3A_1541 = arith.cmpf olt, %slice3A_1540, %min3A_1536 : vector<16x2048xf32>
    %min3A_1542 = arith.minimumf %min3A_1536, %slice3A_1540 : vector<16x2048xf32>
    %jit3A_1543 = arith.constant 251 : i32
    %broadcast_in_dim3A_1544 = vector.broadcast %jit3A_1543 : i32 to vector<16x2048xi32>
    %select_n3A_1545 = arith.select %lt3A_1541, %broadcast_in_dim3A_1544, %select_n3A_1539 : vector<16x2048xi1>, vector<16x2048xi32>
    %slice3A_1546 = vector.extract_strided_slice %dot_general3A_38 {offsets = [4032, 0], sizes = [16, 2048], strides = [1, 1]} : vector<4096x2048xf32> to vector<16x2048xf32>
    %lt3A_1547 = arith.cmpf olt, %slice3A_1546, %min3A_1542 : vector<16x2048xf32>
    %min3A_1548 = arith.minimumf %min3A_1542, %slice3A_1546 : vector<16x2048xf32>
    %jit3A_1549 = arith.constant 252 : i32
    %broadcast_in_dim3A_1550 = vector.broadcast %jit3A_1549 : i32 to vector<16x2048xi32>
    %select_n3A_1551 = arith.select %lt3A_1547, %broadcast_in_dim3A_1550, %select_n3A_1545 : vector<16x2048xi1>, vector<16x2048xi32>
    %slice3A_1552 = vector.extract_strided_slice %dot_general3A_38 {offsets = [4048, 0], sizes = [16, 2048], strides = [1, 1]} : vector<4096x2048xf32> to vector<16x2048xf32>
    %lt3A_1553 = arith.cmpf olt, %slice3A_1552, %min3A_1548 : vector<16x2048xf32>
    %min3A_1554 = arith.minimumf %min3A_1548, %slice3A_1552 : vector<16x2048xf32>
    %jit3A_1555 = arith.constant 253 : i32
    %broadcast_in_dim3A_1556 = vector.broadcast %jit3A_1555 : i32 to vector<16x2048xi32>
    %select_n3A_1557 = arith.select %lt3A_1553, %broadcast_in_dim3A_1556, %select_n3A_1551 : vector<16x2048xi1>, vector<16x2048xi32>
    %slice3A_1558 = vector.extract_strided_slice %dot_general3A_38 {offsets = [4064, 0], sizes = [16, 2048], strides = [1, 1]} : vector<4096x2048xf32> to vector<16x2048xf32>
    %lt3A_1559 = arith.cmpf olt, %slice3A_1558, %min3A_1554 : vector<16x2048xf32>
    %min3A_1560 = arith.minimumf %min3A_1554, %slice3A_1558 : vector<16x2048xf32>
    %jit3A_1561 = arith.constant 254 : i32
    %broadcast_in_dim3A_1562 = vector.broadcast %jit3A_1561 : i32 to vector<16x2048xi32>
    %select_n3A_1563 = arith.select %lt3A_1559, %broadcast_in_dim3A_1562, %select_n3A_1557 : vector<16x2048xi1>, vector<16x2048xi32>
    %slice3A_1564 = vector.extract_strided_slice %dot_general3A_38 {offsets = [4080, 0], sizes = [16, 2048], strides = [1, 1]} : vector<4096x2048xf32> to vector<16x2048xf32>
    %lt3A_1565 = arith.cmpf olt, %slice3A_1564, %min3A_1560 : vector<16x2048xf32>
    %min3A_1566 = arith.minimumf %min3A_1560, %slice3A_1564 : vector<16x2048xf32>
    %jit3A_1567 = arith.constant 255 : i32
    %broadcast_in_dim3A_1568 = vector.broadcast %jit3A_1567 : i32 to vector<16x2048xi32>
    %select_n3A_1569 = arith.select %lt3A_1565, %broadcast_in_dim3A_1568, %select_n3A_1563 : vector<16x2048xi1>, vector<16x2048xi32>
    %reduce_min3A = arith.constant dense<0x7F800000> : vector<2048xf32>
    %reduce_min3A_1570 = vector.multi_reduction <minimumf>, %min3A_1566, %reduce_min3A [0] : vector<16x2048xf32> to vector<2048xf32>
    %broadcast_in_dim3A_1571 = vector.shape_cast %reduce_min3A_1570 : vector<2048xf32> to vector<1x2048xf32>
    %mul3A_1572 = arith.constant 16 : i32
    %mul3A_1573 = vector.broadcast %mul3A_1572 : i32 to vector<16x2048xi32>
    %mul3A_1574 = arith.muli %select_n3A_1569, %mul3A_1573 : vector<16x2048xi32>
    %iota3A_1575 = tpu.iota {dimensions = array<i32: 0>} : vector<16x2048xi32>
    %add3A_1576 = arith.addi %mul3A_1574, %iota3A_1575 : vector<16x2048xi32>
    %eq3A_1577 = vector.broadcast %broadcast_in_dim3A_1571 : vector<1x2048xf32> to vector<16x2048xf32>
    %eq3A_1578 = arith.cmpf oeq, %min3A_1566, %eq3A_1577 : vector<16x2048xf32>
    %jit3A_1579 = arith.constant 4096 : i32
    %broadcast_in_dim3A_1580 = vector.broadcast %jit3A_1579 : i32 to vector<16x2048xi32>
    %select_n3A_1581 = arith.select %eq3A_1578, %add3A_1576, %broadcast_in_dim3A_1580 : vector<16x2048xi1>, vector<16x2048xi32>
    %reduce_min3A_1582 = arith.constant dense<2147483647> : vector<2048xi32>
    %reduce_min3A_1583 = vector.multi_reduction <minsi>, %select_n3A_1581, %reduce_min3A_1582 [0] : vector<16x2048xi32> to vector<2048xi32>
    %broadcast_in_dim3A_1584 = vector.shape_cast %reduce_min3A_1583 : vector<2048xi32> to vector<1x2048xi32>
    %reshape3A = vector.shape_cast %broadcast_in_dim3A_1584 : vector<1x2048xi32> to vector<2048xi32>
    %swap3A = arith.constant 0 : index
    %swap3A_1585 = vector.load %arg9[%swap3A] : memref<2048xi32, #tpu.memory_space<vmem>>, vector<2048xi32>
    tpu.vector_store %arg9[%swap3A], %reshape3A {strides = array<i32>} : memref<2048xi32, #tpu.memory_space<vmem>>, vector<2048xi32>,
    return
  }
  func.func @transform_0(%arg0: i32) -> (i32, i32) {
    %c0_i32 = arith.constant 0 : i32
    %c0_i32_0 = arith.constant 0 : i32
    return %c0_i32, %arg0 : i32, i32
  }
  func.func @transform_1(%arg0: i32) -> (i32, i32) {
    %c0_i32 = arith.constant 0 : i32
    %c0_i32_0 = arith.constant 0 : i32
    %c0_i32_1 = arith.constant 0 : i32
    return %c0_i32, %c0_i32_0 : i32, i32
  }
  func.func @transform_2(%arg0: i32) -> (i32, i32) {
    %c0_i32 = arith.constant 0 : i32
    %c0_i32_0 = arith.constant 0 : i32
    %c0_i32_1 = arith.constant 0 : i32
    return %c0_i32, %c0_i32_0 : i32, i32
  }
  func.func @transform_3(%arg0: i32) -> (i32, i32) {
    %c0_i32 = arith.constant 0 : i32
    %c0_i32_0 = arith.constant 0 : i32
    %c0_i32_1 = arith.constant 0 : i32
    return %c0_i32, %c0_i32_0 : i32, i32
  }
  func.func @transform_4(%arg0: i32) -> (i32, i32) {
    %c0_i32 = arith.constant 0 : i32
    %c0_i32_0 = arith.constant 0 : i32
    %c0_i32_1 = arith.constant 0 : i32
    return %c0_i32, %c0_i32_0 : i32, i32
  }
  func.func @transform_5(%arg0: i32) -> (i32, i32) {
    %c0_i32 = arith.constant 0 : i32
    %c0_i32_0 = arith.constant 0 : i32
    %c0_i32_1 = arith.constant 0 : i32
    return %c0_i32, %c0_i32_0 : i32, i32
  }
  func.func @transform_6(%arg0: i32) -> (i32, i32) {
    %c0_i32 = arith.constant 0 : i32
    %c0_i32_0 = arith.constant 0 : i32
    %c0_i32_1 = arith.constant 0 : i32
    return %c0_i32, %c0_i32_0 : i32, i32
  }
  func.func @transform_7(%arg0: i32) -> (i32, i32) {
    %c0_i32 = arith.constant 0 : i32
    %c0_i32_0 = arith.constant 0 : i32
    %c0_i32_1 = arith.constant 0 : i32
    return %c0_i32, %c0_i32_0 : i32, i32
  }
  func.func @transform_8(%arg0: i32) -> i32 {
    %c0_i32 = arith.constant 0 : i32
    return %arg0 : i32
  }
  func.func @transform_9(%arg0: i32) -> (i32, i32) {
    %c0_i32 = arith.constant 0 : i32
    %c0_i32_0 = arith.constant 0 : i32
    %c0_i32_1 = arith.constant 0 : i32
    return %c0_i32, %c0_i32_0 : i32, i32
  }
}

</mosaic_0001>

<sc_bundles>
// kernel: kernel.4.cloned.1.call-start
scs
__scs_entry_jumppad:
0x0: {  	(pc) =	sbr.rel $0x88, $3  }
0x1: {  	(tag) =	ssettag $0x0;
	lr =	simm.s32 $0x1  }
0x2: {  	[smem:$0x3F99] =	sst lr;
	_ =	strace $0xD0000000  }
0x3: {  	_ = 	snop  }
0x4: {  	_ = 	snop  }
0x5: {  	_ = 	snop  }
0x6: {  	_ = 	snop  }
0x7: {  	_ = 	snop  }
__scs_overlays_trampoline_lowered:
0x8: {  	[smem:$0x3FA8] =	sst s0  }
0x9: {  	[smem:$0x3FA9] =	sst s1  }
0xa: {  	[smem:$0x3FAA] =	sst s2  }
0xb: {  	[smem:$0x3FAB] =	sst s3  }
0xc: {  	[smem:$0x3FAC] =	sst s4  }
0xd: {  	[smem:$0x3FAD] =	sst s5  }
0xe: {  	[smem:$0x3FAE] =	sst s6  }
0xf: {  	[smem:$0x3FAF] =	sst s7  }
0x10: {  	[smem:$0x3FB0] =	sst s8  }
0x11: {  	[smem:$0x3FB1] =	sst s9;
	s0 =	simm.s32 @!p0 $0x0  }
0x12: {  	s1 =	sld [smem:$0x3F97];
	s0 =	simm.s32 @p0 $0x1  }
0x13: {  	[smem:$0x3FB2] =	sst s0;
	s0 =	simm.s32 @!p1 $0x0  }
0x14: {  	s2 =	sld [smem:$0x3F96];
	s0 =	simm.s32 @p1 $0x1  }
0x15: {  	[smem:$0x3FB3] =	sst s0;
	s0 =	simm.s32 @!p2 $0x0  }
0x16: {  	s3 =	sld [smem:$0x3FDB];
	s0 =	simm.s32 @p2 $0x1  }
0x17: {  	s4 =	simm.s32 $0x1BF5;
	[smem:$0x3FB5] =	sst s0  }
0x18: {  	s0 =	sld [smem:$0x3F98];
	_ =	swait.ge [sflag:s4], $0x0  }
0x19: {  	s7 =	sld [smem:$0x3F99]  }
0x1a: {  	s8 =	sadd.s32 $0xFFFFE003, lr  }
0x1b: {  	s9 =	sadd.s32 $0xFFFFFEF7, lr;
	s5 =	simm.s32 $0xFFFFFFFF;
	p2 =	slt.u32 s8, $0xFFFFF086  }
0x1c: {  	p1 =	slt.u32 s9, $0xF7A;
	s5 =	simm.s32 @!p2 $0x0  }
0x1d: {  	s5 =	simm.s32 @p1 $0x1;
	p0 =	seq.s32 s7, s2  }
0x1e: {  	s7 =	smul.u32 @!p0 $0xF7A, s2;
	p2 =	seq.s32 @!p0 s5, $0x0  }
0x1f: {  	s9 =	smul.u32 $0xF7A, s1;
	s8 =	simm.s32 @!p0 $0x1BF5;
	p2 =	por !p2, p0  }
0x20: {  	[sflag:s8] =	ssyncset.s32 @!p0 $0xFFFFF086;
	s6 =	sadd.s32 @!p0 s3, s7;
	s7 =	simm.s32 @!p0 $0x108  }
0x21: {  	s3 =	sadd.s32 s3, s9;
	s6 =	sadd.s32 @!p0 $0x88, s6;
	s7 =	simm.s32 @p2 $0x1082  }
0x22: {  	[simem:s7], [sflag:s8] =	dma.local @!p0 [hbm:s6], $0xF7A  }
0x23: {  	s9 =	sor.u32 $0xD0000000, s2;
	s6 =	simm.s32 $0x108;
	_ =	swait.ge @!p0 [sflag:s8], $0x0  }
0x24: {  	s3 =	sadd.s32 $0x88, s3;
	s6 =	simm.s32 @!p1 $0x1082;
	[sflag:s4] =	ssyncset.s32 $0xFFFFF086  }
0x25: {  	[simem:s6], [sflag:s4] =	dma.local [hbm:s3], $0xF7A  }
0x26: {  	[smem:$0x3F99] =	sst s1;
	(tag) =	ssettag s2;
	_ =	strace s9  }
0x27: {  	s1 =	sld [smem:$0x3FA9]  }
0x28: {  	s2 =	sld [smem:$0x3FAA]  }
0x29: {  	s4 =	sld [smem:$0x3FAC]  }
0x2a: {  	p0 =	seq.s32 s5, $0x0;
	s5 =	sld [smem:$0x3FAD]  }
0x2b: {  	s6 =	sld [smem:$0x3FAE]  }
0x2c: {  	s7 =	sld [smem:$0x3FAF]  }
0x2d: {  	s3 =	simm.s32 $0x108;
	s8 =	sld [smem:$0x3FB0]  }
0x2e: {  	s3 =	simm.s32 @!p0 $0x1082;
	s9 =	sld [smem:$0x3FB1]  }
0x2f: {  	lr =	sadd.s32 s0, s3;
	s0 =	sld [smem:$0x3FA8]  }
0x30: {  	s3 =	sld [smem:$0x3FAB]  }
0x31: {  	[smem:$0x3FB4] =	sst s10  }
0x32: {  	s10 =	sld [smem:$0x3FB2];
	_ =	sdelay $0x3  }
0x33: {  	p0 =	seq.s32 s10, $0x1;
	s10 =	sld [smem:$0x3FB4];
	_ =	sdelay $0x3  }
0x34: {  	[smem:$0x3FB4] =	sst s10  }
0x35: {  	s10 =	sld [smem:$0x3FB3];
	_ =	sdelay $0x3  }
0x36: {  	p1 =	seq.s32 s10, $0x1;
	s10 =	sld [smem:$0x3FB4];
	_ =	sdelay $0x3  }
0x37: {  	[smem:$0x3FB4] =	sst s10  }
0x38: {  	s10 =	sld [smem:$0x3FB5]  }
0x39: {  	_ = 	snop;
	(pc) =	sbr.ind lr, $3  }
0x3a: {  	_ = 	snop  }
0x3b: {  	_ = 	snop  }
0x3c: {  	p2 =	seq.s32 s10, $0x1;
	s10 =	sld [smem:$0x3FB4]  }
0x3d: {  	_ =	shalt  }
0x3e: {  	_ =	shalt  }
0x3f: {  	_ =	shalt  }
0x40: {  	_ =	shalt  }
0x41: {  	_ =	shalt  }
0x42: {  	_ =	shalt  }
0x43: {  	_ =	shalt  }
0x44: {  	_ =	shalt  }
0x45: {  	_ =	shalt  }
0x46: {  	_ =	shalt  }
0x47: {  	_ =	shalt  }
0x48: {  	_ =	shalt  }
0x49: {  	_ =	shalt  }
0x4a: {  	_ =	shalt  }
0x4b: {  	_ =	shalt  }
0x4c: {  	_ =	shalt  }
0x4d: {  	_ =	shalt  }
0x4e: {  	_ =	shalt  }
0x4f: {  	_ =	shalt  }
0x50: {  	_ =	shalt  }
0x51: {  	_ =	shalt  }
0x52: {  	_ =	shalt  }
0x53: {  	_ =	shalt  }
0x54: {  	_ =	shalt  }
0x55: {  	_ =	shalt  }
0x56: {  	_ =	shalt  }
0x57: {  	_ =	shalt  }
0x58: {  	_ =	shalt  }
0x59: {  	_ =	shalt  }
0x5a: {  	_ =	shalt  }
0x5b: {  	_ =	shalt  }
0x5c: {  	_ =	shalt  }
0x5d: {  	_ =	shalt  }
0x5e: {  	_ =	shalt  }
0x5f: {  	_ =	shalt  }
0x60: {  	_ =	shalt  }
0x61: {  	_ =	shalt  }
0x62: {  	_ =	shalt  }
0x63: {  	_ =	shalt  }
0x64: {  	_ =	shalt  }
0x65: {  	_ =	shalt  }
0x66: {  	_ =	shalt  }
0x67: {  	_ =	shalt  }
0x68: {  	_ =	shalt  }
0x69: {  	_ =	shalt  }
0x6a: {  	_ =	shalt  }
0x6b: {  	_ =	shalt  }
0x6c: {  	_ =	shalt  }
0x6d: {  	_ =	shalt  }
0x6e: {  	_ =	shalt  }
0x6f: {  	_ =	shalt  }
0x70: {  	_ =	shalt  }
0x71: {  	_ =	shalt  }
0x72: {  	_ =	shalt  }
0x73: {  	_ =	shalt  }
0x74: {  	_ =	shalt  }
0x75: {  	_ =	shalt  }
0x76: {  	_ =	shalt  }
0x77: {  	_ =	shalt  }
0x78: {  	_ =	shalt  }
0x79: {  	_ =	shalt  }
0x7a: {  	_ =	shalt  }
0x7b: {  	_ =	shalt  }
0x7c: {  	_ =	shalt  }
0x7d: {  	_ =	shalt  }
0x7e: {  	_ =	shalt  }
0x7f: {  	_ =	shalt  }
0x80: {  	_ =	shalt  }
0x81: {  	_ =	shalt  }
0x82: {  	_ =	shalt  }
0x83: {  	_ =	shalt  }
0x84: {  	_ =	shalt  }
0x85: {  	_ =	shalt  }
0x86: {  	_ =	shalt  }
0x87: {  	_ =	shalt  }
.Lfunc_end0:
.L_simem_size_0:
called_computation_lowered:
.L_overlay_start_0:
0x88: {  	s2 =	sld [smem:$0x3FD9]  }
0x89: {  	s3 =	sld [smem:$0x3FFE];
	_ =	sdelay $0x1  }
0x8a: {  	s1 =	srdreg.scid  }
0x8b: {  	s0 =	sand.u32 $0x1, s1  }
0x8c: {  	s17 =	sshll.u32 s0, $0xA;
	s2 =	sadd.s32 s3, s2  }
0x8d: {  	s2 =	sadd.s32 s2, s17  }
0x8e: {  	[smem:$0x3FC0] =	sst s2  }
0x8f: {  	_ = 	snop  }
0x90: {  	s2 =	sld [smem:$0x3FD0];
	(tm) =	ssettm $0x1  }
0x91: {  	s18 =	sld [smem:$0x3FFB];
	_ =	sdelay $0x3  }
0x92: {  	_ =	strace s18  }
0x93: {  	s3 =	sld [smem:$0x3FFC];
	_ =	sdelay $0x3  }
0x94: {  	_ =	strace s3  }
0x95: {  	s3 =	sld [smem:$0x3FFD];
	_ =	sdelay $0x3  }
0x96: {  	_ =	strace s3  }
0x97: {  	_ =	strace $0x8FFFFFFF  }
0x98: {  	s19 =	sld [smem:$0x3FDB];
	_ =	sdelay $0x1  }
0x99: {  	s4 =	simm.s32 $_scs_section_size  }
0x9a: {  	s5 =	simm.s32 $_size__tile_overlayer_lowered;
	s6 =	simm.s32 $_tile_overlayer_lowered  }
0x9b: {  	s22 =	simm.s32 $0x1BFF;
	s21 =	sshll.u32 s6, $0x1;
	s3 =	sadd.s32 s4, s19  }
0x9c: {  	s7 =	simm.s32 $0x0;
	s20 =	sshll.u32 s5, $0x1;
	s5 =	sadd.s32 s21, s3  }
0x9d: {  	[timem:s7], [sflag:s22] =	dma.local [hbm:s5], s20  }
0x9e: {  	_ =	swait.ge [sflag:s22], s20  }
0x9f: {  	s4 =	ssub.s32 $0x0, s20;
	[sflag:s22] =	ssyncset.done $0x0  }
0xa0: {  	[sflag:s22] =	ssyncadd.s32 s4;
	_ =	sdelay $0x1  }
0xa1: {  	s23 =	simm.s32 $0x1B8B  }
0xa2: {  	_ =	swait.ge [sflag:s23], $0x1  }
0xa3: {  	[sflag:s23] =	ssyncset.done $0x0  }
0xa4: {  	s25 =	simm.s32 $0x1B8E;
	s24 =	sld [smem:$0x3FFE];
	[sflag:s23] =	ssyncadd.s32 $0xFFFFFFFF  }
0xa5: {  	s26 =	simm.s32 $execute0_lowered;
	[smem:$0x3FD2] =	sst s25  }
0xa6: {  	s5 =	sshll.u32 s26, $0x1;
	_ =	strace $0x80000046;
	[dreg:$0x1] =	wrdreg $0xFFFFFFFF  }
0xa7: {  	s28 =	simm.s32 $_size_execute0_lowered;
	s3 =	sadd.s32 s3, s5;
	[dreg:$0x0] =	wrdreg $0x0  }
0xa8: {  	s5 =	sshll.u32 s28, $0x1;
	[dreg:$0x2] =	wrdreg s3  }
0xa9: {  	[dreg:$0x3] =	wrdreg s5  }
0xaa: {  	[dreg:$0x4] =	wrdreg $0xC0  }
0xab: {  	_ =	task [dreg:s7], $0x5FFFF  }
0xac: {  	[dreg:$0x1] =	wrdreg $0xFFFFFFFF  }
0xad: {  	[dreg:$0x0] =	wrdreg $0x60  }
0xae: {  	[dreg:$0x2] =	wrdreg s24  }
0xaf: {  	[dreg:$0x3] =	wrdreg s2  }
0xb0: {  	[dreg:$0x4] =	wrdreg $0x9  }
0xb1: {  	_ =	task.clear_ibuf [dreg:s7], $0x5FFFF;
	_ =	strace $0x90000046  }
0xb2: {  	s29 =	simm.s32 $0x9;
	_ =	strace $0x80000048  }
0xb3: {  	_ =	swait.ge [sflag:s29], $0x1  }
0xb4: {  	[sflag:s29] =	ssyncadd.s32 $0xFFFFFFFF  }
0xb5: {  	_ =	strace $0x90000048  }
0xb6: {  	_ =	sfence  }
0xb7: {  	s30 =	sld [smem:$0x0];
	_ =	sdelay $0x2  }
0xb8: {  	s31 =	sshll.u32 s1, $0xD;
	s1 =	sshrl.u32 s1, $0x2  }
0xb9: {  	s3 =	sand.u32 $0x4000, s31;
	s1 =	sadd.s32 s1, s30  }
0xba: {  	s0 =	sor.u32 s3, s0;
	s1 =	sshll.u32 s1, $0x11  }
0xbb: {  	s0 =	sor.u32 s1, s0  }
0xbc: {  	s0 =	sadd.s32 $0x8F2B, s0  }
0xbd: {  	[sflag:s0] =	ssyncadd.remote.s32 $0x1  }
0xbe: {  	_ =	sfence.sel $0xFFFF  }
0xbf: {  	[dreg:$0x0] =	wrdreg $0xFFFFFFFF;
	(pc) =	sbr.abs _section_cstart, $3  }
0xc0: {  	[dreg:$0x1] =	wrdreg $0xFFFFFFFF  }
0xc1: {  	_ =	task.clear_ibuf [dreg:s7], $0x2FFFF;
	_ =	strace $0x9FFFFFFF  }
0xc2: {  	(tm) =	ssettm $0x7FFFFFFF  }
0xc3: {  	_ =	shalt  }
tec
execute0_lowered:
.L_overlay_start_1:
0x0: {  	(tag) =	ssettag $0x1  }
0x1: {  	s4 =	rddreg [dreg:$0x0]  }
0x2: {  	s5 =	rddreg [dreg:$0x1]  }
0x3: {  	s0 =	rddreg [dreg:$0x2];
	s1 =	simm.s32 $0x0  }
0x4: {  	s2 =	srdreg.scid;
	s11 =	simm.s32 $0x200;
	s12 =	simm.s32 $0x400  }
0x5: {  	s13 =	simm.s32 $0x0;
	[smem:$0x7FF] =	sst s1;
	s6 =	sand.u32 $0x1, s2  }
0x6: {  	s2 =	stileid.u32;
	s3 =	sadd.s32 $0x1A00, s4;
	_ =	strace $0x80000047  }
0x7: {  	s7 =	sshll.u32 s6, $0x7;
	s30 =	smul.u32 $0x3000, s2;
	s8 =	ssub.s32 $0x2, s6  }
0x8: {  	s9 =	sshll.u32 s2, $0x8;
	s6 =	sshll.u32 s6, $0x9;
	s4 =	sadd.s32 s7, s4  }
0x9: {  	v0 =	vlaneseq.u32;
	s10 =	sshrl.u32 s8, $0x1;
	s7 =	simm.s32 $0x10000;
	s4 =	sadd.s32 s9, s4  }
0xa: {  	v0 =	vmul.u32 $0x6, v0;
	s6 =	sor.u32 s6, s30;
	s31 =	ssub.s32 s8, s10;
	s8 =	simm.s32 $0x2  }
0xb: {  	s9 =	simm.s32 $0x1;
	s10 =	simm.s32 $0x10400;
	s6 =	sshrl.u32 s6, $0x3  }
0xc: {  	v1 =	vor.u32 $0x1, v0;
	s4 =	sadd.s32 $0xA00, s4;
	s5 =	sadd.s32 s5, s6;
	s6 =	smax.u32 s31, $0x1  }
.LBB2_1:
0xd: {  	[tilespmem:s1], [sflag:$0x1] =	stream.linear.gather [hbm4b:s3+s1], $0x10000, $0x38;
	[tilespmem:$0x11C00] =	vst v63  }
0xe: {  	_ = 	snop  }
0xf: {  	[tilespmem:s7], [sflag:$0x2] =	stream.linear.gather [hbm4b:s4+s1], $0x400, $0x38;
	[tilespmem:$0x11C00] =	vst v63  }
0x10: {  	_ =	swait.ge [sflag:s8], $0x400  }
0x11: {  	[sflag:s8] =	ssyncset.done $0x0  }
0x12: {  	[sflag:s8] =	ssyncadd.s32 $0xFFFFFC00  }
0x13: {  	_ =	swait.ge [sflag:s9], $0x10000  }
0x14: {  	s14 =	simm.s32 $0x10040;
	[sflag:s9] =	ssyncset.done $0x0  }
0x15: {  	s15 =	simm.s32 $0x0;
	s16 =	simm.s32 $0x0;
	[sflag:s9] =	ssyncadd.s32 $0xFFFF0000  }
.LBB2_2:
0x16: {  	v2 =	vld [tilespmem:s14+$0xFFFFFFC0]  }
0x17: {  	s17 =	sand.u32 $0x80, s15  }
0x18: {  	s17 =	smul.u32 $0x6, s17  }
0x19: {  	s18 =	sshrl.u32 s16, $0x1  }
0x1a: {  	v3 =	vmov s18;
	v4 =	vmov s17  }
0x1b: {  	v3 =	vshll.u32 v3, $0x7;
	v5 =	vshll.u32 v2, $0x4;
	v2 =	vshrl.u32 v4, $0x7  }
0x1c: {  	v3 =	vand.u32 $0x180, v3;
	v2 =	vshll.u32 v2, $0x9  }
0x1d: {  	v2 =	vor.u32 v3, v2  }
0x1e: {  	v2 =	vbroadcast v2, $0x0;
	_ =	sdelay $0x1  }
0x1f: {  	v6 =	vld.idx.msk [tilespmem:v5+s1+$0x0], $0xffff;
	v2 =	vor.u32 v0, v2  }
0x20: {  	v7 =	vor.u32 $0x1, v5  }
0x21: {  	v4 =	vshll.u32 v4, $0x2  }
0x22: {  	v4 =	vor.u32 v3, v4  }
0x23: {  	v4 =	vbroadcast v4, $0x0  }
0x24: {  	[tilespmem:v2+s10+$0x0] =	vst.idx.msk $0xffff, v6  }
0x25: {  	v4 =	vor.u32 v1, v4;
	v6 =	vld.idx.msk [tilespmem:v7+s1+$0x0], $0xffff  }
0x26: {  	s22 =	sor.u32 $0x2, s17;
	v60 =	vor.u32 $0x2, v5  }
0x27: {  	v8 =	vadd.s32 s22, v0  }
0x28: {  	v9 =	vshll.u32 v8, $0x2  }
0x29: {  	v8 =	vand.u32 $0x7E, v8;
	v9 =	vand.u32 $0x7FFFFE00, v9;
	v2 =	vbroadcast v3, $0x0  }
0x2a: {  	v61 =	vor.u32 v9, v8;
	[tilespmem:v4+s10+$0x0] =	vst.idx.msk $0xffff, v6  }
0x2b: {  	v4 =	vor.u32 v2, v61;
	v6 =	vld.idx.msk [tilespmem:v60+s1+$0x0], $0xffff  }
0x2c: {  	s23 =	sor.u32 $0x3, s17;
	v62 =	vor.u32 $0x3, v5  }
0x2d: {  	v63 =	vadd.s32 s23, v0  }
0x2e: {  	v12 =	vshll.u32 v63, $0x2  }
0x2f: {  	v8 =	vand.u32 $0x7F, v63;
	v9 =	vand.u32 $0x7FFFFE00, v12  }
0x30: {  	v13 =	vor.u32 v9, v8;
	[tilespmem:v4+s10+$0x0] =	vst.idx.msk $0xffff, v6  }
0x31: {  	v4 =	vor.u32 v2, v13;
	v6 =	vld.idx.msk [tilespmem:v62+s1+$0x0], $0xffff  }
0x32: {  	s24 =	sor.u32 $0x4, s17;
	v14 =	vor.u32 $0x4, v5  }
0x33: {  	v15 =	vadd.s32 s24, v0  }
0x34: {  	v16 =	vshll.u32 v15, $0x2  }
0x35: {  	v8 =	vand.u32 $0x7E, v15;
	v9 =	vand.u32 $0x7FFFFE00, v16  }
0x36: {  	v17 =	vor.u32 v9, v8;
	[tilespmem:v4+s10+$0x0] =	vst.idx.msk $0xffff, v6  }
0x37: {  	v4 =	vor.u32 v2, v17;
	v6 =	vld.idx.msk [tilespmem:v14+s1+$0x0], $0xffff  }
0x38: {  	s25 =	sor.u32 $0x5, s17;
	v5 =	vor.u32 $0x5, v5  }
0x39: {  	v18 =	vadd.s32 s25, v0  }
0x3a: {  	v19 =	vshll.u32 v18, $0x2  }
0x3b: {  	v8 =	vand.u32 $0x7FFFFE00, v19;
	v7 =	vand.u32 $0x7F, v18  }
0x3c: {  	v20 =	vor.u32 v8, v7;
	[tilespmem:v4+s10+$0x0] =	vst.idx.msk $0xffff, v6  }
0x3d: {  	v4 =	vor.u32 v2, v20;
	v5 =	vld.idx.msk [tilespmem:v5+s1+$0x0], $0xffff;
	_ =	sdelay $0x4  }
0x3e: {  	[tilespmem:v4+s10+$0x0] =	vst.idx.msk $0xffff, v5  }
0x3f: {  	v4 =	vld [tilespmem:s14+$0xFFFFFFD0];
	_ =	sdelay $0x4  }
0x40: {  	s26 =	sor.u32 $0x60, s17;
	v4 =	vshll.u32 v4, $0x4  }
0x41: {  	v21 =	vadd.s32 s26, v0  }
0x42: {  	v22 =	vshll.u32 v21, $0x2  }
0x43: {  	v6 =	vand.u32 $0x7FFFFE00, v22;
	v5 =	vand.u32 $0x7E, v21  }
0x44: {  	v5 =	vor.u32 v6, v5  }
0x45: {  	v5 =	vor.u32 v2, v5;
	v23 =	vld.idx.msk [tilespmem:v4+s1+$0x0], $0xffff  }
0x46: {  	s28 =	sor.u32 $0x61, s17;
	v24 =	vor.u32 $0x1, v4  }
0x47: {  	v25 =	vadd.s32 s28, v0  }
0x48: {  	v26 =	vshll.u32 v25, $0x2  }
0x49: {  	v9 =	vand.u32 $0x7FFFFE00, v26;
	v8 =	vand.u32 $0x7F, v25  }
0x4a: {  	v27 =	vor.u32 v9, v8;
	[tilespmem:v5+s10+$0x0] =	vst.idx.msk $0xffff, v23  }
0x4b: {  	v5 =	vor.u32 v2, v27;
	v6 =	vld.idx.msk [tilespmem:v24+s1+$0x0], $0xffff  }
0x4c: {  	s29 =	sor.u32 $0x62, s17;
	v28 =	vor.u32 $0x2, v4  }
0x4d: {  	v29 =	vadd.s32 s29, v0  }
0x4e: {  	v30 =	vshll.u32 v29, $0x2  }
0x4f: {  	v8 =	vand.u32 $0x7E, v29;
	v9 =	vand.u32 $0x7FFFFE00, v30  }
0x50: {  	v31 =	vor.u32 v9, v8;
	[tilespmem:v5+s10+$0x0] =	vst.idx.msk $0xffff, v6  }
0x51: {  	v5 =	vor.u32 v2, v31;
	v6 =	vld.idx.msk [tilespmem:v28+s1+$0x0], $0xffff  }
0x52: {  	s30 =	sor.u32 $0x63, s17;
	v32 =	vor.u32 $0x3, v4  }
0x53: {  	v33 =	vadd.s32 s30, v0  }
0x54: {  	v34 =	vshll.u32 v33, $0x2  }
0x55: {  	v8 =	vand.u32 $0x7F, v33;
	v9 =	vand.u32 $0x7FFFFE00, v34  }
0x56: {  	v35 =	vor.u32 v9, v8;
	[tilespmem:v5+s10+$0x0] =	vst.idx.msk $0xffff, v6  }
0x57: {  	v5 =	vor.u32 v2, v35;
	v6 =	vld.idx.msk [tilespmem:v32+s1+$0x0], $0xffff  }
0x58: {  	s31 =	sor.u32 $0x64, s17;
	v36 =	vor.u32 $0x4, v4  }
0x59: {  	v37 =	vadd.s32 s31, v0  }
0x5a: {  	v38 =	vshll.u32 v37, $0x2  }
0x5b: {  	v8 =	vand.u32 $0x7E, v37;
	v9 =	vand.u32 $0x7FFFFE00, v38  }
0x5c: {  	v39 =	vor.u32 v9, v8;
	[tilespmem:v5+s10+$0x0] =	vst.idx.msk $0xffff, v6  }
0x5d: {  	v5 =	vor.u32 v2, v39;
	v6 =	vld.idx.msk [tilespmem:v36+s1+$0x0], $0xffff  }
0x5e: {  	s19 =	sor.u32 $0x65, s17;
	v4 =	vor.u32 $0x5, v4  }
0x5f: {  	v40 =	vadd.s32 s19, v0  }
0x60: {  	v41 =	vshll.u32 v40, $0x2  }
0x61: {  	v7 =	vand.u32 $0x7F, v40;
	v8 =	vand.u32 $0x7FFFFE00, v41  }
0x62: {  	v42 =	vor.u32 v8, v7;
	[tilespmem:v5+s10+$0x0] =	vst.idx.msk $0xffff, v6  }
0x63: {  	v5 =	vor.u32 v2, v42;
	v4 =	vld.idx.msk [tilespmem:v4+s1+$0x0], $0xffff;
	_ =	sdelay $0x4  }
0x64: {  	[tilespmem:v5+s10+$0x0] =	vst.idx.msk $0xffff, v4  }
0x65: {  	v4 =	vld [tilespmem:s14+$0xFFFFFFE0];
	_ =	sdelay $0x4  }
0x66: {  	s20 =	sor.u32 $0xC0, s17;
	v4 =	vshll.u32 v4, $0x4  }
0x67: {  	v43 =	vadd.s32 s20, v0  }
0x68: {  	v44 =	vshll.u32 v43, $0x2  }
0x69: {  	v6 =	vand.u32 $0x7FFFFE00, v44;
	v5 =	vand.u32 $0x7E, v43  }
0x6a: {  	v5 =	vor.u32 v6, v5  }
0x6b: {  	v5 =	vor.u32 v2, v5;
	v45 =	vld.idx.msk [tilespmem:v4+s1+$0x0], $0xffff  }
0x6c: {  	s21 =	sor.u32 $0xC1, s17;
	v46 =	vor.u32 $0x1, v4  }
0x6d: {  	v47 =	vadd.s32 s21, v0  }
0x6e: {  	v48 =	vshll.u32 v47, $0x2  }
0x6f: {  	v9 =	vand.u32 $0x7FFFFE00, v48;
	v8 =	vand.u32 $0x7F, v47  }
0x70: {  	v49 =	vor.u32 v9, v8;
	[tilespmem:v5+s10+$0x0] =	vst.idx.msk $0xffff, v45  }
0x71: {  	v5 =	vor.u32 v2, v49;
	v6 =	vld.idx.msk [tilespmem:v46+s1+$0x0], $0xffff  }
0x72: {  	s22 =	sor.u32 $0xC2, s17;
	v50 =	vor.u32 $0x2, v4  }
0x73: {  	v51 =	vadd.s32 s22, v0  }
0x74: {  	v52 =	vshll.u32 v51, $0x2  }
0x75: {  	v8 =	vand.u32 $0x7E, v51;
	v9 =	vand.u32 $0x7FFFFE00, v52  }
0x76: {  	v53 =	vor.u32 v9, v8;
	[tilespmem:v5+s10+$0x0] =	vst.idx.msk $0xffff, v6  }
0x77: {  	v5 =	vor.u32 v2, v53;
	v6 =	vld.idx.msk [tilespmem:v50+s1+$0x0], $0xffff  }
0x78: {  	s23 =	sor.u32 $0xC3, s17;
	v54 =	vor.u32 $0x3, v4  }
0x79: {  	v55 =	vadd.s32 s23, v0  }
0x7a: {  	v56 =	vshll.u32 v55, $0x2  }
0x7b: {  	v8 =	vand.u32 $0x7F, v55;
	v9 =	vand.u32 $0x7FFFFE00, v56  }
0x7c: {  	v57 =	vor.u32 v9, v8;
	[tilespmem:v5+s10+$0x0] =	vst.idx.msk $0xffff, v6  }
0x7d: {  	v5 =	vor.u32 v2, v57;
	v6 =	vld.idx.msk [tilespmem:v54+s1+$0x0], $0xffff  }
0x7e: {  	s24 =	sor.u32 $0xC4, s17;
	v58 =	vor.u32 $0x4, v4  }
0x7f: {  	v59 =	vadd.s32 s24, v0  }
0x80: {  	v60 =	vshll.u32 v59, $0x2  }
0x81: {  	v8 =	vand.u32 $0x7E, v59;
	v9 =	vand.u32 $0x7FFFFE00, v60  }
0x82: {  	v61 =	vor.u32 v9, v8;
	[tilespmem:v5+s10+$0x0] =	vst.idx.msk $0xffff, v6  }
0x83: {  	v5 =	vor.u32 v2, v61;
	v6 =	vld.idx.msk [tilespmem:v58+s1+$0x0], $0xffff  }
0x84: {  	s25 =	sor.u32 $0xC5, s17;
	v4 =	vor.u32 $0x5, v4  }
0x85: {  	v62 =	vadd.s32 s25, v0  }
0x86: {  	v63 =	vshll.u32 v62, $0x2  }
0x87: {  	v7 =	vand.u32 $0x7F, v62;
	v8 =	vand.u32 $0x7FFFFE00, v63  }
0x88: {  	v11 =	vor.u32 v8, v7;
	[tilespmem:v5+s10+$0x0] =	vst.idx.msk $0xffff, v6  }
0x89: {  	v5 =	vor.u32 v2, v11;
	v4 =	vld.idx.msk [tilespmem:v4+s1+$0x0], $0xffff;
	_ =	sdelay $0x4  }
0x8a: {  	[tilespmem:v5+s10+$0x0] =	vst.idx.msk $0xffff, v4  }
0x8b: {  	v4 =	vld [tilespmem:s14+$0xFFFFFFF0];
	_ =	sdelay $0x4  }
0x8c: {  	s26 =	sadd.s32 $0x120, s17;
	v4 =	vshll.u32 v4, $0x4  }
0x8d: {  	v12 =	vadd.s32 s26, v0  }
0x8e: {  	v13 =	vshll.u32 v12, $0x2  }
0x8f: {  	v6 =	vand.u32 $0x7FFFFE00, v13;
	v5 =	vand.u32 $0x7E, v12  }
0x90: {  	v5 =	vor.u32 v6, v5  }
0x91: {  	v5 =	vor.u32 v2, v5;
	v14 =	vld.idx.msk [tilespmem:v4+s1+$0x0], $0xffff  }
0x92: {  	s28 =	sadd.s32 $0x121, s17;
	v15 =	vor.u32 $0x1, v4  }
0x93: {  	v16 =	vadd.s32 s28, v0  }
0x94: {  	v17 =	vshll.u32 v16, $0x2  }
0x95: {  	v8 =	vand.u32 $0x7F, v16;
	v9 =	vand.u32 $0x7FFFFE00, v17  }
0x96: {  	v18 =	vor.u32 v9, v8;
	[tilespmem:v5+s10+$0x0] =	vst.idx.msk $0xffff, v14  }
0x97: {  	v5 =	vor.u32 v2, v18;
	v6 =	vld.idx.msk [tilespmem:v15+s1+$0x0], $0xffff  }
0x98: {  	s29 =	sadd.s32 $0x122, s17;
	v19 =	vor.u32 $0x2, v4  }
0x99: {  	v20 =	vadd.s32 s29, v0  }
0x9a: {  	v21 =	vshll.u32 v20, $0x2  }
0x9b: {  	v8 =	vand.u32 $0x7E, v20;
	v9 =	vand.u32 $0x7FFFFE00, v21  }
0x9c: {  	v22 =	vor.u32 v9, v8;
	[tilespmem:v5+s10+$0x0] =	vst.idx.msk $0xffff, v6  }
0x9d: {  	v5 =	vor.u32 v2, v22;
	v6 =	vld.idx.msk [tilespmem:v19+s1+$0x0], $0xffff  }
0x9e: {  	s30 =	sadd.s32 $0x123, s17;
	v23 =	vor.u32 $0x3, v4  }
0x9f: {  	v24 =	vadd.s32 s30, v0  }
0xa0: {  	v25 =	vshll.u32 v24, $0x2  }
0xa1: {  	v8 =	vand.u32 $0x7F, v24;
	v9 =	vand.u32 $0x7FFFFE00, v25  }
0xa2: {  	v26 =	vor.u32 v9, v8;
	[tilespmem:v5+s10+$0x0] =	vst.idx.msk $0xffff, v6  }
0xa3: {  	v5 =	vor.u32 v2, v26;
	v6 =	vld.idx.msk [tilespmem:v23+s1+$0x0], $0xffff  }
0xa4: {  	s31 =	sadd.s32 $0x124, s17;
	v27 =	vor.u32 $0x4, v4  }
0xa5: {  	v28 =	vadd.s32 s31, v0  }
0xa6: {  	v29 =	vshll.u32 v28, $0x2  }
0xa7: {  	v8 =	vand.u32 $0x7E, v28;
	v9 =	vand.u32 $0x7FFFFE00, v29  }
0xa8: {  	v30 =	vor.u32 v9, v8;
	[tilespmem:v5+s10+$0x0] =	vst.idx.msk $0xffff, v6  }
0xa9: {  	v5 =	vor.u32 v2, v30;
	v6 =	vld.idx.msk [tilespmem:v27+s1+$0x0], $0xffff  }
0xaa: {  	s19 =	sadd.s32 $0x125, s17;
	v4 =	vor.u32 $0x5, v4  }
0xab: {  	v31 =	vadd.s32 s19, v0  }
0xac: {  	v32 =	vshll.u32 v31, $0x2  }
0xad: {  	v7 =	vand.u32 $0x7F, v31;
	v8 =	vand.u32 $0x7FFFFE00, v32  }
0xae: {  	v33 =	vor.u32 v8, v7;
	[tilespmem:v5+s10+$0x0] =	vst.idx.msk $0xffff, v6  }
0xaf: {  	v5 =	vor.u32 v2, v33;
	v4 =	vld.idx.msk [tilespmem:v4+s1+$0x0], $0xffff;
	_ =	sdelay $0x4  }
0xb0: {  	[tilespmem:v5+s10+$0x0] =	vst.idx.msk $0xffff, v4  }
0xb1: {  	v4 =	vld [tilespmem:s14+$0x0];
	_ =	sdelay $0x3  }
0xb2: {  	s20 =	sadd.s32 $0x180, s17  }
0xb3: {  	v34 =	vmov s20;
	v4 =	vshll.u32 v4, $0x4  }
0xb4: {  	v5 =	vshll.u32 v34, $0x2  }
0xb5: {  	v3 =	vor.u32 v3, v5  }
0xb6: {  	v3 =	vbroadcast v3, $0x0;
	_ =	sdelay $0x1  }
0xb7: {  	v3 =	vadd.s32 v0, v3;
	v35 =	vld.idx.msk [tilespmem:v4+s1+$0x0], $0xffff  }
0xb8: {  	s21 =	sadd.s32 $0x181, s17;
	v36 =	vor.u32 $0x1, v4  }
0xb9: {  	v37 =	vmov s21  }
0xba: {  	v38 =	vor.u32 s21, v0;
	v7 =	vshll.u32 v37, $0x2  }
0xbb: {  	v8 =	vand.u32 $0x7F, v38;
	v7 =	vand.u32 $0x7FFFFE00, v7  }
0xbc: {  	[tilespmem:v3+s10+$0x0] =	vst.idx.msk $0xffff, v35;
	v3 =	vor.u32 v7, v8  }
0xbd: {  	v5 =	vld.idx.msk [tilespmem:v36+s1+$0x0], $0xffff;
	v3 =	vor.u32 v2, v3  }
0xbe: {  	s22 =	sadd.s32 $0x182, s17;
	v39 =	vor.u32 $0x2, v4  }
0xbf: {  	v40 =	vadd.s32 s22, v0  }
0xc0: {  	v41 =	vshll.u32 v40, $0x2  }
0xc1: {  	v7 =	vand.u32 $0x7E, v40;
	v8 =	vand.u32 $0x7FFFFE00, v41  }
0xc2: {  	[tilespmem:v3+s10+$0x0] =	vst.idx.msk $0xffff, v5;
	v3 =	vor.u32 v8, v7  }
0xc3: {  	v5 =	vld.idx.msk [tilespmem:v39+s1+$0x0], $0xffff;
	v3 =	vor.u32 v2, v3  }
0xc4: {  	s23 =	sadd.s32 $0x183, s17;
	v42 =	vor.u32 $0x3, v4  }
0xc5: {  	v43 =	vadd.s32 s23, v0  }
0xc6: {  	v44 =	vshll.u32 v43, $0x2  }
0xc7: {  	v7 =	vand.u32 $0x7F, v43;
	v8 =	vand.u32 $0x7FFFFE00, v44  }
0xc8: {  	[tilespmem:v3+s10+$0x0] =	vst.idx.msk $0xffff, v5;
	v3 =	vor.u32 v8, v7  }
0xc9: {  	v5 =	vld.idx.msk [tilespmem:v42+s1+$0x0], $0xffff;
	v3 =	vor.u32 v2, v3  }
0xca: {  	s24 =	sadd.s32 $0x184, s17;
	v45 =	vor.u32 $0x4, v4  }
0xcb: {  	v46 =	vadd.s32 s24, v0  }
0xcc: {  	v47 =	vshll.u32 v46, $0x2  }
0xcd: {  	v7 =	vand.u32 $0x7E, v46;
	v8 =	vand.u32 $0x7FFFFE00, v47  }
0xce: {  	[tilespmem:v3+s10+$0x0] =	vst.idx.msk $0xffff, v5;
	v3 =	vor.u32 v8, v7  }
0xcf: {  	v5 =	vld.idx.msk [tilespmem:v45+s1+$0x0], $0xffff;
	v3 =	vor.u32 v2, v3  }
0xd0: {  	s25 =	sadd.s32 $0x185, s17;
	v4 =	vor.u32 $0x5, v4  }
0xd1: {  	v48 =	vadd.s32 s25, v0  }
0xd2: {  	v49 =	vshll.u32 v48, $0x2  }
0xd3: {  	v6 =	vand.u32 $0x7F, v48;
	v7 =	vand.u32 $0x7FFFFE00, v49  }
0xd4: {  	[tilespmem:v3+s10+$0x0] =	vst.idx.msk $0xffff, v5;
	v3 =	vor.u32 v7, v6  }
0xd5: {  	v4 =	vld.idx.msk [tilespmem:v4+s1+$0x0], $0xffff;
	v3 =	vor.u32 v2, v3;
	_ =	sdelay $0x4  }
0xd6: {  	[tilespmem:v3+s10+$0x0] =	vst.idx.msk $0xffff, v4  }
0xd7: {  	v3 =	vld [tilespmem:s14+$0x10];
	_ =	sdelay $0x4  }
0xd8: {  	s26 =	sadd.s32 $0x1E0, s17;
	v3 =	vshll.u32 v3, $0x4  }
0xd9: {  	v50 =	vadd.s32 s26, v0  }
0xda: {  	v51 =	vshll.u32 v50, $0x2  }
0xdb: {  	v5 =	vand.u32 $0x7FFFFE00, v51;
	v4 =	vand.u32 $0x7E, v50  }
0xdc: {  	v4 =	vor.u32 v5, v4  }
0xdd: {  	v4 =	vor.u32 v2, v4;
	v52 =	vld.idx.msk [tilespmem:v3+s1+$0x0], $0xffff  }
0xde: {  	s28 =	sadd.s32 $0x1E1, s17;
	v53 =	vor.u32 $0x1, v3  }
0xdf: {  	v54 =	vadd.s32 s28, v0  }
0xe0: {  	v55 =	vshll.u32 v54, $0x2  }
0xe1: {  	v8 =	vand.u32 $0x7FFFFE00, v55;
	v7 =	vand.u32 $0x7F, v54  }
0xe2: {  	v56 =	vor.u32 v8, v7;
	[tilespmem:v4+s10+$0x0] =	vst.idx.msk $0xffff, v52  }
0xe3: {  	v4 =	vor.u32 v2, v56;
	v5 =	vld.idx.msk [tilespmem:v53+s1+$0x0], $0xffff  }
0xe4: {  	s29 =	sadd.s32 $0x1E2, s17;
	v57 =	vor.u32 $0x2, v3  }
0xe5: {  	v58 =	vadd.s32 s29, v0  }
0xe6: {  	v59 =	vshll.u32 v58, $0x2  }
0xe7: {  	v7 =	vand.u32 $0x7E, v58;
	v8 =	vand.u32 $0x7FFFFE00, v59  }
0xe8: {  	v60 =	vor.u32 v8, v7;
	[tilespmem:v4+s10+$0x0] =	vst.idx.msk $0xffff, v5  }
0xe9: {  	v4 =	vor.u32 v2, v60;
	v5 =	vld.idx.msk [tilespmem:v57+s1+$0x0], $0xffff  }
0xea: {  	s30 =	sadd.s32 $0x1E3, s17;
	v61 =	vor.u32 $0x3, v3  }
0xeb: {  	v62 =	vadd.s32 s30, v0  }
0xec: {  	v63 =	vshll.u32 v62, $0x2  }
0xed: {  	v7 =	vand.u32 $0x7F, v62;
	v8 =	vand.u32 $0x7FFFFE00, v63  }
0xee: {  	v12 =	vor.u32 v8, v7;
	[tilespmem:v4+s10+$0x0] =	vst.idx.msk $0xffff, v5  }
0xef: {  	v4 =	vor.u32 v2, v12;
	v5 =	vld.idx.msk [tilespmem:v61+s1+$0x0], $0xffff  }
0xf0: {  	s31 =	sadd.s32 $0x1E4, s17;
	v13 =	vor.u32 $0x4, v3  }
0xf1: {  	v14 =	vadd.s32 s31, v0  }
0xf2: {  	v15 =	vshll.u32 v14, $0x2  }
0xf3: {  	v7 =	vand.u32 $0x7E, v14;
	v8 =	vand.u32 $0x7FFFFE00, v15  }
0xf4: {  	v16 =	vor.u32 v8, v7;
	[tilespmem:v4+s10+$0x0] =	vst.idx.msk $0xffff, v5  }
0xf5: {  	v4 =	vor.u32 v2, v16;
	v5 =	vld.idx.msk [tilespmem:v13+s1+$0x0], $0xffff  }
0xf6: {  	s19 =	sadd.s32 $0x1E5, s17;
	v3 =	vor.u32 $0x5, v3  }
0xf7: {  	v17 =	vadd.s32 s19, v0  }
0xf8: {  	v18 =	vshll.u32 v17, $0x2  }
0xf9: {  	v6 =	vand.u32 $0x7F, v17;
	v7 =	vand.u32 $0x7FFFFE00, v18  }
0xfa: {  	v19 =	vor.u32 v7, v6;
	[tilespmem:v4+s10+$0x0] =	vst.idx.msk $0xffff, v5  }
0xfb: {  	v4 =	vor.u32 v2, v19;
	v3 =	vld.idx.msk [tilespmem:v3+s1+$0x0], $0xffff;
	_ =	sdelay $0x4  }
0xfc: {  	[tilespmem:v4+s10+$0x0] =	vst.idx.msk $0xffff, v3  }
0xfd: {  	v3 =	vld [tilespmem:s14+$0x20];
	_ =	sdelay $0x4  }
0xfe: {  	s20 =	sadd.s32 $0x240, s17;
	v3 =	vshll.u32 v3, $0x4  }
0xff: {  	v20 =	vadd.s32 s20, v0  }
0x100: {  	v21 =	vshll.u32 v20, $0x2  }
0x101: {  	v5 =	vand.u32 $0x7FFFFE00, v21;
	v4 =	vand.u32 $0x7E, v20  }
0x102: {  	v4 =	vor.u32 v5, v4  }
0x103: {  	v4 =	vor.u32 v2, v4;
	v22 =	vld.idx.msk [tilespmem:v3+s1+$0x0], $0xffff  }
0x104: {  	s21 =	sadd.s32 $0x241, s17;
	v23 =	vor.u32 $0x1, v3  }
0x105: {  	v24 =	vadd.s32 s21, v0  }
0x106: {  	v25 =	vshll.u32 v24, $0x2  }
0x107: {  	v8 =	vand.u32 $0x7FFFFE00, v25;
	v7 =	vand.u32 $0x7F, v24  }
0x108: {  	v26 =	vor.u32 v8, v7;
	[tilespmem:v4+s10+$0x0] =	vst.idx.msk $0xffff, v22  }
0x109: {  	v4 =	vor.u32 v2, v26;
	v5 =	vld.idx.msk [tilespmem:v23+s1+$0x0], $0xffff  }
0x10a: {  	s22 =	sadd.s32 $0x242, s17;
	v27 =	vor.u32 $0x2, v3  }
0x10b: {  	v28 =	vadd.s32 s22, v0  }
0x10c: {  	v29 =	vshll.u32 v28, $0x2  }
0x10d: {  	v7 =	vand.u32 $0x7E, v28;
	v8 =	vand.u32 $0x7FFFFE00, v29  }
0x10e: {  	v30 =	vor.u32 v8, v7;
	[tilespmem:v4+s10+$0x0] =	vst.idx.msk $0xffff, v5  }
0x10f: {  	v4 =	vor.u32 v2, v30;
	v5 =	vld.idx.msk [tilespmem:v27+s1+$0x0], $0xffff  }
0x110: {  	s23 =	sadd.s32 $0x243, s17;
	v31 =	vor.u32 $0x3, v3  }
0x111: {  	v32 =	vadd.s32 s23, v0  }
0x112: {  	v33 =	vshll.u32 v32, $0x2  }
0x113: {  	v7 =	vand.u32 $0x7F, v32;
	v8 =	vand.u32 $0x7FFFFE00, v33  }
0x114: {  	v34 =	vor.u32 v8, v7;
	[tilespmem:v4+s10+$0x0] =	vst.idx.msk $0xffff, v5  }
0x115: {  	v4 =	vor.u32 v2, v34;
	v5 =	vld.idx.msk [tilespmem:v31+s1+$0x0], $0xffff  }
0x116: {  	s24 =	sadd.s32 $0x244, s17;
	v35 =	vor.u32 $0x4, v3  }
0x117: {  	v36 =	vadd.s32 s24, v0  }
0x118: {  	v37 =	vshll.u32 v36, $0x2  }
0x119: {  	v7 =	vand.u32 $0x7E, v36;
	v8 =	vand.u32 $0x7FFFFE00, v37  }
0x11a: {  	v38 =	vor.u32 v8, v7;
	[tilespmem:v4+s10+$0x0] =	vst.idx.msk $0xffff, v5  }
0x11b: {  	v4 =	vor.u32 v2, v38;
	v5 =	vld.idx.msk [tilespmem:v35+s1+$0x0], $0xffff  }
0x11c: {  	s25 =	sadd.s32 $0x245, s17;
	v3 =	vor.u32 $0x5, v3  }
0x11d: {  	v39 =	vadd.s32 s25, v0  }
0x11e: {  	v40 =	vshll.u32 v39, $0x2  }
0x11f: {  	v6 =	vand.u32 $0x7F, v39;
	v7 =	vand.u32 $0x7FFFFE00, v40  }
0x120: {  	v41 =	vor.u32 v7, v6;
	[tilespmem:v4+s10+$0x0] =	vst.idx.msk $0xffff, v5  }
0x121: {  	v4 =	vor.u32 v2, v41;
	v3 =	vld.idx.msk [tilespmem:v3+s1+$0x0], $0xffff;
	_ =	sdelay $0x4  }
0x122: {  	[tilespmem:v4+s10+$0x0] =	vst.idx.msk $0xffff, v3  }
0x123: {  	v3 =	vld [tilespmem:s14+$0x30];
	_ =	sdelay $0x4  }
0x124: {  	s26 =	sadd.s32 $0x2A0, s17;
	v3 =	vshll.u32 v3, $0x4  }
0x125: {  	v42 =	vadd.s32 s26, v0  }
0x126: {  	v43 =	vshll.u32 v42, $0x2  }
0x127: {  	v5 =	vand.u32 $0x7FFFFE00, v43;
	v4 =	vand.u32 $0x7E, v42  }
0x128: {  	v4 =	vor.u32 v5, v4  }
0x129: {  	v4 =	vor.u32 v2, v4;
	v44 =	vld.idx.msk [tilespmem:v3+s1+$0x0], $0xffff  }
0x12a: {  	s28 =	sadd.s32 $0x2A1, s17;
	v45 =	vor.u32 $0x1, v3  }
0x12b: {  	v46 =	vadd.s32 s28, v0  }
0x12c: {  	v47 =	vshll.u32 v46, $0x2  }
0x12d: {  	v8 =	vand.u32 $0x7FFFFE00, v47;
	v7 =	vand.u32 $0x7F, v46  }
0x12e: {  	v48 =	vor.u32 v8, v7;
	[tilespmem:v4+s10+$0x0] =	vst.idx.msk $0xffff, v44  }
0x12f: {  	v4 =	vor.u32 v2, v48;
	v5 =	vld.idx.msk [tilespmem:v45+s1+$0x0], $0xffff  }
0x130: {  	s29 =	sadd.s32 $0x2A2, s17;
	v49 =	vor.u32 $0x2, v3  }
0x131: {  	v50 =	vadd.s32 s29, v0  }
0x132: {  	v51 =	vshll.u32 v50, $0x2  }
0x133: {  	v7 =	vand.u32 $0x7E, v50;
	v8 =	vand.u32 $0x7FFFFE00, v51  }
0x134: {  	v52 =	vor.u32 v8, v7;
	[tilespmem:v4+s10+$0x0] =	vst.idx.msk $0xffff, v5  }
0x135: {  	v4 =	vor.u32 v2, v52;
	v5 =	vld.idx.msk [tilespmem:v49+s1+$0x0], $0xffff  }
0x136: {  	s30 =	sadd.s32 $0x2A3, s17;
	v53 =	vor.u32 $0x3, v3  }
0x137: {  	v54 =	vadd.s32 s30, v0  }
0x138: {  	v55 =	vshll.u32 v54, $0x2  }
0x139: {  	v7 =	vand.u32 $0x7F, v54;
	v8 =	vand.u32 $0x7FFFFE00, v55  }
0x13a: {  	v56 =	vor.u32 v8, v7;
	[tilespmem:v4+s10+$0x0] =	vst.idx.msk $0xffff, v5  }
0x13b: {  	v4 =	vor.u32 v2, v56;
	v5 =	vld.idx.msk [tilespmem:v53+s1+$0x0], $0xffff  }
0x13c: {  	s31 =	sadd.s32 $0x2A4, s17;
	v57 =	vor.u32 $0x4, v3  }
0x13d: {  	v58 =	vadd.s32 s31, v0  }
0x13e: {  	v59 =	vshll.u32 v58, $0x2  }
0x13f: {  	v7 =	vand.u32 $0x7E, v58;
	v8 =	vand.u32 $0x7FFFFE00, v59  }
0x140: {  	v60 =	vor.u32 v8, v7;
	[tilespmem:v4+s10+$0x0] =	vst.idx.msk $0xffff, v5  }
0x141: {  	v4 =	vor.u32 v2, v60;
	v5 =	vld.idx.msk [tilespmem:v57+s1+$0x0], $0xffff  }
0x142: {  	s17 =	sadd.s32 $0x2A5, s17;
	v3 =	vor.u32 $0x5, v3  }
0x143: {  	v61 =	vadd.s32 s17, v0  }
0x144: {  	v62 =	vshll.u32 v61, $0x2  }
0x145: {  	v6 =	vand.u32 $0x7F, v61;
	v7 =	vand.u32 $0x7FFFFE00, v62  }
0x146: {  	v63 =	vor.u32 v7, v6;
	[tilespmem:v4+s10+$0x0] =	vst.idx.msk $0xffff, v5  }
0x147: {  	p0 =	sne.s32 s16, $0x7;
	v2 =	vor.u32 v2, v63;
	v3 =	vld.idx.msk [tilespmem:v3+s1+$0x0], $0xffff  }
.Ltmp0:
0x148: {  	_ = 	snop;
	(pc) =	sbr.rel @p0 .LBB2_2-.Ltmp0, $2  }
0x149: {  	_ =	sdelay $0x2  }
0x14a: {  	s15 =	sadd.s32 $0x80, s15;
	s16 =	sadd.s32 $0x1, s16;
	s14 =	sadd.s32 $0x80, s14;
	[tilespmem:v2+s10+$0x0] =	vst.idx.msk $0xffff, v3  }
0x14b: {  	s13 =	sadd.s32 $0x1, s13  }
0x14c: {  	p0 =	sne.s32 s13, s6  }
.Ltmp1:
0x14d: {  	_ = 	snop;
	(pc) =	sbr.rel @p0 .LBB2_1-.Ltmp1, $4  }
0x14e: {  	[hbm4b:s5+s11] =	stream.strided.scatter [tilespmem:s10], [sflag:$0x2], $0x1800, s12, s11, $0x38;
	[tilespmem:$0x11C00] =	vst v63  }
0x14f: {  	_ =	swait.ge [sflag:s8], $0x1800  }
0x150: {  	[sflag:s8] =	ssyncset.done $0x0  }
0x151: {  	[sflag:s8] =	ssyncadd.s32 $0xFFFFE800  }
0x152: {  	_ =	sfence.sel $0x180000  }
0x153: {  	[bflag:$0x0] =	sbarrier.arrive $0xFFFF  }
0x154: {  	p0 =	sne.s32 s2, $0x0;
	_ =	strace $0x90000047  }
0x155: {  	s0 =	sadd.s32 @!p0 $0x100000, s0;
	[bflag:$0x2] =	sbarrier.arrive $0xFFFF  }
0x156: {  	[sflag:s0] =	ssyncadd.tile.s32 @!p0 $0x1;
	_ =	shalt  }
.Lfunc_end2:
_tile_overlayer_lowered:
.L_overlay_start_2:
0x157: {  	(tag) =	ssettag $0x2  }
0x158: {  	s0 =	rddreg [dreg:$0x0];
	s2 =	stileid.u32  }
0x159: {  	s1 =	rddreg [dreg:$0x1];
	p0 =	sne.s32 s2, $0x0  }
0x15a: {  	s3 =	rddreg [dreg:$0x2];
	[bflag:$0x3] =	sbarrier.arrive $0xFFFF;
	s2 =	simm.s32 @!p0 $0x1C02  }
0x15b: {  	[timem:s3], [sflag:s2] =	dma.local @!p0 [hbm:s0], s1  }
0x15c: {  	s0 =	simm.s32 @!p0 $0x2  }
0x15d: {  	_ =	swait.ge @!p0 [sflag:s0], s1  }
0x15e: {  	s1 =	ssub.s32 @!p0 $0x0, s1;
	[sflag:s0] =	ssyncset.done @!p0 $0x0  }
0x15f: {  	[sflag:s0] =	ssyncadd.s32 @!p0 s1  }
0x160: {  	[bflag:$0x3] =	sbarrier.arrive $0xFFFF  }
0x161: {  	_ =	shalt  }

</sc_bundles>
